<compile_context>
chip_gen: v7x
topology: tpu7x:2x2x1
jax: 0.10.2.dev20260603
libtpu: 0.0.44.dev20260713+nightly
codegen_flags: <defaults>
</compile_context>

<pallas_src>
import dataclasses
import functools

import jax
import jax.numpy as jnp
from jax import lax
from jax.experimental import pallas as pl
from jax.experimental.pallas import tpu as pltpu
from jax.experimental.pallas import tpu_sc as plsc

_I32_MIN = -(2**31)
_KEY_HI = 0x7F800001
_ONE_BITS = 0x3F800000
_BB = 8
_CHUNK = 128
_NCH = 782
_NCH_PAD = 784
_CAP_CH = 160
_CAND_CAP = 1024
_NEG_INF = float("-inf")


def _keys(x):
    b = lax.bitcast_convert_type(x, jnp.int32)
    return jnp.where(b >= 0, b, b ^ jnp.int32(0x7FFFFFFF))


def _prep_block(x_ref, xg_ref, cm_ref, m_ref, tc_ref):
    x = x_ref[...]
    bb, v = x.shape
    xpad = jnp.concatenate(
        [x, jnp.full((bb, _NCH * _CHUNK - v), _NEG_INF, jnp.float32)], axis=1)
    xch = xpad.reshape(bb * _NCH, _CHUNK)
    xg_ref[...] = xch
    cm_main = jnp.max(xpad.reshape(bb, _NCH, _CHUNK), axis=-1)
    pad = jnp.full((bb, _NCH_PAD - _NCH), _NEG_INF, jnp.float32)
    cm = jnp.concatenate([cm_main, pad], axis=1)
    m = jnp.max(cm, axis=1, keepdims=True)

    kcm = _keys(cm)

    def _step(_, carry):
        lo, hi = carry
        mid = (lo >> 1) + (hi >> 1) + (lo & hi & 1)
        cnt = jnp.sum((kcm >= mid).astype(jnp.int32), axis=1, keepdims=True)
        pred = cnt >= 128
        return jnp.where(pred, mid, lo), jnp.where(pred, hi, mid)

    lo0 = jnp.full((bb, 1), _I32_MIN, jnp.int32)
    hi0 = jnp.full((bb, 1), _KEY_HI, jnp.int32)
    kstar, _ = lax.fori_loop(0, 32, _step, (lo0, hi0))
    tc_bits = jnp.where(kstar >= 0, kstar, kstar ^ jnp.int32(0x7FFFFFFF))
    t_c = lax.bitcast_convert_type(tc_bits, jnp.float32)

    cm_ref[...] = cm
    m_ref[...] = jnp.broadcast_to(m, m_ref.shape)
    tc_ref[...] = jnp.broadcast_to(t_c, tc_ref.shape)


def _emit_block(x_ref, cut_ref, ic_ref, z3_ref, m_ref, probs_ref):
    x = x_ref[...]
    bb, v = x.shape
    cut = cut_ref[:, 0:1]
    ic = ic_ref[:, 0:1]
    inv = 1.0 / z3_ref[:, 0:1]
    m = m_ref[:, 0:1]
    ids = lax.broadcasted_iota(jnp.int32, (bb, v), 1)
    keep = (x > cut) | ((x == cut) & (ids >= ic))
    probs_ref[...] = jnp.where(keep, jnp.exp(x - m) * inv, 0.0)


def _select_body(xf_ref, cm_ref, m_ref, tcv_ref, p_ref, kk_ref, mp_ref,
                 cut_ref, ic_ref, z3_ref, tok_ref,
                 cm_v, chid_v, gid_v, gat_v, cva_v, cid_v, ksc_v, ev_v,
                 m_v, tcv_v, p_v, kk_v, mp_v, obuf_f, obuf_i, obuf_z, obuf_t, sem):
    nsc = 2
    wid = lax.axis_index("s") * nsc + lax.axis_index("c")
    rows_per = 4
    iota = lax.iota(jnp.int32, 16)

    pltpu.sync_copy(m_ref, m_v)
    pltpu.sync_copy(tcv_ref, tcv_v)
    pltpu.sync_copy(p_ref, p_v)
    pltpu.sync_copy(kk_ref, kk_v)
    pltpu.sync_copy(mp_ref, mp_v)

    def _row(r4, _):
        row = wid * rows_per + r4
        pltpu.sync_copy(cm_ref.at[row], cm_v)
        rowv = jnp.full((16,), row, jnp.int32)
        t_c = plsc.load_gather(tcv_v, [rowv])
        m = plsc.load_gather(m_v, [rowv])
        mp = plsc.load_gather(mp_v, [rowv])
        p = jnp.max(plsc.load_gather(p_v, [rowv]))
        kk = jnp.max(plsc.load_gather(kk_v, [rowv]))

        def _z(i, c):
            chid_v[pl.ds(i * 16, 16)] = jnp.zeros((16,), jnp.int32)
            return c
        lax.fori_loop(0, _CAP_CH // 16 + 1, _z, 0)

        def _compact(i, nact):
            vals = cm_v[pl.ds(i * 16, 16)]
            cids = iota + i * 16
            mask = (vals >= t_c) & (cids < _NCH)
            plsc.store_compressed(chid_v.at[pl.ds(nact, 16)], cids, mask=mask)
            cnt = jnp.sum(mask.astype(jnp.int32))
            return jnp.minimum(nact + cnt, _CAP_CH)
        nact = lax.fori_loop(0, _NCH_PAD // 16, _compact, jnp.int32(0))

        rbase = row * _NCH

        def _mkgid(j, c):
            gid_v[pl.ds(j * 16, 16)] = chid_v[pl.ds(j * 16, 16)] + rbase
            return c
        lax.fori_loop(0, _CAP_CH // 16, _mkgid, 0)
        pltpu.async_copy(xf_ref.at[gid_v], gat_v, sem).wait()

        def _scan(j, nc0):
            ch = plsc.load_gather(chid_v, [jnp.full((16,), j, jnp.int32)])
            for sl in range(8):
                vals = gat_v[j, pl.ds(sl * 16, 16)]
                gidx = ch * _CHUNK + (sl * 16 + iota)
                mask = vals >= t_c
                plsc.store_compressed(cva_v.at[pl.ds(nc0, 16)], vals,
                                      mask=mask)
                plsc.store_compressed(cid_v.at[pl.ds(nc0, 16)], gidx,
                                      mask=mask)
                nc0 = jnp.minimum(nc0 + jnp.sum(mask.astype(jnp.int32)),
                                  _CAND_CAP - 16)
            return nc0
        ncand = lax.fori_loop(0, nact, _scan, jnp.int32(0))

        cva_v[pl.ds(ncand, 16)] = jnp.full((16,), _NEG_INF, jnp.float32)
        cid_v[pl.ds(ncand, 16)] = jnp.full((16,), 2**30, jnp.int32)
        nv = (ncand + 15) >> 4

        def _mkkeys(i, c):
            x = cva_v[pl.ds(i * 16, 16)]
            b = plsc.bitcast(x, jnp.int32)
            ksc_v[pl.ds(i * 16, 16)] = jnp.where(b >= 0, b,
                                                 b ^ jnp.int32(0x7FFFFFFF))
            return c
        lax.fori_loop(0, nv, _mkkeys, 0)

        def _count_ge(mid):
            def _b(i, a):
                return a + jnp.sum((ksc_v[pl.ds(i * 16, 16)] >= mid)
                                   .astype(jnp.int32))
            return lax.fori_loop(0, nv, _b, jnp.int32(0))

        def _tk_cond(carry):
            lo, hi = carry
            return (hi.astype(jnp.float32) - lo.astype(jnp.float32)) > 1.5

        def _tk(carry):
            lo, hi = carry
            mid = (lo >> 1) + (hi >> 1) + (lo & hi & 1)
            pred = _count_ge(mid) >= kk
            return jnp.where(pred, mid, lo), jnp.where(pred, hi, mid)
        kstar, _ = lax.while_loop(_tk_cond, _tk,
                                  (jnp.max(_keys(t_c)),
                                   jnp.max(_keys(m)) + 1))

        def _mkek(i, z):
            x = cva_v[pl.ds(i * 16, 16)]
            ks = ksc_v[pl.ds(i * 16, 16)]
            ek = jnp.where(ks >= kstar, jnp.exp(x - m), 0.0)
            ev_v[pl.ds(i * 16, 16)] = ek
            return z + jnp.sum(ek)
        z1 = lax.fori_loop(0, nv, _mkek, jnp.float32(0.0))
        target = p * z1

        def _mass_gt(mid):
            def _b(i, a):
                ek = ev_v[pl.ds(i * 16, 16)]
                be = plsc.bitcast(ek, jnp.int32)
                return a + jnp.sum(jnp.where(be > mid, ek, 0.0))
            return lax.fori_loop(0, nv, _b, jnp.float32(0.0))

        def _tp_cond(carry):
            lo, hi = carry
            return hi - lo > 1

        def _tp(carry):
            lo, hi = carry
            mid = (lo >> 1) + (hi >> 1) + (lo & hi & 1)
            pred = _mass_gt(mid) < target
            return jnp.where(pred, lo, mid), jnp.where(pred, mid, hi)
        _, kappa = lax.while_loop(_tp_cond, _tp,
                                  (jnp.int32(0), jnp.int32(_ONE_BITS + 1)))
        kappa = jnp.minimum(kappa, jnp.int32(_ONE_BITS))

        def _mb(i, carry):
            mb, wab, ct = carry
            ek = ev_v[pl.ds(i * 16, 16)]
            be = plsc.bitcast(ek, jnp.int32)
            mb = jnp.minimum(mb, jnp.min(jnp.where(be >= kappa, be,
                                                   jnp.int32(0x7FFFFFFF))))
            return mb, wab, ct
        minb, _, _ = lax.fori_loop(0, nv, _mb,
                                   (jnp.int32(0x7FFFFFFF), jnp.float32(0.0),
                                    jnp.int32(0)))

        def _wc(i, carry):
            wab, ct = carry
            ek = ev_v[pl.ds(i * 16, 16)]
            be = plsc.bitcast(ek, jnp.int32)
            wab = wab + jnp.sum(jnp.where(be > minb, ek, 0.0))
            ct = ct + jnp.sum((be == minb).astype(jnp.int32))
            return wab, ct
        wab, cties = lax.fori_loop(0, nv, _wc,
                                   (jnp.float32(0.0), jnp.int32(0)))
        wvalv = lax.bitcast_convert_type(jnp.full((16,), minb), jnp.float32)
        ddv = jnp.full((16,), target - wab) / wvalv
        div = ddv.astype(jnp.int32)
        rv = div + jnp.where(div.astype(jnp.float32) < ddv, 1, 0)
        r = jnp.clip(jnp.max(rv), 1, cties)

        def _ti(_, carry):
            lo, hi = carry
            mid = (lo + hi) >> 1

            def _b(i, a):
                ek = ev_v[pl.ds(i * 16, 16)]
                be = plsc.bitcast(ek, jnp.int32)
                ci = cid_v[pl.ds(i * 16, 16)]
                return a + jnp.sum(((be == minb) & (ci >= mid))
                                   .astype(jnp.int32))
            cnt = lax.fori_loop(0, nv, _b, jnp.int32(0))
            pred = cnt >= r
            return jnp.where(pred, mid, lo), jnp.where(pred, hi, mid)
        istar, _ = lax.fori_loop(0, 17, _ti, (jnp.int32(0), jnp.int32(2**17)))

        def _fin(i, carry):
            z3, vmin, anyt = carry
            ek = ev_v[pl.ds(i * 16, 16)]
            be = plsc.bitcast(ek, jnp.int32)
            ci = cid_v[pl.ds(i * 16, 16)]
            x = cva_v[pl.ds(i * 16, 16)]
            keep = ((be > minb) | ((be == minb) & (ci >= istar))) & (ek >= mp)
            z3 = z3 + jnp.sum(jnp.where(keep, ek, 0.0))
            vmin = jnp.minimum(vmin, jnp.min(jnp.where(keep, x,
                                                       jnp.float32("inf"))))
            anyt = jnp.maximum(anyt, jnp.max(jnp.where(keep & (be == minb),
                                                       1, 0)))
            return z3, vmin, anyt
        z3, vmin, anyt = lax.fori_loop(
            0, nv, _fin, (jnp.float32(0.0), jnp.float32("inf"), jnp.int32(0)))
        icut = jnp.where(anyt > 0, istar, jnp.int32(0))

        def _tok(i, t):
            xv = cva_v[pl.ds(i * 16, 16)]
            ci = cid_v[pl.ds(i * 16, 16)]
            return jnp.minimum(t, jnp.min(jnp.where(xv == m, ci,
                                                    jnp.int32(2**30))))
        tokr = lax.fori_loop(0, nv, _tok, jnp.int32(2**30))

        obuf_f[r4, pl.ds(0, 16)] = jnp.full((16,), 1.0, jnp.float32) * vmin
        obuf_i[r4, pl.ds(0, 16)] = jnp.full((16,), 1, jnp.int32) * icut
        obuf_z[r4, pl.ds(0, 16)] = jnp.full((16,), 1.0, jnp.float32) * z3
        obuf_t[r4, pl.ds(0, 16)] = jnp.full((16,), 1, jnp.int32) * tokr
        return _

    lax.fori_loop(0, rows_per, _row, 0)
    base = wid * rows_per
    pltpu.sync_copy(obuf_f, cut_ref.at[pl.ds(base, rows_per)])
    pltpu.sync_copy(obuf_i, ic_ref.at[pl.ds(base, rows_per)])
    pltpu.sync_copy(obuf_z, z3_ref.at[pl.ds(base, rows_per)])
    pltpu.sync_copy(obuf_t, tok_ref.at[pl.ds(base, rows_per)])


@jax.jit
def kernel(logits, p, k, min_p):
    b, v = logits.shape
    bb = _BB

    xg, cm, m2, tc2 = pl.pallas_call(
        _prep_block,
        grid=(b // bb,),
        in_specs=[pl.BlockSpec((bb, v), lambda i: (i, 0))],
        out_specs=[
            pl.BlockSpec((bb * _NCH, _CHUNK), lambda i: (i, 0)),
            pl.BlockSpec((bb, _NCH_PAD), lambda i: (i, 0)),
            pl.BlockSpec((bb, 128), lambda i: (i, 0)),
            pl.BlockSpec((bb, 128), lambda i: (i, 0)),
        ],
        out_shape=[
            jax.ShapeDtypeStruct((b * _NCH, _CHUNK), jnp.float32),
            jax.ShapeDtypeStruct((b, _NCH_PAD), jnp.float32),
            jax.ShapeDtypeStruct((b, 128), jnp.float32),
            jax.ShapeDtypeStruct((b, 128), jnp.float32),
        ],
    )(logits)

    kkc = jnp.clip(k, 1, v).astype(jnp.int32)

    cp = pltpu.CompilerParams()
    if "needs_layout_passes" in pltpu.CompilerParams.__dataclass_fields__:
        cp = dataclasses.replace(cp, needs_layout_passes=False)
    if "use_tc_tiling_on_sc" in pltpu.CompilerParams.__dataclass_fields__:
        cp = dataclasses.replace(cp, use_tc_tiling_on_sc=False)

    mesh = plsc.VectorSubcoreMesh(core_axis_name="c", subcore_axis_name="s")
    sel = pl.kernel(
        _select_body,
        out_type=[
            jax.ShapeDtypeStruct((b, 128), jnp.float32),
            jax.ShapeDtypeStruct((b, 128), jnp.int32),
            jax.ShapeDtypeStruct((b, 128), jnp.float32),
            jax.ShapeDtypeStruct((b, 128), jnp.int32),
        ],
        mesh=mesh,
        compiler_params=cp,
        scratch_types=[
            pltpu.VMEM((_NCH_PAD,), jnp.float32),
            pltpu.VMEM((_CAP_CH + 16,), jnp.int32),
            pltpu.VMEM((_CAP_CH,), jnp.int32),
            pltpu.VMEM((_CAP_CH, _CHUNK), jnp.float32),
            pltpu.VMEM((_CAND_CAP,), jnp.float32),
            pltpu.VMEM((_CAND_CAP,), jnp.int32),
            pltpu.VMEM((_CAND_CAP,), jnp.int32),
            pltpu.VMEM((_CAND_CAP,), jnp.float32),
            pltpu.VMEM((b,), jnp.float32),
            pltpu.VMEM((b,), jnp.float32),
            pltpu.VMEM((b,), jnp.float32),
            pltpu.VMEM((b,), jnp.int32),
            pltpu.VMEM((b,), jnp.float32),
            pltpu.VMEM((4, 128), jnp.float32),
            pltpu.VMEM((4, 128), jnp.int32),
            pltpu.VMEM((4, 128), jnp.float32),
            pltpu.VMEM((4, 128), jnp.int32),
            pltpu.SemaphoreType.DMA,
        ],
    )
    cut2, ic2, z32, tok2 = sel(xg, cm, m2[:, 0], tc2[:, 0], p, kkc,
                               min_p)

    (probs,) = pl.pallas_call(
        _emit_block,
        grid=(b // bb,),
        in_specs=[
            pl.BlockSpec((bb, v), lambda i: (i, 0)),
            pl.BlockSpec((bb, 128), lambda i: (i, 0)),
            pl.BlockSpec((bb, 128), lambda i: (i, 0)),
            pl.BlockSpec((bb, 128), lambda i: (i, 0)),
            pl.BlockSpec((bb, 128), lambda i: (i, 0)),
        ],
        out_specs=[pl.BlockSpec((bb, v), lambda i: (i, 0))],
        out_shape=[jax.ShapeDtypeStruct((b, v), jnp.float32)],
    )(logits, cut2, ic2, z32, m2)

    return probs, tok2[:, 0]

# --- scband reference (transcript-rebuilt; emitter-appended) ---
"""Pipeline reference for scband-sampler-34419867910302 (READ-ONLY COPY).

The authoritative reference and input builder live on the scoring server;
editing this copy changes nothing except your own understanding.
"""

import jax, jax.numpy as jnp
import numpy as np

B, V = 128, 100000


def setup_inputs(seed: int = 0) -> dict:
    key = jax.random.key(seed)
    k1, k2, k3, k4 = jax.random.split(key, 4)
    logits = jax.random.normal(k1, (B, V), dtype=jnp.float32)
    p = jax.random.uniform(k2, (B,), dtype=jnp.float32)
    min_p = jax.random.uniform(k3, (B,), dtype=jnp.float32) * 0.1
    k = jax.random.randint(k4, (B,), 0, 100, dtype=jnp.int32)
    return {"logits": logits, "p": p, "k": k, "min_p": min_p}


def _apply_top_k_top_p(logits, p, k):
    # sort ascending, keep permutation for scatter-back
    logits_sort = jnp.sort(logits, axis=-1)
    logits_idx = jnp.argsort(logits, axis=-1)
    vocab = logits.shape[1]
    kk = jnp.clip(k.astype(jnp.int32), 1, vocab)
    # top-k masking: threshold is the (vocab - k)-th sorted value
    thresh_idx = (vocab - kk)[:, None]
    thresh = jnp.take_along_axis(logits_sort, thresh_idx, axis=1)
    top_k_mask = logits_sort < thresh
    logits_sort = jnp.where(top_k_mask, -jnp.inf, logits_sort)
    # top-p masking on the sorted (ascending) distribution
    probs_sort = jax.nn.softmax(logits_sort, axis=-1)
    probs_sum = jnp.cumsum(probs_sort, axis=-1)
    top_p_mask = probs_sum <= (1.0 - p[:, None])
    top_p_mask = top_p_mask.at[:, -1].set(False)  # keep at least one token
    logits_sort = jnp.where(top_p_mask, -jnp.inf, logits_sort)
    # scatter back to original order: result[i, logits_idx[i, j]] = logits_sort[i, j]
    inv = jnp.argsort(logits_idx, axis=-1)
    return jnp.take_along_axis(logits_sort, inv, axis=-1)


def _apply_min_p(logits, min_p):
    probs = jax.nn.softmax(logits, axis=-1)
    top_probs = jnp.max(probs, axis=-1, keepdims=True)
    scaled_min_p = min_p[:, None] * top_probs
    tokens_to_remove = probs < scaled_min_p
    return jnp.where(tokens_to_remove, -jnp.inf, logits)


def reference(logits, p, k, min_p):
    masked = _apply_top_k_top_p(logits, p, k)
    masked = _apply_min_p(masked, min_p)
    probs = jax.nn.softmax(masked, axis=-1)
    next_tokens = jnp.argmax(probs, axis=-1)
    return probs, next_tokens

if __name__ == "__main__":
    import jax
    _d = setup_inputs()
    print(jax.jit(kernel)(*tuple(_d.values())))

</pallas_src>

<mosaic_0001>
#map = affine_map<(d0, d1) -> (0, 0)>
#map1 = affine_map<(d0, d1) -> (0)>
module attributes {stable_mosaic.version = 14 : i64} {
  func.func @_select_body(%arg0: i32, %arg1: i32, %arg2: memref<100096x128xf32, #tpu.memory_space<hbm>>, %arg3: memref<128x784xf32, #tpu.memory_space<hbm>>, %arg4: memref<128xf32, #tpu.memory_space<hbm>>, %arg5: memref<128xf32, #tpu.memory_space<hbm>>, %arg6: memref<128xf32, #tpu.memory_space<hbm>>, %arg7: memref<128xi32, #tpu.memory_space<hbm>>, %arg8: memref<128xf32, #tpu.memory_space<hbm>>, %arg9: memref<128x128xf32, #tpu.memory_space<hbm>>, %arg10: memref<128x128xi32, #tpu.memory_space<hbm>>, %arg11: memref<128x128xf32, #tpu.memory_space<hbm>>, %arg12: memref<128x128xi32, #tpu.memory_space<hbm>>, %arg13: memref<784xf32, #tpu.memory_space<vmem>>, %arg14: memref<176xi32, #tpu.memory_space<vmem>>, %arg15: memref<160xi32, #tpu.memory_space<vmem>>, %arg16: memref<160x128xf32, #tpu.memory_space<vmem>>, %arg17: memref<1024xf32, #tpu.memory_space<vmem>>, %arg18: memref<1024xi32, #tpu.memory_space<vmem>>, %arg19: memref<1024xi32, #tpu.memory_space<vmem>>, %arg20: memref<1024xf32, #tpu.memory_space<vmem>>, %arg21: memref<128xf32, #tpu.memory_space<vmem>>, %arg22: memref<128xf32, #tpu.memory_space<vmem>>, %arg23: memref<128xf32, #tpu.memory_space<vmem>>, %arg24: memref<128xi32, #tpu.memory_space<vmem>>, %arg25: memref<128xf32, #tpu.memory_space<vmem>>, %arg26: memref<4x128xf32, #tpu.memory_space<vmem>>, %arg27: memref<4x128xi32, #tpu.memory_space<vmem>>, %arg28: memref<4x128xf32, #tpu.memory_space<vmem>>, %arg29: memref<4x128xi32, #tpu.memory_space<vmem>>, %arg30: memref<!tpu.dma_semaphore, #tpu.memory_space<semaphore_mem>>) attributes {dimension_semantics = [#tpu.dimension_semantics<core_parallel>, #tpu.dimension_semantics<subcore_parallel>], iteration_bounds = array<i64: 2, 16>, scalar_prefetch = 0 : i64, scratch_operands = 18 : i64, tpu.core_type = #tpu.core_type<sc_vector_subcore>, window_params = [{transform_indices = #map}, {transform_indices = #map}, {transform_indices = #map1}, {transform_indices = #map1}, {transform_indices = #map1}, {transform_indices = #map1}, {transform_indices = #map1}, {transform_indices = #map}, {transform_indices = #map}, {transform_indices = #map}, {transform_indices = #map}]} {
    %mul3A = arith.constant 2 : i32
    %mul3A_0 = arith.muli %arg1, %mul3A : i32
    %add3A = arith.addi %mul3A_0, %arg0 : i32
    %iota3A = tpu.iota {dimensions = array<i32: 0>} : vector<16xi32>
    "tpu.region"() ({
      %run_scoped3A = tpu.sem_alloc : memref<!tpu.dma_semaphore, #tpu.memory_space<semaphore_mem>>
      tpu.enqueue_dma source(%arg4 : memref<128xf32, #tpu.memory_space<hbm>>) target(%arg21 : memref<128xf32, #tpu.memory_space<vmem>>) target_semaphore(%run_scoped3A : memref<!tpu.dma_semaphore, #tpu.memory_space<semaphore_mem>>)
      tpu.wait_dma2 semaphore(%run_scoped3A : memref<!tpu.dma_semaphore, #tpu.memory_space<semaphore_mem>>) src(%arg4 : memref<128xf32, #tpu.memory_space<hbm>>) dst(%arg21 : memref<128xf32, #tpu.memory_space<vmem>>)
      tpu.yield
    }) : () -> ()
    "tpu.region"() ({
      %run_scoped3A = tpu.sem_alloc : memref<!tpu.dma_semaphore, #tpu.memory_space<semaphore_mem>>
      tpu.enqueue_dma source(%arg5 : memref<128xf32, #tpu.memory_space<hbm>>) target(%arg22 : memref<128xf32, #tpu.memory_space<vmem>>) target_semaphore(%run_scoped3A : memref<!tpu.dma_semaphore, #tpu.memory_space<semaphore_mem>>)
      tpu.wait_dma2 semaphore(%run_scoped3A : memref<!tpu.dma_semaphore, #tpu.memory_space<semaphore_mem>>) src(%arg5 : memref<128xf32, #tpu.memory_space<hbm>>) dst(%arg22 : memref<128xf32, #tpu.memory_space<vmem>>)
      tpu.yield
    }) : () -> ()
    "tpu.region"() ({
      %run_scoped3A = tpu.sem_alloc : memref<!tpu.dma_semaphore, #tpu.memory_space<semaphore_mem>>
      tpu.enqueue_dma source(%arg6 : memref<128xf32, #tpu.memory_space<hbm>>) target(%arg23 : memref<128xf32, #tpu.memory_space<vmem>>) target_semaphore(%run_scoped3A : memref<!tpu.dma_semaphore, #tpu.memory_space<semaphore_mem>>)
      tpu.wait_dma2 semaphore(%run_scoped3A : memref<!tpu.dma_semaphore, #tpu.memory_space<semaphore_mem>>) src(%arg6 : memref<128xf32, #tpu.memory_space<hbm>>) dst(%arg23 : memref<128xf32, #tpu.memory_space<vmem>>)
      tpu.yield
    }) : () -> ()
    "tpu.region"() ({
      %run_scoped3A = tpu.sem_alloc : memref<!tpu.dma_semaphore, #tpu.memory_space<semaphore_mem>>
      tpu.enqueue_dma source(%arg7 : memref<128xi32, #tpu.memory_space<hbm>>) target(%arg24 : memref<128xi32, #tpu.memory_space<vmem>>) target_semaphore(%run_scoped3A : memref<!tpu.dma_semaphore, #tpu.memory_space<semaphore_mem>>)
      tpu.wait_dma2 semaphore(%run_scoped3A : memref<!tpu.dma_semaphore, #tpu.memory_space<semaphore_mem>>) src(%arg7 : memref<128xi32, #tpu.memory_space<hbm>>) dst(%arg24 : memref<128xi32, #tpu.memory_space<vmem>>)
      tpu.yield
    }) : () -> ()
    "tpu.region"() ({
      %run_scoped3A = tpu.sem_alloc : memref<!tpu.dma_semaphore, #tpu.memory_space<semaphore_mem>>
      tpu.enqueue_dma source(%arg8 : memref<128xf32, #tpu.memory_space<hbm>>) target(%arg25 : memref<128xf32, #tpu.memory_space<vmem>>) target_semaphore(%run_scoped3A : memref<!tpu.dma_semaphore, #tpu.memory_space<semaphore_mem>>)
      tpu.wait_dma2 semaphore(%run_scoped3A : memref<!tpu.dma_semaphore, #tpu.memory_space<semaphore_mem>>) src(%arg8 : memref<128xf32, #tpu.memory_space<hbm>>) dst(%arg25 : memref<128xf32, #tpu.memory_space<vmem>>)
      tpu.yield
    }) : () -> ()
    %scan3A = arith.constant 0 : i32
    %scan3A_1 = arith.constant 0 : i32
    %scan3A_2 = arith.constant 4 : i32
    %scan3A_3 = arith.addi %scan3A_1, %scan3A_2 : i32
    %scan3A_4 = arith.constant 1 : i32
    %scan3A_5 = scf.for %scan3A_9 = %scan3A_1 to %scan3A_3 step %scan3A_4 iter_args(%scan3A_10 = %scan3A) -> (i32)  : i32 {
      %mul3A_11 = arith.constant 4 : i32
      %mul3A_12 = arith.muli %add3A, %mul3A_11 : i32
      %add3A_13 = arith.addi %mul3A_12, %scan3A_9 : i32
      "tpu.region"() ({
        %run_scoped3A = tpu.sem_alloc : memref<!tpu.dma_semaphore, #tpu.memory_space<semaphore_mem>>
        %dma_start3A_244 = arith.constant 0 : i32
        %dma_start3A_245 = tpu.memref_slice %arg3[%add3A_13, %dma_start3A_244] : memref<128x784xf32, #tpu.memory_space<hbm>> -> memref<1x784xf32, #tpu.memory_space<hbm>>
        %dma_start3A_246 = tpu.memref_squeeze %dma_start3A_245 : memref<1x784xf32, #tpu.memory_space<hbm>> -> memref<784xf32, #tpu.memory_space<hbm>>
        %dma_start3A_247 = arith.constant 0 : i32
        %dma_start3A_248 = tpu.memref_slice %arg3[%add3A_13, %dma_start3A_247] : memref<128x784xf32, #tpu.memory_space<hbm>> -> memref<1x784xf32, #tpu.memory_space<hbm>>
        %dma_start3A_249 = tpu.memref_squeeze %dma_start3A_248 : memref<1x784xf32, #tpu.memory_space<hbm>> -> memref<784xf32, #tpu.memory_space<hbm>>
        tpu.enqueue_dma source(%dma_start3A_249 : memref<784xf32, #tpu.memory_space<hbm>>) target(%arg13 : memref<784xf32, #tpu.memory_space<vmem>>) target_semaphore(%run_scoped3A : memref<!tpu.dma_semaphore, #tpu.memory_space<semaphore_mem>>)
        %dma_wait3A_250 = arith.constant 0 : i32
        %dma_wait3A_251 = tpu.memref_slice %arg3[%add3A_13, %dma_wait3A_250] : memref<128x784xf32, #tpu.memory_space<hbm>> -> memref<1x784xf32, #tpu.memory_space<hbm>>
        %dma_wait3A_252 = tpu.memref_squeeze %dma_wait3A_251 : memref<1x784xf32, #tpu.memory_space<hbm>> -> memref<784xf32, #tpu.memory_space<hbm>>
        %dma_wait3A_253 = arith.constant 0 : i32
        %dma_wait3A_254 = tpu.memref_slice %arg3[%add3A_13, %dma_wait3A_253] : memref<128x784xf32, #tpu.memory_space<hbm>> -> memref<1x784xf32, #tpu.memory_space<hbm>>
        %dma_wait3A_255 = tpu.memref_squeeze %dma_wait3A_254 : memref<1x784xf32, #tpu.memory_space<hbm>> -> memref<784xf32, #tpu.memory_space<hbm>>
        tpu.wait_dma2 semaphore(%run_scoped3A : memref<!tpu.dma_semaphore, #tpu.memory_space<semaphore_mem>>) src(%dma_wait3A_255 : memref<784xf32, #tpu.memory_space<hbm>>) dst(%arg13 : memref<784xf32, #tpu.memory_space<vmem>>)
        tpu.yield
      }) : () -> ()
      %broadcast_in_dim3A = vector.broadcast %add3A_13 : i32 to vector<16xi32>
      %gather3A = tpu.vector_load_idx %arg22[%broadcast_in_dim3A] : memref<128xf32, #tpu.memory_space<vmem>>[vector<16xi32>], vector<16xf32>,
      %gather3A_14 = tpu.vector_load_idx %arg21[%broadcast_in_dim3A] : memref<128xf32, #tpu.memory_space<vmem>>[vector<16xi32>], vector<16xf32>,
      %gather3A_15 = tpu.vector_load_idx %arg25[%broadcast_in_dim3A] : memref<128xf32, #tpu.memory_space<vmem>>[vector<16xi32>], vector<16xf32>,
      %gather3A_16 = tpu.vector_load_idx %arg23[%broadcast_in_dim3A] : memref<128xf32, #tpu.memory_space<vmem>>[vector<16xi32>], vector<16xf32>,
      %reduce_max3A = arith.constant true
      %reduce_max3A_17 = vector.broadcast %reduce_max3A : i1 to vector<16xi1>
      %reduce_max3A_18 = tpu.scan <max>, %gather3A_16 masked %reduce_max3A_17 : vector<16xf32>, vector<16xi1> -> vector<16xf32>
      %reduce_max3A_19 = vector.extract %reduce_max3A_18[15] : f32 from vector<16xf32>
      %gather3A_20 = tpu.vector_load_idx %arg24[%broadcast_in_dim3A] : memref<128xi32, #tpu.memory_space<vmem>>[vector<16xi32>], vector<16xi32>,
      %reduce_max3A_21 = arith.constant true
      %reduce_max3A_22 = vector.broadcast %reduce_max3A_21 : i1 to vector<16xi1>
      %reduce_max3A_23 = arith.constant -2147483648 : i32
      %reduce_max3A_24 = vector.broadcast %reduce_max3A_23 : i32 to vector<16xi32>
      %reduce_max3A_25 = arith.xori %gather3A_20, %reduce_max3A_24 : vector<16xi32>
      %reduce_max3A_26 = tpu.scan <max>, %reduce_max3A_25 masked %reduce_max3A_22 : vector<16xi32>, vector<16xi1> -> vector<16xi32>
      %reduce_max3A_27 = arith.xori %reduce_max3A_26, %reduce_max3A_24 : vector<16xi32>
      %reduce_max3A_28 = vector.extract %reduce_max3A_27[15] : i32 from vector<16xi32>
      %scan3A_29 = arith.constant 0 : i32
      %scan3A_30 = arith.constant 0 : i32
      %scan3A_31 = arith.constant 11 : i32
      %scan3A_32 = arith.addi %scan3A_30, %scan3A_31 : i32
      %scan3A_33 = arith.constant 1 : i32
      scf.for %scan3A_244 = %scan3A_30 to %scan3A_32 step %scan3A_33  : i32 {
        %broadcast_in_dim3A_245 = arith.constant 0 : i32
        %broadcast_in_dim3A_246 = vector.broadcast %broadcast_in_dim3A_245 : i32 to vector<16xi32>
        %mul3A_247 = arith.constant 16 : i32
        %mul3A_248 = arith.muli %scan3A_244, %mul3A_247 : i32
        %swap3A_249 = arith.index_cast %mul3A_248 : i32 to index
        %swap3A_250 = tpu.vector_load %arg14[%swap3A_249] {strides = array<i32>} : memref<176xi32, #tpu.memory_space<vmem>>, vector<16xi32>,
        tpu.vector_store %arg14[%swap3A_249], %broadcast_in_dim3A_246 {strides = array<i32>} : memref<176xi32, #tpu.memory_space<vmem>>, vector<16xi32>,
      }
      %scan3A_34 = arith.constant 11 : i32
      %scan3A_35 = arith.constant 0 : i32
      %scan3A_36 = arith.constant 0 : i32
      %scan3A_37 = arith.constant 49 : i32
      %scan3A_38 = arith.addi %scan3A_36, %scan3A_37 : i32
      %scan3A_39 = arith.constant 1 : i32
      %scan3A_40 = scf.for %scan3A_244 = %scan3A_36 to %scan3A_38 step %scan3A_39 iter_args(%scan3A_245 = %scan3A_35) -> (i32)  : i32 {
        %mul3A_246 = arith.constant 16 : i32
        %mul3A_247 = arith.muli %scan3A_244, %mul3A_246 : i32
        %get3A = arith.index_cast %mul3A_247 : i32 to index
        %get3A_248 = tpu.vector_load %arg13[%get3A] {strides = array<i32>} : memref<784xf32, #tpu.memory_space<vmem>>, vector<16xf32>,
        %mul3A_249 = arith.constant 16 : i32
        %mul3A_250 = arith.muli %scan3A_244, %mul3A_249 : i32
        %add3A_251 = vector.broadcast %mul3A_250 : i32 to vector<16xi32>
        %add3A_252 = arith.addi %iota3A, %add3A_251 : vector<16xi32>
        %ge3A_253 = arith.cmpf oge, %get3A_248, %gather3A : vector<16xf32>
        %lt3A_254 = arith.constant 782 : i32
        %lt3A_255 = vector.broadcast %lt3A_254 : i32 to vector<16xi32>
        %lt3A_256 = arith.cmpi slt, %add3A_252, %lt3A_255 : vector<16xi32>
        %and3A = arith.andi %ge3A_253, %lt3A_256 : vector<16xi1>
        %swap3A_257 = arith.index_cast %scan3A_245 : i32 to index
        %swap3A_258 = tpu.vector_load %arg14[%swap3A_257] masked %and3A {strides = array<i32>} : memref<176xi32, #tpu.memory_space<vmem>>, vector<16xi32>, vector<16xi1>
        tpu.vector_store %arg14[%swap3A_257], %add3A_252 masked %and3A {strides = array<i32>} : memref<176xi32, #tpu.memory_space<vmem>>, vector<16xi32>, vector<16xi1>
        %convert_element_type3A_259 = arith.extui %and3A : vector<16xi1> to vector<16xi32>
        %reduce_sum3A = arith.constant true
        %reduce_sum3A_260 = vector.broadcast %reduce_sum3A : i1 to vector<16xi1>
        %reduce_sum3A_261 = tpu.scan <sum>, %convert_element_type3A_259 masked %reduce_sum3A_260 : vector<16xi32>, vector<16xi1> -> vector<16xi32>
        %reduce_sum3A_262 = vector.extract %reduce_sum3A_261[15] : i32 from vector<16xi32>
        %add3A_263 = arith.addi %scan3A_245, %reduce_sum3A_262 : i32
        %min3A_264 = arith.constant 160 : i32
        %min3A_265 = arith.minsi %add3A_263, %min3A_264 : i32
        scf.yield %min3A_265 : i32
      }
      %scan3A_41 = arith.constant 49 : i32
      %mul3A_42 = arith.constant 782 : i32
      %mul3A_43 = arith.muli %add3A_13, %mul3A_42 : i32
      %scan3A_44 = arith.constant 0 : i32
      %scan3A_45 = arith.constant 0 : i32
      %scan3A_46 = arith.constant 10 : i32
      %scan3A_47 = arith.addi %scan3A_45, %scan3A_46 : i32
      %scan3A_48 = arith.constant 1 : i32
      scf.for %scan3A_244 = %scan3A_45 to %scan3A_47 step %scan3A_48  : i32 {
        %mul3A_245 = arith.constant 16 : i32
        %mul3A_246 = arith.muli %scan3A_244, %mul3A_245 : i32
        %get3A = arith.index_cast %mul3A_246 : i32 to index
        %get3A_247 = tpu.vector_load %arg14[%get3A] {strides = array<i32>} : memref<176xi32, #tpu.memory_space<vmem>>, vector<16xi32>,
        %add3A_248 = vector.broadcast %mul3A_43 : i32 to vector<16xi32>
        %add3A_249 = arith.addi %get3A_247, %add3A_248 : vector<16xi32>
        %mul3A_250 = arith.constant 16 : i32
        %mul3A_251 = arith.muli %scan3A_244, %mul3A_250 : i32
        %swap3A_252 = arith.index_cast %mul3A_251 : i32 to index
        %swap3A_253 = tpu.vector_load %arg15[%swap3A_252] {strides = array<i32>} : memref<160xi32, #tpu.memory_space<vmem>>, vector<16xi32>,
        tpu.vector_store %arg15[%swap3A_252], %add3A_249 {strides = array<i32>} : memref<160xi32, #tpu.memory_space<vmem>>, vector<16xi32>,
      }
      %scan3A_49 = arith.constant 10 : i32
      %dma_start3A = arith.constant 0 : i32
      %dma_start3A_50 = arith.constant 0 : i32
      %dma_start3A_51 = tpu.memref_slice %arg2[%dma_start3A, %dma_start3A_50] : memref<100096x128xf32, #tpu.memory_space<hbm>> -> memref<100096x128xf32, #tpu.memory_space<hbm>>
      tpu.enqueue_indirect_dma source(%dma_start3A_51 : memref<100096x128xf32, #tpu.memory_space<hbm>>) target(%arg16 : memref<160x128xf32, #tpu.memory_space<vmem>>) offsets(%arg15 : memref<160xi32, #tpu.memory_space<vmem>>) semaphore(%arg30 : memref<!tpu.dma_semaphore, #tpu.memory_space<semaphore_mem>>)
      %dma_wait3A = arith.constant 0 : i32
      %dma_wait3A_52 = arith.constant 0 : i32
      %dma_wait3A_53 = tpu.memref_slice %arg2[%dma_wait3A, %dma_wait3A_52] : memref<100096x128xf32, #tpu.memory_space<hbm>> -> memref<100096x128xf32, #tpu.memory_space<hbm>>
      tpu.wait_indirect_dma semaphore(%arg30 : memref<!tpu.dma_semaphore, #tpu.memory_space<semaphore_mem>>) src(%dma_wait3A_53 : memref<100096x128xf32, #tpu.memory_space<hbm>>) dst(%arg16 : memref<160x128xf32, #tpu.memory_space<vmem>>)
      %while3A = arith.constant 0 : i32
      %while3A_54 = arith.constant 0 : i32
      %while3A_55 = arith.subi %scan3A_40, %while3A : i32
      %while3A_56 = arith.addi %while3A, %while3A_55 : i32
      %while3A_57 = arith.constant 1 : i32
      %while3A_58 = arith.divsi %while3A_55, %while3A_57 : i32
      %while3A_59 = arith.muli %while3A_58, %while3A_57 : i32
      %while3A_60 = arith.addi %while3A, %while3A_59 : i32
      %while3A_61 = arith.constant 1 : i32
      %while3A_62 = scf.for %while3A_244 = %while3A to %while3A_60 step %while3A_61 iter_args(%while3A_245 = %while3A_54) -> (i32)  : i32 {
        %broadcast_in_dim3A_246 = vector.broadcast %while3A_244 : i32 to vector<16xi32>
        %gather3A_247 = tpu.vector_load_idx %arg14[%broadcast_in_dim3A_246] : memref<176xi32, #tpu.memory_space<vmem>>[vector<16xi32>], vector<16xi32>,
        %get3A = arith.index_cast %while3A_244 : i32 to index
        %get3A_248 = arith.constant 0 : index
        %get3A_249 = tpu.vector_load %arg16[%get3A, %get3A_248] {strides = array<i32>} : memref<160x128xf32, #tpu.memory_space<vmem>>, vector<16xf32>,
        %mul3A_250 = arith.constant 128 : i32
        %mul3A_251 = vector.broadcast %mul3A_250 : i32 to vector<16xi32>
        %mul3A_252 = arith.muli %gather3A_247, %mul3A_251 : vector<16xi32>
        %add3A_253 = arith.constant 0 : i32
        %add3A_254 = vector.broadcast %add3A_253 : i32 to vector<16xi32>
        %add3A_255 = arith.addi %add3A_254, %iota3A : vector<16xi32>
        %add3A_256 = arith.addi %mul3A_252, %add3A_255 : vector<16xi32>
        %ge3A_257 = arith.cmpf oge, %get3A_249, %gather3A : vector<16xf32>
        %swap3A_258 = arith.index_cast %while3A_245 : i32 to index
        %swap3A_259 = tpu.vector_load %arg17[%swap3A_258] masked %ge3A_257 {strides = array<i32>} : memref<1024xf32, #tpu.memory_space<vmem>>, vector<16xf32>, vector<16xi1>
        tpu.vector_store %arg17[%swap3A_258], %get3A_249 masked %ge3A_257 {strides = array<i32>} : memref<1024xf32, #tpu.memory_space<vmem>>, vector<16xf32>, vector<16xi1>
        %swap3A_260 = arith.index_cast %while3A_245 : i32 to index
        %swap3A_261 = tpu.vector_load %arg18[%swap3A_260] masked %ge3A_257 {strides = array<i32>} : memref<1024xi32, #tpu.memory_space<vmem>>, vector<16xi32>, vector<16xi1>
        tpu.vector_store %arg18[%swap3A_260], %add3A_256 masked %ge3A_257 {strides = array<i32>} : memref<1024xi32, #tpu.memory_space<vmem>>, vector<16xi32>, vector<16xi1>
        %convert_element_type3A_262 = arith.extui %ge3A_257 : vector<16xi1> to vector<16xi32>
        %reduce_sum3A = arith.constant true
        %reduce_sum3A_263 = vector.broadcast %reduce_sum3A : i1 to vector<16xi1>
        %reduce_sum3A_264 = tpu.scan <sum>, %convert_element_type3A_262 masked %reduce_sum3A_263 : vector<16xi32>, vector<16xi1> -> vector<16xi32>
        %reduce_sum3A_265 = vector.extract %reduce_sum3A_264[15] : i32 from vector<16xi32>
        %add3A_266 = arith.addi %while3A_245, %reduce_sum3A_265 : i32
        %min3A_267 = arith.constant 1008 : i32
        %min3A_268 = arith.minsi %add3A_266, %min3A_267 : i32
        %get3A_269 = arith.index_cast %while3A_244 : i32 to index
        %get3A_270 = arith.constant 16 : index
        %get3A_271 = tpu.vector_load %arg16[%get3A_269, %get3A_270] {strides = array<i32>} : memref<160x128xf32, #tpu.memory_space<vmem>>, vector<16xf32>,
        %mul3A_272 = arith.constant 128 : i32
        %mul3A_273 = vector.broadcast %mul3A_272 : i32 to vector<16xi32>
        %mul3A_274 = arith.muli %gather3A_247, %mul3A_273 : vector<16xi32>
        %add3A_275 = arith.constant 16 : i32
        %add3A_276 = vector.broadcast %add3A_275 : i32 to vector<16xi32>
        %add3A_277 = arith.addi %add3A_276, %iota3A : vector<16xi32>
        %add3A_278 = arith.addi %mul3A_274, %add3A_277 : vector<16xi32>
        %ge3A_279 = arith.cmpf oge, %get3A_271, %gather3A : vector<16xf32>
        %swap3A_280 = arith.index_cast %min3A_268 : i32 to index
        %swap3A_281 = tpu.vector_load %arg17[%swap3A_280] masked %ge3A_279 {strides = array<i32>} : memref<1024xf32, #tpu.memory_space<vmem>>, vector<16xf32>, vector<16xi1>
        tpu.vector_store %arg17[%swap3A_280], %get3A_271 masked %ge3A_279 {strides = array<i32>} : memref<1024xf32, #tpu.memory_space<vmem>>, vector<16xf32>, vector<16xi1>
        %swap3A_282 = arith.index_cast %min3A_268 : i32 to index
        %swap3A_283 = tpu.vector_load %arg18[%swap3A_282] masked %ge3A_279 {strides = array<i32>} : memref<1024xi32, #tpu.memory_space<vmem>>, vector<16xi32>, vector<16xi1>
        tpu.vector_store %arg18[%swap3A_282], %add3A_278 masked %ge3A_279 {strides = array<i32>} : memref<1024xi32, #tpu.memory_space<vmem>>, vector<16xi32>, vector<16xi1>
        %convert_element_type3A_284 = arith.extui %ge3A_279 : vector<16xi1> to vector<16xi32>
        %reduce_sum3A_285 = arith.constant true
        %reduce_sum3A_286 = vector.broadcast %reduce_sum3A_285 : i1 to vector<16xi1>
        %reduce_sum3A_287 = tpu.scan <sum>, %convert_element_type3A_284 masked %reduce_sum3A_286 : vector<16xi32>, vector<16xi1> -> vector<16xi32>
        %reduce_sum3A_288 = vector.extract %reduce_sum3A_287[15] : i32 from vector<16xi32>
        %add3A_289 = arith.addi %min3A_268, %reduce_sum3A_288 : i32
        %min3A_290 = arith.constant 1008 : i32
        %min3A_291 = arith.minsi %add3A_289, %min3A_290 : i32
        %get3A_292 = arith.index_cast %while3A_244 : i32 to index
        %get3A_293 = arith.constant 32 : index
        %get3A_294 = tpu.vector_load %arg16[%get3A_292, %get3A_293] {strides = array<i32>} : memref<160x128xf32, #tpu.memory_space<vmem>>, vector<16xf32>,
        %mul3A_295 = arith.constant 128 : i32
        %mul3A_296 = vector.broadcast %mul3A_295 : i32 to vector<16xi32>
        %mul3A_297 = arith.muli %gather3A_247, %mul3A_296 : vector<16xi32>
        %add3A_298 = arith.constant 32 : i32
        %add3A_299 = vector.broadcast %add3A_298 : i32 to vector<16xi32>
        %add3A_300 = arith.addi %add3A_299, %iota3A : vector<16xi32>
        %add3A_301 = arith.addi %mul3A_297, %add3A_300 : vector<16xi32>
        %ge3A_302 = arith.cmpf oge, %get3A_294, %gather3A : vector<16xf32>
        %swap3A_303 = arith.index_cast %min3A_291 : i32 to index
        %swap3A_304 = tpu.vector_load %arg17[%swap3A_303] masked %ge3A_302 {strides = array<i32>} : memref<1024xf32, #tpu.memory_space<vmem>>, vector<16xf32>, vector<16xi1>
        tpu.vector_store %arg17[%swap3A_303], %get3A_294 masked %ge3A_302 {strides = array<i32>} : memref<1024xf32, #tpu.memory_space<vmem>>, vector<16xf32>, vector<16xi1>
        %swap3A_305 = arith.index_cast %min3A_291 : i32 to index
        %swap3A_306 = tpu.vector_load %arg18[%swap3A_305] masked %ge3A_302 {strides = array<i32>} : memref<1024xi32, #tpu.memory_space<vmem>>, vector<16xi32>, vector<16xi1>
        tpu.vector_store %arg18[%swap3A_305], %add3A_301 masked %ge3A_302 {strides = array<i32>} : memref<1024xi32, #tpu.memory_space<vmem>>, vector<16xi32>, vector<16xi1>
        %convert_element_type3A_307 = arith.extui %ge3A_302 : vector<16xi1> to vector<16xi32>
        %reduce_sum3A_308 = arith.constant true
        %reduce_sum3A_309 = vector.broadcast %reduce_sum3A_308 : i1 to vector<16xi1>
        %reduce_sum3A_310 = tpu.scan <sum>, %convert_element_type3A_307 masked %reduce_sum3A_309 : vector<16xi32>, vector<16xi1> -> vector<16xi32>
        %reduce_sum3A_311 = vector.extract %reduce_sum3A_310[15] : i32 from vector<16xi32>
        %add3A_312 = arith.addi %min3A_291, %reduce_sum3A_311 : i32
        %min3A_313 = arith.constant 1008 : i32
        %min3A_314 = arith.minsi %add3A_312, %min3A_313 : i32
        %get3A_315 = arith.index_cast %while3A_244 : i32 to index
        %get3A_316 = arith.constant 48 : index
        %get3A_317 = tpu.vector_load %arg16[%get3A_315, %get3A_316] {strides = array<i32>} : memref<160x128xf32, #tpu.memory_space<vmem>>, vector<16xf32>,
        %mul3A_318 = arith.constant 128 : i32
        %mul3A_319 = vector.broadcast %mul3A_318 : i32 to vector<16xi32>
        %mul3A_320 = arith.muli %gather3A_247, %mul3A_319 : vector<16xi32>
        %add3A_321 = arith.constant 48 : i32
        %add3A_322 = vector.broadcast %add3A_321 : i32 to vector<16xi32>
        %add3A_323 = arith.addi %add3A_322, %iota3A : vector<16xi32>
        %add3A_324 = arith.addi %mul3A_320, %add3A_323 : vector<16xi32>
        %ge3A_325 = arith.cmpf oge, %get3A_317, %gather3A : vector<16xf32>
        %swap3A_326 = arith.index_cast %min3A_314 : i32 to index
        %swap3A_327 = tpu.vector_load %arg17[%swap3A_326] masked %ge3A_325 {strides = array<i32>} : memref<1024xf32, #tpu.memory_space<vmem>>, vector<16xf32>, vector<16xi1>
        tpu.vector_store %arg17[%swap3A_326], %get3A_317 masked %ge3A_325 {strides = array<i32>} : memref<1024xf32, #tpu.memory_space<vmem>>, vector<16xf32>, vector<16xi1>
        %swap3A_328 = arith.index_cast %min3A_314 : i32 to index
        %swap3A_329 = tpu.vector_load %arg18[%swap3A_328] masked %ge3A_325 {strides = array<i32>} : memref<1024xi32, #tpu.memory_space<vmem>>, vector<16xi32>, vector<16xi1>
        tpu.vector_store %arg18[%swap3A_328], %add3A_324 masked %ge3A_325 {strides = array<i32>} : memref<1024xi32, #tpu.memory_space<vmem>>, vector<16xi32>, vector<16xi1>
        %convert_element_type3A_330 = arith.extui %ge3A_325 : vector<16xi1> to vector<16xi32>
        %reduce_sum3A_331 = arith.constant true
        %reduce_sum3A_332 = vector.broadcast %reduce_sum3A_331 : i1 to vector<16xi1>
        %reduce_sum3A_333 = tpu.scan <sum>, %convert_element_type3A_330 masked %reduce_sum3A_332 : vector<16xi32>, vector<16xi1> -> vector<16xi32>
        %reduce_sum3A_334 = vector.extract %reduce_sum3A_333[15] : i32 from vector<16xi32>
        %add3A_335 = arith.addi %min3A_314, %reduce_sum3A_334 : i32
        %min3A_336 = arith.constant 1008 : i32
        %min3A_337 = arith.minsi %add3A_335, %min3A_336 : i32
        %get3A_338 = arith.index_cast %while3A_244 : i32 to index
        %get3A_339 = arith.constant 64 : index
        %get3A_340 = tpu.vector_load %arg16[%get3A_338, %get3A_339] {strides = array<i32>} : memref<160x128xf32, #tpu.memory_space<vmem>>, vector<16xf32>,
        %mul3A_341 = arith.constant 128 : i32
        %mul3A_342 = vector.broadcast %mul3A_341 : i32 to vector<16xi32>
        %mul3A_343 = arith.muli %gather3A_247, %mul3A_342 : vector<16xi32>
        %add3A_344 = arith.constant 64 : i32
        %add3A_345 = vector.broadcast %add3A_344 : i32 to vector<16xi32>
        %add3A_346 = arith.addi %add3A_345, %iota3A : vector<16xi32>
        %add3A_347 = arith.addi %mul3A_343, %add3A_346 : vector<16xi32>
        %ge3A_348 = arith.cmpf oge, %get3A_340, %gather3A : vector<16xf32>
        %swap3A_349 = arith.index_cast %min3A_337 : i32 to index
        %swap3A_350 = tpu.vector_load %arg17[%swap3A_349] masked %ge3A_348 {strides = array<i32>} : memref<1024xf32, #tpu.memory_space<vmem>>, vector<16xf32>, vector<16xi1>
        tpu.vector_store %arg17[%swap3A_349], %get3A_340 masked %ge3A_348 {strides = array<i32>} : memref<1024xf32, #tpu.memory_space<vmem>>, vector<16xf32>, vector<16xi1>
        %swap3A_351 = arith.index_cast %min3A_337 : i32 to index
        %swap3A_352 = tpu.vector_load %arg18[%swap3A_351] masked %ge3A_348 {strides = array<i32>} : memref<1024xi32, #tpu.memory_space<vmem>>, vector<16xi32>, vector<16xi1>
        tpu.vector_store %arg18[%swap3A_351], %add3A_347 masked %ge3A_348 {strides = array<i32>} : memref<1024xi32, #tpu.memory_space<vmem>>, vector<16xi32>, vector<16xi1>
        %convert_element_type3A_353 = arith.extui %ge3A_348 : vector<16xi1> to vector<16xi32>
        %reduce_sum3A_354 = arith.constant true
        %reduce_sum3A_355 = vector.broadcast %reduce_sum3A_354 : i1 to vector<16xi1>
        %reduce_sum3A_356 = tpu.scan <sum>, %convert_element_type3A_353 masked %reduce_sum3A_355 : vector<16xi32>, vector<16xi1> -> vector<16xi32>
        %reduce_sum3A_357 = vector.extract %reduce_sum3A_356[15] : i32 from vector<16xi32>
        %add3A_358 = arith.addi %min3A_337, %reduce_sum3A_357 : i32
        %min3A_359 = arith.constant 1008 : i32
        %min3A_360 = arith.minsi %add3A_358, %min3A_359 : i32
        %get3A_361 = arith.index_cast %while3A_244 : i32 to index
        %get3A_362 = arith.constant 80 : index
        %get3A_363 = tpu.vector_load %arg16[%get3A_361, %get3A_362] {strides = array<i32>} : memref<160x128xf32, #tpu.memory_space<vmem>>, vector<16xf32>,
        %mul3A_364 = arith.constant 128 : i32
        %mul3A_365 = vector.broadcast %mul3A_364 : i32 to vector<16xi32>
        %mul3A_366 = arith.muli %gather3A_247, %mul3A_365 : vector<16xi32>
        %add3A_367 = arith.constant 80 : i32
        %add3A_368 = vector.broadcast %add3A_367 : i32 to vector<16xi32>
        %add3A_369 = arith.addi %add3A_368, %iota3A : vector<16xi32>
        %add3A_370 = arith.addi %mul3A_366, %add3A_369 : vector<16xi32>
        %ge3A_371 = arith.cmpf oge, %get3A_363, %gather3A : vector<16xf32>
        %swap3A_372 = arith.index_cast %min3A_360 : i32 to index
        %swap3A_373 = tpu.vector_load %arg17[%swap3A_372] masked %ge3A_371 {strides = array<i32>} : memref<1024xf32, #tpu.memory_space<vmem>>, vector<16xf32>, vector<16xi1>
        tpu.vector_store %arg17[%swap3A_372], %get3A_363 masked %ge3A_371 {strides = array<i32>} : memref<1024xf32, #tpu.memory_space<vmem>>, vector<16xf32>, vector<16xi1>
        %swap3A_374 = arith.index_cast %min3A_360 : i32 to index
        %swap3A_375 = tpu.vector_load %arg18[%swap3A_374] masked %ge3A_371 {strides = array<i32>} : memref<1024xi32, #tpu.memory_space<vmem>>, vector<16xi32>, vector<16xi1>
        tpu.vector_store %arg18[%swap3A_374], %add3A_370 masked %ge3A_371 {strides = array<i32>} : memref<1024xi32, #tpu.memory_space<vmem>>, vector<16xi32>, vector<16xi1>
        %convert_element_type3A_376 = arith.extui %ge3A_371 : vector<16xi1> to vector<16xi32>
        %reduce_sum3A_377 = arith.constant true
        %reduce_sum3A_378 = vector.broadcast %reduce_sum3A_377 : i1 to vector<16xi1>
        %reduce_sum3A_379 = tpu.scan <sum>, %convert_element_type3A_376 masked %reduce_sum3A_378 : vector<16xi32>, vector<16xi1> -> vector<16xi32>
        %reduce_sum3A_380 = vector.extract %reduce_sum3A_379[15] : i32 from vector<16xi32>
        %add3A_381 = arith.addi %min3A_360, %reduce_sum3A_380 : i32
        %min3A_382 = arith.constant 1008 : i32
        %min3A_383 = arith.minsi %add3A_381, %min3A_382 : i32
        %get3A_384 = arith.index_cast %while3A_244 : i32 to index
        %get3A_385 = arith.constant 96 : index
        %get3A_386 = tpu.vector_load %arg16[%get3A_384, %get3A_385] {strides = array<i32>} : memref<160x128xf32, #tpu.memory_space<vmem>>, vector<16xf32>,
        %mul3A_387 = arith.constant 128 : i32
        %mul3A_388 = vector.broadcast %mul3A_387 : i32 to vector<16xi32>
        %mul3A_389 = arith.muli %gather3A_247, %mul3A_388 : vector<16xi32>
        %add3A_390 = arith.constant 96 : i32
        %add3A_391 = vector.broadcast %add3A_390 : i32 to vector<16xi32>
        %add3A_392 = arith.addi %add3A_391, %iota3A : vector<16xi32>
        %add3A_393 = arith.addi %mul3A_389, %add3A_392 : vector<16xi32>
        %ge3A_394 = arith.cmpf oge, %get3A_386, %gather3A : vector<16xf32>
        %swap3A_395 = arith.index_cast %min3A_383 : i32 to index
        %swap3A_396 = tpu.vector_load %arg17[%swap3A_395] masked %ge3A_394 {strides = array<i32>} : memref<1024xf32, #tpu.memory_space<vmem>>, vector<16xf32>, vector<16xi1>
        tpu.vector_store %arg17[%swap3A_395], %get3A_386 masked %ge3A_394 {strides = array<i32>} : memref<1024xf32, #tpu.memory_space<vmem>>, vector<16xf32>, vector<16xi1>
        %swap3A_397 = arith.index_cast %min3A_383 : i32 to index
        %swap3A_398 = tpu.vector_load %arg18[%swap3A_397] masked %ge3A_394 {strides = array<i32>} : memref<1024xi32, #tpu.memory_space<vmem>>, vector<16xi32>, vector<16xi1>
        tpu.vector_store %arg18[%swap3A_397], %add3A_393 masked %ge3A_394 {strides = array<i32>} : memref<1024xi32, #tpu.memory_space<vmem>>, vector<16xi32>, vector<16xi1>
        %convert_element_type3A_399 = arith.extui %ge3A_394 : vector<16xi1> to vector<16xi32>
        %reduce_sum3A_400 = arith.constant true
        %reduce_sum3A_401 = vector.broadcast %reduce_sum3A_400 : i1 to vector<16xi1>
        %reduce_sum3A_402 = tpu.scan <sum>, %convert_element_type3A_399 masked %reduce_sum3A_401 : vector<16xi32>, vector<16xi1> -> vector<16xi32>
        %reduce_sum3A_403 = vector.extract %reduce_sum3A_402[15] : i32 from vector<16xi32>
        %add3A_404 = arith.addi %min3A_383, %reduce_sum3A_403 : i32
        %min3A_405 = arith.constant 1008 : i32
        %min3A_406 = arith.minsi %add3A_404, %min3A_405 : i32
        %get3A_407 = arith.index_cast %while3A_244 : i32 to index
        %get3A_408 = arith.constant 112 : index
        %get3A_409 = tpu.vector_load %arg16[%get3A_407, %get3A_408] {strides = array<i32>} : memref<160x128xf32, #tpu.memory_space<vmem>>, vector<16xf32>,
        %mul3A_410 = arith.constant 128 : i32
        %mul3A_411 = vector.broadcast %mul3A_410 : i32 to vector<16xi32>
        %mul3A_412 = arith.muli %gather3A_247, %mul3A_411 : vector<16xi32>
        %add3A_413 = arith.constant 112 : i32
        %add3A_414 = vector.broadcast %add3A_413 : i32 to vector<16xi32>
        %add3A_415 = arith.addi %add3A_414, %iota3A : vector<16xi32>
        %add3A_416 = arith.addi %mul3A_412, %add3A_415 : vector<16xi32>
        %ge3A_417 = arith.cmpf oge, %get3A_409, %gather3A : vector<16xf32>
        %swap3A_418 = arith.index_cast %min3A_406 : i32 to index
        %swap3A_419 = tpu.vector_load %arg17[%swap3A_418] masked %ge3A_417 {strides = array<i32>} : memref<1024xf32, #tpu.memory_space<vmem>>, vector<16xf32>, vector<16xi1>
        tpu.vector_store %arg17[%swap3A_418], %get3A_409 masked %ge3A_417 {strides = array<i32>} : memref<1024xf32, #tpu.memory_space<vmem>>, vector<16xf32>, vector<16xi1>
        %swap3A_420 = arith.index_cast %min3A_406 : i32 to index
        %swap3A_421 = tpu.vector_load %arg18[%swap3A_420] masked %ge3A_417 {strides = array<i32>} : memref<1024xi32, #tpu.memory_space<vmem>>, vector<16xi32>, vector<16xi1>
        tpu.vector_store %arg18[%swap3A_420], %add3A_416 masked %ge3A_417 {strides = array<i32>} : memref<1024xi32, #tpu.memory_space<vmem>>, vector<16xi32>, vector<16xi1>
        %convert_element_type3A_422 = arith.extui %ge3A_417 : vector<16xi1> to vector<16xi32>
        %reduce_sum3A_423 = arith.constant true
        %reduce_sum3A_424 = vector.broadcast %reduce_sum3A_423 : i1 to vector<16xi1>
        %reduce_sum3A_425 = tpu.scan <sum>, %convert_element_type3A_422 masked %reduce_sum3A_424 : vector<16xi32>, vector<16xi1> -> vector<16xi32>
        %reduce_sum3A_426 = vector.extract %reduce_sum3A_425[15] : i32 from vector<16xi32>
        %add3A_427 = arith.addi %min3A_406, %reduce_sum3A_426 : i32
        %min3A_428 = arith.constant 1008 : i32
        %min3A_429 = arith.minsi %add3A_427, %min3A_428 : i32
        scf.yield %min3A_429 : i32
      }
      %while3A_63 = arith.constant 1 : i32
      %while3A_64 = scf.for %while3A_244 = %while3A_60 to %while3A_56 step %while3A_63 iter_args(%while3A_245 = %while3A_62) -> (i32)  : i32 {
        %broadcast_in_dim3A_246 = vector.broadcast %while3A_244 : i32 to vector<16xi32>
        %gather3A_247 = tpu.vector_load_idx %arg14[%broadcast_in_dim3A_246] : memref<176xi32, #tpu.memory_space<vmem>>[vector<16xi32>], vector<16xi32>,
        %get3A = arith.index_cast %while3A_244 : i32 to index
        %get3A_248 = arith.constant 0 : index
        %get3A_249 = tpu.vector_load %arg16[%get3A, %get3A_248] {strides = array<i32>} : memref<160x128xf32, #tpu.memory_space<vmem>>, vector<16xf32>,
        %mul3A_250 = arith.constant 128 : i32
        %mul3A_251 = vector.broadcast %mul3A_250 : i32 to vector<16xi32>
        %mul3A_252 = arith.muli %gather3A_247, %mul3A_251 : vector<16xi32>
        %add3A_253 = arith.constant 0 : i32
        %add3A_254 = vector.broadcast %add3A_253 : i32 to vector<16xi32>
        %add3A_255 = arith.addi %add3A_254, %iota3A : vector<16xi32>
        %add3A_256 = arith.addi %mul3A_252, %add3A_255 : vector<16xi32>
        %ge3A_257 = arith.cmpf oge, %get3A_249, %gather3A : vector<16xf32>
        %swap3A_258 = arith.index_cast %while3A_245 : i32 to index
        %swap3A_259 = tpu.vector_load %arg17[%swap3A_258] masked %ge3A_257 {strides = array<i32>} : memref<1024xf32, #tpu.memory_space<vmem>>, vector<16xf32>, vector<16xi1>
        tpu.vector_store %arg17[%swap3A_258], %get3A_249 masked %ge3A_257 {strides = array<i32>} : memref<1024xf32, #tpu.memory_space<vmem>>, vector<16xf32>, vector<16xi1>
        %swap3A_260 = arith.index_cast %while3A_245 : i32 to index
        %swap3A_261 = tpu.vector_load %arg18[%swap3A_260] masked %ge3A_257 {strides = array<i32>} : memref<1024xi32, #tpu.memory_space<vmem>>, vector<16xi32>, vector<16xi1>
        tpu.vector_store %arg18[%swap3A_260], %add3A_256 masked %ge3A_257 {strides = array<i32>} : memref<1024xi32, #tpu.memory_space<vmem>>, vector<16xi32>, vector<16xi1>
        %convert_element_type3A_262 = arith.extui %ge3A_257 : vector<16xi1> to vector<16xi32>
        %reduce_sum3A = arith.constant true
        %reduce_sum3A_263 = vector.broadcast %reduce_sum3A : i1 to vector<16xi1>
        %reduce_sum3A_264 = tpu.scan <sum>, %convert_element_type3A_262 masked %reduce_sum3A_263 : vector<16xi32>, vector<16xi1> -> vector<16xi32>
        %reduce_sum3A_265 = vector.extract %reduce_sum3A_264[15] : i32 from vector<16xi32>
        %add3A_266 = arith.addi %while3A_245, %reduce_sum3A_265 : i32
        %min3A_267 = arith.constant 1008 : i32
        %min3A_268 = arith.minsi %add3A_266, %min3A_267 : i32
        %get3A_269 = arith.index_cast %while3A_244 : i32 to index
        %get3A_270 = arith.constant 16 : index
        %get3A_271 = tpu.vector_load %arg16[%get3A_269, %get3A_270] {strides = array<i32>} : memref<160x128xf32, #tpu.memory_space<vmem>>, vector<16xf32>,
        %mul3A_272 = arith.constant 128 : i32
        %mul3A_273 = vector.broadcast %mul3A_272 : i32 to vector<16xi32>
        %mul3A_274 = arith.muli %gather3A_247, %mul3A_273 : vector<16xi32>
        %add3A_275 = arith.constant 16 : i32
        %add3A_276 = vector.broadcast %add3A_275 : i32 to vector<16xi32>
        %add3A_277 = arith.addi %add3A_276, %iota3A : vector<16xi32>
        %add3A_278 = arith.addi %mul3A_274, %add3A_277 : vector<16xi32>
        %ge3A_279 = arith.cmpf oge, %get3A_271, %gather3A : vector<16xf32>
        %swap3A_280 = arith.index_cast %min3A_268 : i32 to index
        %swap3A_281 = tpu.vector_load %arg17[%swap3A_280] masked %ge3A_279 {strides = array<i32>} : memref<1024xf32, #tpu.memory_space<vmem>>, vector<16xf32>, vector<16xi1>
        tpu.vector_store %arg17[%swap3A_280], %get3A_271 masked %ge3A_279 {strides = array<i32>} : memref<1024xf32, #tpu.memory_space<vmem>>, vector<16xf32>, vector<16xi1>
        %swap3A_282 = arith.index_cast %min3A_268 : i32 to index
        %swap3A_283 = tpu.vector_load %arg18[%swap3A_282] masked %ge3A_279 {strides = array<i32>} : memref<1024xi32, #tpu.memory_space<vmem>>, vector<16xi32>, vector<16xi1>
        tpu.vector_store %arg18[%swap3A_282], %add3A_278 masked %ge3A_279 {strides = array<i32>} : memref<1024xi32, #tpu.memory_space<vmem>>, vector<16xi32>, vector<16xi1>
        %convert_element_type3A_284 = arith.extui %ge3A_279 : vector<16xi1> to vector<16xi32>
        %reduce_sum3A_285 = arith.constant true
        %reduce_sum3A_286 = vector.broadcast %reduce_sum3A_285 : i1 to vector<16xi1>
        %reduce_sum3A_287 = tpu.scan <sum>, %convert_element_type3A_284 masked %reduce_sum3A_286 : vector<16xi32>, vector<16xi1> -> vector<16xi32>
        %reduce_sum3A_288 = vector.extract %reduce_sum3A_287[15] : i32 from vector<16xi32>
        %add3A_289 = arith.addi %min3A_268, %reduce_sum3A_288 : i32
        %min3A_290 = arith.constant 1008 : i32
        %min3A_291 = arith.minsi %add3A_289, %min3A_290 : i32
        %get3A_292 = arith.index_cast %while3A_244 : i32 to index
        %get3A_293 = arith.constant 32 : index
        %get3A_294 = tpu.vector_load %arg16[%get3A_292, %get3A_293] {strides = array<i32>} : memref<160x128xf32, #tpu.memory_space<vmem>>, vector<16xf32>,
        %mul3A_295 = arith.constant 128 : i32
        %mul3A_296 = vector.broadcast %mul3A_295 : i32 to vector<16xi32>
        %mul3A_297 = arith.muli %gather3A_247, %mul3A_296 : vector<16xi32>
        %add3A_298 = arith.constant 32 : i32
        %add3A_299 = vector.broadcast %add3A_298 : i32 to vector<16xi32>
        %add3A_300 = arith.addi %add3A_299, %iota3A : vector<16xi32>
        %add3A_301 = arith.addi %mul3A_297, %add3A_300 : vector<16xi32>
        %ge3A_302 = arith.cmpf oge, %get3A_294, %gather3A : vector<16xf32>
        %swap3A_303 = arith.index_cast %min3A_291 : i32 to index
        %swap3A_304 = tpu.vector_load %arg17[%swap3A_303] masked %ge3A_302 {strides = array<i32>} : memref<1024xf32, #tpu.memory_space<vmem>>, vector<16xf32>, vector<16xi1>
        tpu.vector_store %arg17[%swap3A_303], %get3A_294 masked %ge3A_302 {strides = array<i32>} : memref<1024xf32, #tpu.memory_space<vmem>>, vector<16xf32>, vector<16xi1>
        %swap3A_305 = arith.index_cast %min3A_291 : i32 to index
        %swap3A_306 = tpu.vector_load %arg18[%swap3A_305] masked %ge3A_302 {strides = array<i32>} : memref<1024xi32, #tpu.memory_space<vmem>>, vector<16xi32>, vector<16xi1>
        tpu.vector_store %arg18[%swap3A_305], %add3A_301 masked %ge3A_302 {strides = array<i32>} : memref<1024xi32, #tpu.memory_space<vmem>>, vector<16xi32>, vector<16xi1>
        %convert_element_type3A_307 = arith.extui %ge3A_302 : vector<16xi1> to vector<16xi32>
        %reduce_sum3A_308 = arith.constant true
        %reduce_sum3A_309 = vector.broadcast %reduce_sum3A_308 : i1 to vector<16xi1>
        %reduce_sum3A_310 = tpu.scan <sum>, %convert_element_type3A_307 masked %reduce_sum3A_309 : vector<16xi32>, vector<16xi1> -> vector<16xi32>
        %reduce_sum3A_311 = vector.extract %reduce_sum3A_310[15] : i32 from vector<16xi32>
        %add3A_312 = arith.addi %min3A_291, %reduce_sum3A_311 : i32
        %min3A_313 = arith.constant 1008 : i32
        %min3A_314 = arith.minsi %add3A_312, %min3A_313 : i32
        %get3A_315 = arith.index_cast %while3A_244 : i32 to index
        %get3A_316 = arith.constant 48 : index
        %get3A_317 = tpu.vector_load %arg16[%get3A_315, %get3A_316] {strides = array<i32>} : memref<160x128xf32, #tpu.memory_space<vmem>>, vector<16xf32>,
        %mul3A_318 = arith.constant 128 : i32
        %mul3A_319 = vector.broadcast %mul3A_318 : i32 to vector<16xi32>
        %mul3A_320 = arith.muli %gather3A_247, %mul3A_319 : vector<16xi32>
        %add3A_321 = arith.constant 48 : i32
        %add3A_322 = vector.broadcast %add3A_321 : i32 to vector<16xi32>
        %add3A_323 = arith.addi %add3A_322, %iota3A : vector<16xi32>
        %add3A_324 = arith.addi %mul3A_320, %add3A_323 : vector<16xi32>
        %ge3A_325 = arith.cmpf oge, %get3A_317, %gather3A : vector<16xf32>
        %swap3A_326 = arith.index_cast %min3A_314 : i32 to index
        %swap3A_327 = tpu.vector_load %arg17[%swap3A_326] masked %ge3A_325 {strides = array<i32>} : memref<1024xf32, #tpu.memory_space<vmem>>, vector<16xf32>, vector<16xi1>
        tpu.vector_store %arg17[%swap3A_326], %get3A_317 masked %ge3A_325 {strides = array<i32>} : memref<1024xf32, #tpu.memory_space<vmem>>, vector<16xf32>, vector<16xi1>
        %swap3A_328 = arith.index_cast %min3A_314 : i32 to index
        %swap3A_329 = tpu.vector_load %arg18[%swap3A_328] masked %ge3A_325 {strides = array<i32>} : memref<1024xi32, #tpu.memory_space<vmem>>, vector<16xi32>, vector<16xi1>
        tpu.vector_store %arg18[%swap3A_328], %add3A_324 masked %ge3A_325 {strides = array<i32>} : memref<1024xi32, #tpu.memory_space<vmem>>, vector<16xi32>, vector<16xi1>
        %convert_element_type3A_330 = arith.extui %ge3A_325 : vector<16xi1> to vector<16xi32>
        %reduce_sum3A_331 = arith.constant true
        %reduce_sum3A_332 = vector.broadcast %reduce_sum3A_331 : i1 to vector<16xi1>
        %reduce_sum3A_333 = tpu.scan <sum>, %convert_element_type3A_330 masked %reduce_sum3A_332 : vector<16xi32>, vector<16xi1> -> vector<16xi32>
        %reduce_sum3A_334 = vector.extract %reduce_sum3A_333[15] : i32 from vector<16xi32>
        %add3A_335 = arith.addi %min3A_314, %reduce_sum3A_334 : i32
        %min3A_336 = arith.constant 1008 : i32
        %min3A_337 = arith.minsi %add3A_335, %min3A_336 : i32
        %get3A_338 = arith.index_cast %while3A_244 : i32 to index
        %get3A_339 = arith.constant 64 : index
        %get3A_340 = tpu.vector_load %arg16[%get3A_338, %get3A_339] {strides = array<i32>} : memref<160x128xf32, #tpu.memory_space<vmem>>, vector<16xf32>,
        %mul3A_341 = arith.constant 128 : i32
        %mul3A_342 = vector.broadcast %mul3A_341 : i32 to vector<16xi32>
        %mul3A_343 = arith.muli %gather3A_247, %mul3A_342 : vector<16xi32>
        %add3A_344 = arith.constant 64 : i32
        %add3A_345 = vector.broadcast %add3A_344 : i32 to vector<16xi32>
        %add3A_346 = arith.addi %add3A_345, %iota3A : vector<16xi32>
        %add3A_347 = arith.addi %mul3A_343, %add3A_346 : vector<16xi32>
        %ge3A_348 = arith.cmpf oge, %get3A_340, %gather3A : vector<16xf32>
        %swap3A_349 = arith.index_cast %min3A_337 : i32 to index
        %swap3A_350 = tpu.vector_load %arg17[%swap3A_349] masked %ge3A_348 {strides = array<i32>} : memref<1024xf32, #tpu.memory_space<vmem>>, vector<16xf32>, vector<16xi1>
        tpu.vector_store %arg17[%swap3A_349], %get3A_340 masked %ge3A_348 {strides = array<i32>} : memref<1024xf32, #tpu.memory_space<vmem>>, vector<16xf32>, vector<16xi1>
        %swap3A_351 = arith.index_cast %min3A_337 : i32 to index
        %swap3A_352 = tpu.vector_load %arg18[%swap3A_351] masked %ge3A_348 {strides = array<i32>} : memref<1024xi32, #tpu.memory_space<vmem>>, vector<16xi32>, vector<16xi1>
        tpu.vector_store %arg18[%swap3A_351], %add3A_347 masked %ge3A_348 {strides = array<i32>} : memref<1024xi32, #tpu.memory_space<vmem>>, vector<16xi32>, vector<16xi1>
        %convert_element_type3A_353 = arith.extui %ge3A_348 : vector<16xi1> to vector<16xi32>
        %reduce_sum3A_354 = arith.constant true
        %reduce_sum3A_355 = vector.broadcast %reduce_sum3A_354 : i1 to vector<16xi1>
        %reduce_sum3A_356 = tpu.scan <sum>, %convert_element_type3A_353 masked %reduce_sum3A_355 : vector<16xi32>, vector<16xi1> -> vector<16xi32>
        %reduce_sum3A_357 = vector.extract %reduce_sum3A_356[15] : i32 from vector<16xi32>
        %add3A_358 = arith.addi %min3A_337, %reduce_sum3A_357 : i32
        %min3A_359 = arith.constant 1008 : i32
        %min3A_360 = arith.minsi %add3A_358, %min3A_359 : i32
        %get3A_361 = arith.index_cast %while3A_244 : i32 to index
        %get3A_362 = arith.constant 80 : index
        %get3A_363 = tpu.vector_load %arg16[%get3A_361, %get3A_362] {strides = array<i32>} : memref<160x128xf32, #tpu.memory_space<vmem>>, vector<16xf32>,
        %mul3A_364 = arith.constant 128 : i32
        %mul3A_365 = vector.broadcast %mul3A_364 : i32 to vector<16xi32>
        %mul3A_366 = arith.muli %gather3A_247, %mul3A_365 : vector<16xi32>
        %add3A_367 = arith.constant 80 : i32
        %add3A_368 = vector.broadcast %add3A_367 : i32 to vector<16xi32>
        %add3A_369 = arith.addi %add3A_368, %iota3A : vector<16xi32>
        %add3A_370 = arith.addi %mul3A_366, %add3A_369 : vector<16xi32>
        %ge3A_371 = arith.cmpf oge, %get3A_363, %gather3A : vector<16xf32>
        %swap3A_372 = arith.index_cast %min3A_360 : i32 to index
        %swap3A_373 = tpu.vector_load %arg17[%swap3A_372] masked %ge3A_371 {strides = array<i32>} : memref<1024xf32, #tpu.memory_space<vmem>>, vector<16xf32>, vector<16xi1>
        tpu.vector_store %arg17[%swap3A_372], %get3A_363 masked %ge3A_371 {strides = array<i32>} : memref<1024xf32, #tpu.memory_space<vmem>>, vector<16xf32>, vector<16xi1>
        %swap3A_374 = arith.index_cast %min3A_360 : i32 to index
        %swap3A_375 = tpu.vector_load %arg18[%swap3A_374] masked %ge3A_371 {strides = array<i32>} : memref<1024xi32, #tpu.memory_space<vmem>>, vector<16xi32>, vector<16xi1>
        tpu.vector_store %arg18[%swap3A_374], %add3A_370 masked %ge3A_371 {strides = array<i32>} : memref<1024xi32, #tpu.memory_space<vmem>>, vector<16xi32>, vector<16xi1>
        %convert_element_type3A_376 = arith.extui %ge3A_371 : vector<16xi1> to vector<16xi32>
        %reduce_sum3A_377 = arith.constant true
        %reduce_sum3A_378 = vector.broadcast %reduce_sum3A_377 : i1 to vector<16xi1>
        %reduce_sum3A_379 = tpu.scan <sum>, %convert_element_type3A_376 masked %reduce_sum3A_378 : vector<16xi32>, vector<16xi1> -> vector<16xi32>
        %reduce_sum3A_380 = vector.extract %reduce_sum3A_379[15] : i32 from vector<16xi32>
        %add3A_381 = arith.addi %min3A_360, %reduce_sum3A_380 : i32
        %min3A_382 = arith.constant 1008 : i32
        %min3A_383 = arith.minsi %add3A_381, %min3A_382 : i32
        %get3A_384 = arith.index_cast %while3A_244 : i32 to index
        %get3A_385 = arith.constant 96 : index
        %get3A_386 = tpu.vector_load %arg16[%get3A_384, %get3A_385] {strides = array<i32>} : memref<160x128xf32, #tpu.memory_space<vmem>>, vector<16xf32>,
        %mul3A_387 = arith.constant 128 : i32
        %mul3A_388 = vector.broadcast %mul3A_387 : i32 to vector<16xi32>
        %mul3A_389 = arith.muli %gather3A_247, %mul3A_388 : vector<16xi32>
        %add3A_390 = arith.constant 96 : i32
        %add3A_391 = vector.broadcast %add3A_390 : i32 to vector<16xi32>
        %add3A_392 = arith.addi %add3A_391, %iota3A : vector<16xi32>
        %add3A_393 = arith.addi %mul3A_389, %add3A_392 : vector<16xi32>
        %ge3A_394 = arith.cmpf oge, %get3A_386, %gather3A : vector<16xf32>
        %swap3A_395 = arith.index_cast %min3A_383 : i32 to index
        %swap3A_396 = tpu.vector_load %arg17[%swap3A_395] masked %ge3A_394 {strides = array<i32>} : memref<1024xf32, #tpu.memory_space<vmem>>, vector<16xf32>, vector<16xi1>
        tpu.vector_store %arg17[%swap3A_395], %get3A_386 masked %ge3A_394 {strides = array<i32>} : memref<1024xf32, #tpu.memory_space<vmem>>, vector<16xf32>, vector<16xi1>
        %swap3A_397 = arith.index_cast %min3A_383 : i32 to index
        %swap3A_398 = tpu.vector_load %arg18[%swap3A_397] masked %ge3A_394 {strides = array<i32>} : memref<1024xi32, #tpu.memory_space<vmem>>, vector<16xi32>, vector<16xi1>
        tpu.vector_store %arg18[%swap3A_397], %add3A_393 masked %ge3A_394 {strides = array<i32>} : memref<1024xi32, #tpu.memory_space<vmem>>, vector<16xi32>, vector<16xi1>
        %convert_element_type3A_399 = arith.extui %ge3A_394 : vector<16xi1> to vector<16xi32>
        %reduce_sum3A_400 = arith.constant true
        %reduce_sum3A_401 = vector.broadcast %reduce_sum3A_400 : i1 to vector<16xi1>
        %reduce_sum3A_402 = tpu.scan <sum>, %convert_element_type3A_399 masked %reduce_sum3A_401 : vector<16xi32>, vector<16xi1> -> vector<16xi32>
        %reduce_sum3A_403 = vector.extract %reduce_sum3A_402[15] : i32 from vector<16xi32>
        %add3A_404 = arith.addi %min3A_383, %reduce_sum3A_403 : i32
        %min3A_405 = arith.constant 1008 : i32
        %min3A_406 = arith.minsi %add3A_404, %min3A_405 : i32
        %get3A_407 = arith.index_cast %while3A_244 : i32 to index
        %get3A_408 = arith.constant 112 : index
        %get3A_409 = tpu.vector_load %arg16[%get3A_407, %get3A_408] {strides = array<i32>} : memref<160x128xf32, #tpu.memory_space<vmem>>, vector<16xf32>,
        %mul3A_410 = arith.constant 128 : i32
        %mul3A_411 = vector.broadcast %mul3A_410 : i32 to vector<16xi32>
        %mul3A_412 = arith.muli %gather3A_247, %mul3A_411 : vector<16xi32>
        %add3A_413 = arith.constant 112 : i32
        %add3A_414 = vector.broadcast %add3A_413 : i32 to vector<16xi32>
        %add3A_415 = arith.addi %add3A_414, %iota3A : vector<16xi32>
        %add3A_416 = arith.addi %mul3A_412, %add3A_415 : vector<16xi32>
        %ge3A_417 = arith.cmpf oge, %get3A_409, %gather3A : vector<16xf32>
        %swap3A_418 = arith.index_cast %min3A_406 : i32 to index
        %swap3A_419 = tpu.vector_load %arg17[%swap3A_418] masked %ge3A_417 {strides = array<i32>} : memref<1024xf32, #tpu.memory_space<vmem>>, vector<16xf32>, vector<16xi1>
        tpu.vector_store %arg17[%swap3A_418], %get3A_409 masked %ge3A_417 {strides = array<i32>} : memref<1024xf32, #tpu.memory_space<vmem>>, vector<16xf32>, vector<16xi1>
        %swap3A_420 = arith.index_cast %min3A_406 : i32 to index
        %swap3A_421 = tpu.vector_load %arg18[%swap3A_420] masked %ge3A_417 {strides = array<i32>} : memref<1024xi32, #tpu.memory_space<vmem>>, vector<16xi32>, vector<16xi1>
        tpu.vector_store %arg18[%swap3A_420], %add3A_416 masked %ge3A_417 {strides = array<i32>} : memref<1024xi32, #tpu.memory_space<vmem>>, vector<16xi32>, vector<16xi1>
        %convert_element_type3A_422 = arith.extui %ge3A_417 : vector<16xi1> to vector<16xi32>
        %reduce_sum3A_423 = arith.constant true
        %reduce_sum3A_424 = vector.broadcast %reduce_sum3A_423 : i1 to vector<16xi1>
        %reduce_sum3A_425 = tpu.scan <sum>, %convert_element_type3A_422 masked %reduce_sum3A_424 : vector<16xi32>, vector<16xi1> -> vector<16xi32>
        %reduce_sum3A_426 = vector.extract %reduce_sum3A_425[15] : i32 from vector<16xi32>
        %add3A_427 = arith.addi %min3A_406, %reduce_sum3A_426 : i32
        %min3A_428 = arith.constant 1008 : i32
        %min3A_429 = arith.minsi %add3A_427, %min3A_428 : i32
        scf.yield %min3A_429 : i32
      }
      %broadcast_in_dim3A_65 = arith.constant 0xFF800000 : f32
      %broadcast_in_dim3A_66 = vector.broadcast %broadcast_in_dim3A_65 : f32 to vector<16xf32>
      %swap3A = arith.index_cast %while3A_64 : i32 to index
      %swap3A_67 = tpu.vector_load %arg17[%swap3A] {strides = array<i32>} : memref<1024xf32, #tpu.memory_space<vmem>>, vector<16xf32>,
      tpu.vector_store %arg17[%swap3A], %broadcast_in_dim3A_66 {strides = array<i32>} : memref<1024xf32, #tpu.memory_space<vmem>>, vector<16xf32>,
      %broadcast_in_dim3A_68 = arith.constant 1073741824 : i32
      %broadcast_in_dim3A_69 = vector.broadcast %broadcast_in_dim3A_68 : i32 to vector<16xi32>
      %swap3A_70 = arith.index_cast %while3A_64 : i32 to index
      %swap3A_71 = tpu.vector_load %arg18[%swap3A_70] {strides = array<i32>} : memref<1024xi32, #tpu.memory_space<vmem>>, vector<16xi32>,
      tpu.vector_store %arg18[%swap3A_70], %broadcast_in_dim3A_69 {strides = array<i32>} : memref<1024xi32, #tpu.memory_space<vmem>>, vector<16xi32>,
      %add3A_72 = arith.constant 15 : i32
      %add3A_73 = arith.addi %while3A_64, %add3A_72 : i32
      %shift_right_arithmetic3A = arith.constant 4 : i32
      %shift_right_arithmetic3A_74 = arith.shrsi %add3A_73, %shift_right_arithmetic3A : i32
      %while3A_75 = arith.constant 0 : i32
      %while3A_76 = arith.constant 0 : i32
      %while3A_77 = arith.subi %shift_right_arithmetic3A_74, %while3A_76 : i32
      %while3A_78 = arith.addi %while3A_76, %while3A_77 : i32
      %while3A_79 = arith.constant 1 : i32
      %while3A_80 = arith.divsi %while3A_77, %while3A_79 : i32
      %while3A_81 = arith.muli %while3A_80, %while3A_79 : i32
      %while3A_82 = arith.addi %while3A_76, %while3A_81 : i32
      %while3A_83 = arith.constant 1 : i32
      scf.for %while3A_244 = %while3A_76 to %while3A_82 step %while3A_83  : i32 {
        %mul3A_245 = arith.constant 16 : i32
        %mul3A_246 = arith.muli %while3A_244, %mul3A_245 : i32
        %get3A = arith.index_cast %mul3A_246 : i32 to index
        %get3A_247 = tpu.vector_load %arg17[%get3A] {strides = array<i32>} : memref<1024xf32, #tpu.memory_space<vmem>>, vector<16xf32>,
        %bitcast3A = vector.bitcast %get3A_247 : vector<16xf32> to vector<16xi32>
        %ge3A_248 = arith.constant 0 : i32
        %ge3A_249 = vector.broadcast %ge3A_248 : i32 to vector<16xi32>
        %ge3A_250 = arith.cmpi sge, %bitcast3A, %ge3A_249 : vector<16xi32>
        %xor3A_251 = arith.constant 2147483647 : i32
        %xor3A_252 = vector.broadcast %xor3A_251 : i32 to vector<16xi32>
        %xor3A_253 = arith.xori %bitcast3A, %xor3A_252 : vector<16xi32>
        %select_n3A_254 = arith.select %ge3A_250, %bitcast3A, %xor3A_253 : vector<16xi1>, vector<16xi32>
        %mul3A_255 = arith.constant 16 : i32
        %mul3A_256 = arith.muli %while3A_244, %mul3A_255 : i32
        %swap3A_257 = arith.index_cast %mul3A_256 : i32 to index
        %swap3A_258 = tpu.vector_load %arg19[%swap3A_257] {strides = array<i32>} : memref<1024xi32, #tpu.memory_space<vmem>>, vector<16xi32>,
        tpu.vector_store %arg19[%swap3A_257], %select_n3A_254 {strides = array<i32>} : memref<1024xi32, #tpu.memory_space<vmem>>, vector<16xi32>,
      }
      %while3A_84 = arith.constant 1 : i32
      scf.for %while3A_244 = %while3A_82 to %while3A_78 step %while3A_84  : i32 {
        %mul3A_245 = arith.constant 16 : i32
        %mul3A_246 = arith.muli %while3A_244, %mul3A_245 : i32
        %get3A = arith.index_cast %mul3A_246 : i32 to index
        %get3A_247 = tpu.vector_load %arg17[%get3A] {strides = array<i32>} : memref<1024xf32, #tpu.memory_space<vmem>>, vector<16xf32>,
        %bitcast3A = vector.bitcast %get3A_247 : vector<16xf32> to vector<16xi32>
        %ge3A_248 = arith.constant 0 : i32
        %ge3A_249 = vector.broadcast %ge3A_248 : i32 to vector<16xi32>
        %ge3A_250 = arith.cmpi sge, %bitcast3A, %ge3A_249 : vector<16xi32>
        %xor3A_251 = arith.constant 2147483647 : i32
        %xor3A_252 = vector.broadcast %xor3A_251 : i32 to vector<16xi32>
        %xor3A_253 = arith.xori %bitcast3A, %xor3A_252 : vector<16xi32>
        %select_n3A_254 = arith.select %ge3A_250, %bitcast3A, %xor3A_253 : vector<16xi1>, vector<16xi32>
        %mul3A_255 = arith.constant 16 : i32
        %mul3A_256 = arith.muli %while3A_244, %mul3A_255 : i32
        %swap3A_257 = arith.index_cast %mul3A_256 : i32 to index
        %swap3A_258 = tpu.vector_load %arg19[%swap3A_257] {strides = array<i32>} : memref<1024xi32, #tpu.memory_space<vmem>>, vector<16xi32>,
        tpu.vector_store %arg19[%swap3A_257], %select_n3A_254 {strides = array<i32>} : memref<1024xi32, #tpu.memory_space<vmem>>, vector<16xi32>,
      }
      %bitcast_convert_type3A = tpu.bitcast %gather3A : vector<16xf32> -> vector<16xi32>
      %ge3A = arith.constant 0 : i32
      %ge3A_85 = vector.broadcast %ge3A : i32 to vector<16xi32>
      %ge3A_86 = arith.cmpi sge, %bitcast_convert_type3A, %ge3A_85 : vector<16xi32>
      %xor3A = arith.constant 2147483647 : i32
      %xor3A_87 = vector.broadcast %xor3A : i32 to vector<16xi32>
      %xor3A_88 = arith.xori %bitcast_convert_type3A, %xor3A_87 : vector<16xi32>
      %select_n3A = arith.select %ge3A_86, %bitcast_convert_type3A, %xor3A_88 : vector<16xi1>, vector<16xi32>
      %reduce_max3A_89 = arith.constant true
      %reduce_max3A_90 = vector.broadcast %reduce_max3A_89 : i1 to vector<16xi1>
      %reduce_max3A_91 = arith.constant -2147483648 : i32
      %reduce_max3A_92 = vector.broadcast %reduce_max3A_91 : i32 to vector<16xi32>
      %reduce_max3A_93 = arith.xori %select_n3A, %reduce_max3A_92 : vector<16xi32>
      %reduce_max3A_94 = tpu.scan <max>, %reduce_max3A_93 masked %reduce_max3A_90 : vector<16xi32>, vector<16xi1> -> vector<16xi32>
      %reduce_max3A_95 = arith.xori %reduce_max3A_94, %reduce_max3A_92 : vector<16xi32>
      %reduce_max3A_96 = vector.extract %reduce_max3A_95[15] : i32 from vector<16xi32>
      %bitcast_convert_type3A_97 = tpu.bitcast %gather3A_14 : vector<16xf32> -> vector<16xi32>
      %ge3A_98 = arith.constant 0 : i32
      %ge3A_99 = vector.broadcast %ge3A_98 : i32 to vector<16xi32>
      %ge3A_100 = arith.cmpi sge, %bitcast_convert_type3A_97, %ge3A_99 : vector<16xi32>
      %xor3A_101 = arith.constant 2147483647 : i32
      %xor3A_102 = vector.broadcast %xor3A_101 : i32 to vector<16xi32>
      %xor3A_103 = arith.xori %bitcast_convert_type3A_97, %xor3A_102 : vector<16xi32>
      %select_n3A_104 = arith.select %ge3A_100, %bitcast_convert_type3A_97, %xor3A_103 : vector<16xi1>, vector<16xi32>
      %reduce_max3A_105 = arith.constant true
      %reduce_max3A_106 = vector.broadcast %reduce_max3A_105 : i1 to vector<16xi1>
      %reduce_max3A_107 = arith.constant -2147483648 : i32
      %reduce_max3A_108 = vector.broadcast %reduce_max3A_107 : i32 to vector<16xi32>
      %reduce_max3A_109 = arith.xori %select_n3A_104, %reduce_max3A_108 : vector<16xi32>
      %reduce_max3A_110 = tpu.scan <max>, %reduce_max3A_109 masked %reduce_max3A_106 : vector<16xi32>, vector<16xi1> -> vector<16xi32>
      %reduce_max3A_111 = arith.xori %reduce_max3A_110, %reduce_max3A_108 : vector<16xi32>
      %reduce_max3A_112 = vector.extract %reduce_max3A_111[15] : i32 from vector<16xi32>
      %add3A_113 = arith.constant 1 : i32
      %add3A_114 = arith.addi %reduce_max3A_112, %add3A_113 : i32
      %while3A_115:2 = scf.while (%while3A_244 = %reduce_max3A_96, %while3A_245 = %add3A_114) : (i32, i32) -> (i32, i32) {
        %convert_element_type3A_246 = arith.sitofp %while3A_245 : i32 to f32
        %convert_element_type3A_247 = arith.sitofp %while3A_244 : i32 to f32
        %sub3A_248 = arith.subf %convert_element_type3A_246, %convert_element_type3A_247 : f32
        %gt3A_249 = arith.constant 1.500000e+00 : f32
        %gt3A_250 = arith.cmpf ogt, %sub3A_248, %gt3A_249 : f32
        scf.condition(%gt3A_250) %while3A_244, %while3A_245 : i32, i32
      } do {
      ^bb0(%while3A_244: i32, %while3A_245: i32):
        %shift_right_arithmetic3A_246 = arith.constant 1 : i32
        %shift_right_arithmetic3A_247 = arith.shrsi %while3A_244, %shift_right_arithmetic3A_246 : i32
        %shift_right_arithmetic3A_248 = arith.constant 1 : i32
        %shift_right_arithmetic3A_249 = arith.shrsi %while3A_245, %shift_right_arithmetic3A_248 : i32
        %add3A_250 = arith.addi %shift_right_arithmetic3A_247, %shift_right_arithmetic3A_249 : i32
        %and3A = arith.andi %while3A_244, %while3A_245 : i32
        %and3A_251 = arith.constant 1 : i32
        %and3A_252 = arith.andi %and3A, %and3A_251 : i32
        %add3A_253 = arith.addi %add3A_250, %and3A_252 : i32
        %while3A_254 = arith.constant 0 : i32
        %while3A_255 = arith.constant 0 : i32
        %while3A_256 = arith.subi %shift_right_arithmetic3A_74, %while3A_254 : i32
        %while3A_257 = arith.addi %while3A_254, %while3A_256 : i32
        %while3A_258 = arith.constant 1 : i32
        %while3A_259 = arith.divsi %while3A_256, %while3A_258 : i32
        %while3A_260 = arith.muli %while3A_259, %while3A_258 : i32
        %while3A_261 = arith.addi %while3A_254, %while3A_260 : i32
        %while3A_262 = arith.constant 1 : i32
        %while3A_263 = scf.for %while3A_269 = %while3A_254 to %while3A_261 step %while3A_262 iter_args(%while3A_270 = %while3A_255) -> (i32)  : i32 {
          %mul3A_271 = arith.constant 16 : i32
          %mul3A_272 = arith.muli %while3A_269, %mul3A_271 : i32
          %get3A = arith.index_cast %mul3A_272 : i32 to index
          %get3A_273 = tpu.vector_load %arg19[%get3A] {strides = array<i32>} : memref<1024xi32, #tpu.memory_space<vmem>>, vector<16xi32>,
          %ge3A_274 = vector.broadcast %add3A_253 : i32 to vector<16xi32>
          %ge3A_275 = arith.cmpi sge, %get3A_273, %ge3A_274 : vector<16xi32>
          %convert_element_type3A_276 = arith.extui %ge3A_275 : vector<16xi1> to vector<16xi32>
          %reduce_sum3A = arith.constant true
          %reduce_sum3A_277 = vector.broadcast %reduce_sum3A : i1 to vector<16xi1>
          %reduce_sum3A_278 = tpu.scan <sum>, %convert_element_type3A_276 masked %reduce_sum3A_277 : vector<16xi32>, vector<16xi1> -> vector<16xi32>
          %reduce_sum3A_279 = vector.extract %reduce_sum3A_278[15] : i32 from vector<16xi32>
          %add3A_280 = arith.addi %while3A_270, %reduce_sum3A_279 : i32
          scf.yield %add3A_280 : i32
        }
        %while3A_264 = arith.constant 1 : i32
        %while3A_265 = scf.for %while3A_269 = %while3A_261 to %while3A_257 step %while3A_264 iter_args(%while3A_270 = %while3A_263) -> (i32)  : i32 {
          %mul3A_271 = arith.constant 16 : i32
          %mul3A_272 = arith.muli %while3A_269, %mul3A_271 : i32
          %get3A = arith.index_cast %mul3A_272 : i32 to index
          %get3A_273 = tpu.vector_load %arg19[%get3A] {strides = array<i32>} : memref<1024xi32, #tpu.memory_space<vmem>>, vector<16xi32>,
          %ge3A_274 = vector.broadcast %add3A_253 : i32 to vector<16xi32>
          %ge3A_275 = arith.cmpi sge, %get3A_273, %ge3A_274 : vector<16xi32>
          %convert_element_type3A_276 = arith.extui %ge3A_275 : vector<16xi1> to vector<16xi32>
          %reduce_sum3A = arith.constant true
          %reduce_sum3A_277 = vector.broadcast %reduce_sum3A : i1 to vector<16xi1>
          %reduce_sum3A_278 = tpu.scan <sum>, %convert_element_type3A_276 masked %reduce_sum3A_277 : vector<16xi32>, vector<16xi1> -> vector<16xi32>
          %reduce_sum3A_279 = vector.extract %reduce_sum3A_278[15] : i32 from vector<16xi32>
          %add3A_280 = arith.addi %while3A_270, %reduce_sum3A_279 : i32
          scf.yield %add3A_280 : i32
        }
        %ge3A_266 = arith.cmpi sge, %while3A_265, %reduce_max3A_28 : i32
        %select_n3A_267 = arith.select %ge3A_266, %add3A_253, %while3A_244 : i32
        %select_n3A_268 = arith.select %ge3A_266, %while3A_245, %add3A_253 : i32
        scf.yield %select_n3A_267, %select_n3A_268 : i32, i32
      }
      %while3A_116 = arith.constant 0 : i32
      %while3A_117 = arith.constant 0.000000e+00 : f32
      %while3A_118 = arith.subi %shift_right_arithmetic3A_74, %while3A_116 : i32
      %while3A_119 = arith.addi %while3A_116, %while3A_118 : i32
      %while3A_120 = arith.constant 1 : i32
      %while3A_121 = arith.divsi %while3A_118, %while3A_120 : i32
      %while3A_122 = arith.muli %while3A_121, %while3A_120 : i32
      %while3A_123 = arith.addi %while3A_116, %while3A_122 : i32
      %while3A_124 = arith.constant 1 : i32
      %while3A_125 = scf.for %while3A_244 = %while3A_116 to %while3A_123 step %while3A_124 iter_args(%while3A_245 = %while3A_117) -> (f32)  : i32 {
        %mul3A_246 = arith.constant 16 : i32
        %mul3A_247 = arith.muli %while3A_244, %mul3A_246 : i32
        %get3A = arith.index_cast %mul3A_247 : i32 to index
        %get3A_248 = tpu.vector_load %arg17[%get3A] {strides = array<i32>} : memref<1024xf32, #tpu.memory_space<vmem>>, vector<16xf32>,
        %mul3A_249 = arith.constant 16 : i32
        %mul3A_250 = arith.muli %while3A_244, %mul3A_249 : i32
        %get3A_251 = arith.index_cast %mul3A_250 : i32 to index
        %get3A_252 = tpu.vector_load %arg19[%get3A_251] {strides = array<i32>} : memref<1024xi32, #tpu.memory_space<vmem>>, vector<16xi32>,
        %ge3A_253 = vector.broadcast %while3A_115#0 : i32 to vector<16xi32>
        %ge3A_254 = arith.cmpi sge, %get3A_252, %ge3A_253 : vector<16xi32>
        %sub3A_255 = arith.subf %get3A_248, %gather3A_14 : vector<16xf32>
        %exp3A = math.exp %sub3A_255 : vector<16xf32>
        %jit3A_256 = arith.constant 0.000000e+00 : f32
        %broadcast_in_dim3A_257 = vector.broadcast %jit3A_256 : f32 to vector<16xf32>
        %select_n3A_258 = arith.select %ge3A_254, %exp3A, %broadcast_in_dim3A_257 : vector<16xi1>, vector<16xf32>
        %mul3A_259 = arith.constant 16 : i32
        %mul3A_260 = arith.muli %while3A_244, %mul3A_259 : i32
        %swap3A_261 = arith.index_cast %mul3A_260 : i32 to index
        %swap3A_262 = tpu.vector_load %arg20[%swap3A_261] {strides = array<i32>} : memref<1024xf32, #tpu.memory_space<vmem>>, vector<16xf32>,
        tpu.vector_store %arg20[%swap3A_261], %select_n3A_258 {strides = array<i32>} : memref<1024xf32, #tpu.memory_space<vmem>>, vector<16xf32>,
        %reduce_sum3A = arith.constant true
        %reduce_sum3A_263 = vector.broadcast %reduce_sum3A : i1 to vector<16xi1>
        %reduce_sum3A_264 = tpu.scan <sum>, %select_n3A_258 masked %reduce_sum3A_263 : vector<16xf32>, vector<16xi1> -> vector<16xf32>
        %reduce_sum3A_265 = vector.extract %reduce_sum3A_264[15] : f32 from vector<16xf32>
        %add3A_266 = arith.addf %while3A_245, %reduce_sum3A_265 : f32
        scf.yield %add3A_266 : f32
      }
      %while3A_126 = arith.constant 1 : i32
      %while3A_127 = scf.for %while3A_244 = %while3A_123 to %while3A_119 step %while3A_126 iter_args(%while3A_245 = %while3A_125) -> (f32)  : i32 {
        %mul3A_246 = arith.constant 16 : i32
        %mul3A_247 = arith.muli %while3A_244, %mul3A_246 : i32
        %get3A = arith.index_cast %mul3A_247 : i32 to index
        %get3A_248 = tpu.vector_load %arg17[%get3A] {strides = array<i32>} : memref<1024xf32, #tpu.memory_space<vmem>>, vector<16xf32>,
        %mul3A_249 = arith.constant 16 : i32
        %mul3A_250 = arith.muli %while3A_244, %mul3A_249 : i32
        %get3A_251 = arith.index_cast %mul3A_250 : i32 to index
        %get3A_252 = tpu.vector_load %arg19[%get3A_251] {strides = array<i32>} : memref<1024xi32, #tpu.memory_space<vmem>>, vector<16xi32>,
        %ge3A_253 = vector.broadcast %while3A_115#0 : i32 to vector<16xi32>
        %ge3A_254 = arith.cmpi sge, %get3A_252, %ge3A_253 : vector<16xi32>
        %sub3A_255 = arith.subf %get3A_248, %gather3A_14 : vector<16xf32>
        %exp3A = math.exp %sub3A_255 : vector<16xf32>
        %jit3A_256 = arith.constant 0.000000e+00 : f32
        %broadcast_in_dim3A_257 = vector.broadcast %jit3A_256 : f32 to vector<16xf32>
        %select_n3A_258 = arith.select %ge3A_254, %exp3A, %broadcast_in_dim3A_257 : vector<16xi1>, vector<16xf32>
        %mul3A_259 = arith.constant 16 : i32
        %mul3A_260 = arith.muli %while3A_244, %mul3A_259 : i32
        %swap3A_261 = arith.index_cast %mul3A_260 : i32 to index
        %swap3A_262 = tpu.vector_load %arg20[%swap3A_261] {strides = array<i32>} : memref<1024xf32, #tpu.memory_space<vmem>>, vector<16xf32>,
        tpu.vector_store %arg20[%swap3A_261], %select_n3A_258 {strides = array<i32>} : memref<1024xf32, #tpu.memory_space<vmem>>, vector<16xf32>,
        %reduce_sum3A = arith.constant true
        %reduce_sum3A_263 = vector.broadcast %reduce_sum3A : i1 to vector<16xi1>
        %reduce_sum3A_264 = tpu.scan <sum>, %select_n3A_258 masked %reduce_sum3A_263 : vector<16xf32>, vector<16xi1> -> vector<16xf32>
        %reduce_sum3A_265 = vector.extract %reduce_sum3A_264[15] : f32 from vector<16xf32>
        %add3A_266 = arith.addf %while3A_245, %reduce_sum3A_265 : f32
        scf.yield %add3A_266 : f32
      }
      %mul3A_128 = arith.mulf %reduce_max3A_19, %while3A_127 : f32
      %while3A_129 = arith.constant 0 : i32
      %while3A_130 = arith.constant 1065353217 : i32
      %while3A_131:2 = scf.while (%while3A_244 = %while3A_129, %while3A_245 = %while3A_130) : (i32, i32) -> (i32, i32) {
        %sub3A_246 = arith.subi %while3A_245, %while3A_244 : i32
        %gt3A_247 = arith.constant 1 : i32
        %gt3A_248 = arith.cmpi sgt, %sub3A_246, %gt3A_247 : i32
        scf.condition(%gt3A_248) %while3A_244, %while3A_245 : i32, i32
      } do {
      ^bb0(%while3A_244: i32, %while3A_245: i32):
        %shift_right_arithmetic3A_246 = arith.constant 1 : i32
        %shift_right_arithmetic3A_247 = arith.shrsi %while3A_244, %shift_right_arithmetic3A_246 : i32
        %shift_right_arithmetic3A_248 = arith.constant 1 : i32
        %shift_right_arithmetic3A_249 = arith.shrsi %while3A_245, %shift_right_arithmetic3A_248 : i32
        %add3A_250 = arith.addi %shift_right_arithmetic3A_247, %shift_right_arithmetic3A_249 : i32
        %and3A = arith.andi %while3A_244, %while3A_245 : i32
        %and3A_251 = arith.constant 1 : i32
        %and3A_252 = arith.andi %and3A, %and3A_251 : i32
        %add3A_253 = arith.addi %add3A_250, %and3A_252 : i32
        %while3A_254 = arith.constant 0 : i32
        %while3A_255 = arith.constant 0.000000e+00 : f32
        %while3A_256 = arith.subi %shift_right_arithmetic3A_74, %while3A_254 : i32
        %while3A_257 = arith.addi %while3A_254, %while3A_256 : i32
        %while3A_258 = arith.constant 1 : i32
        %while3A_259 = arith.divsi %while3A_256, %while3A_258 : i32
        %while3A_260 = arith.muli %while3A_259, %while3A_258 : i32
        %while3A_261 = arith.addi %while3A_254, %while3A_260 : i32
        %while3A_262 = arith.constant 1 : i32
        %while3A_263 = scf.for %while3A_269 = %while3A_254 to %while3A_261 step %while3A_262 iter_args(%while3A_270 = %while3A_255) -> (f32)  : i32 {
          %mul3A_271 = arith.constant 16 : i32
          %mul3A_272 = arith.muli %while3A_269, %mul3A_271 : i32
          %get3A = arith.index_cast %mul3A_272 : i32 to index
          %get3A_273 = tpu.vector_load %arg20[%get3A] {strides = array<i32>} : memref<1024xf32, #tpu.memory_space<vmem>>, vector<16xf32>,
          %bitcast3A = vector.bitcast %get3A_273 : vector<16xf32> to vector<16xi32>
          %gt3A_274 = vector.broadcast %add3A_253 : i32 to vector<16xi32>
          %gt3A_275 = arith.cmpi sgt, %bitcast3A, %gt3A_274 : vector<16xi32>
          %jit3A_276 = arith.constant 0.000000e+00 : f32
          %broadcast_in_dim3A_277 = vector.broadcast %jit3A_276 : f32 to vector<16xf32>
          %select_n3A_278 = arith.select %gt3A_275, %get3A_273, %broadcast_in_dim3A_277 : vector<16xi1>, vector<16xf32>
          %reduce_sum3A = arith.constant true
          %reduce_sum3A_279 = vector.broadcast %reduce_sum3A : i1 to vector<16xi1>
          %reduce_sum3A_280 = tpu.scan <sum>, %select_n3A_278 masked %reduce_sum3A_279 : vector<16xf32>, vector<16xi1> -> vector<16xf32>
          %reduce_sum3A_281 = vector.extract %reduce_sum3A_280[15] : f32 from vector<16xf32>
          %add3A_282 = arith.addf %while3A_270, %reduce_sum3A_281 : f32
          scf.yield %add3A_282 : f32
        }
        %while3A_264 = arith.constant 1 : i32
        %while3A_265 = scf.for %while3A_269 = %while3A_261 to %while3A_257 step %while3A_264 iter_args(%while3A_270 = %while3A_263) -> (f32)  : i32 {
          %mul3A_271 = arith.constant 16 : i32
          %mul3A_272 = arith.muli %while3A_269, %mul3A_271 : i32
          %get3A = arith.index_cast %mul3A_272 : i32 to index
          %get3A_273 = tpu.vector_load %arg20[%get3A] {strides = array<i32>} : memref<1024xf32, #tpu.memory_space<vmem>>, vector<16xf32>,
          %bitcast3A = vector.bitcast %get3A_273 : vector<16xf32> to vector<16xi32>
          %gt3A_274 = vector.broadcast %add3A_253 : i32 to vector<16xi32>
          %gt3A_275 = arith.cmpi sgt, %bitcast3A, %gt3A_274 : vector<16xi32>
          %jit3A_276 = arith.constant 0.000000e+00 : f32
          %broadcast_in_dim3A_277 = vector.broadcast %jit3A_276 : f32 to vector<16xf32>
          %select_n3A_278 = arith.select %gt3A_275, %get3A_273, %broadcast_in_dim3A_277 : vector<16xi1>, vector<16xf32>
          %reduce_sum3A = arith.constant true
          %reduce_sum3A_279 = vector.broadcast %reduce_sum3A : i1 to vector<16xi1>
          %reduce_sum3A_280 = tpu.scan <sum>, %select_n3A_278 masked %reduce_sum3A_279 : vector<16xf32>, vector<16xi1> -> vector<16xf32>
          %reduce_sum3A_281 = vector.extract %reduce_sum3A_280[15] : f32 from vector<16xf32>
          %add3A_282 = arith.addf %while3A_270, %reduce_sum3A_281 : f32
          scf.yield %add3A_282 : f32
        }
        %lt3A_266 = arith.cmpf olt, %while3A_265, %mul3A_128 : f32
        %select_n3A_267 = arith.select %lt3A_266, %while3A_244, %add3A_253 : i32
        %select_n3A_268 = arith.select %lt3A_266, %add3A_253, %while3A_245 : i32
        scf.yield %select_n3A_267, %select_n3A_268 : i32, i32
      }
      %min3A = arith.constant 1065353216 : i32
      %min3A_132 = arith.minsi %while3A_131#1, %min3A : i32
      %while3A_133 = arith.constant 0.000000e+00 : f32
      %while3A_134 = arith.constant 0 : i32
      %while3A_135 = arith.constant 0 : i32
      %while3A_136 = arith.constant 2147483647 : i32
      %while3A_137 = arith.subi %shift_right_arithmetic3A_74, %while3A_135 : i32
      %while3A_138 = arith.addi %while3A_135, %while3A_137 : i32
      %while3A_139 = arith.constant 1 : i32
      %while3A_140 = arith.divsi %while3A_137, %while3A_139 : i32
      %while3A_141 = arith.muli %while3A_140, %while3A_139 : i32
      %while3A_142 = arith.addi %while3A_135, %while3A_141 : i32
      %while3A_143 = arith.constant 1 : i32
      %while3A_144 = scf.for %while3A_244 = %while3A_135 to %while3A_142 step %while3A_143 iter_args(%while3A_245 = %while3A_136) -> (i32)  : i32 {
        %mul3A_246 = arith.constant 16 : i32
        %mul3A_247 = arith.muli %while3A_244, %mul3A_246 : i32
        %get3A = arith.index_cast %mul3A_247 : i32 to index
        %get3A_248 = tpu.vector_load %arg20[%get3A] {strides = array<i32>} : memref<1024xf32, #tpu.memory_space<vmem>>, vector<16xf32>,
        %bitcast3A = vector.bitcast %get3A_248 : vector<16xf32> to vector<16xi32>
        %ge3A_249 = vector.broadcast %min3A_132 : i32 to vector<16xi32>
        %ge3A_250 = arith.cmpi sge, %bitcast3A, %ge3A_249 : vector<16xi32>
        %jit3A_251 = arith.constant 2147483647 : i32
        %broadcast_in_dim3A_252 = vector.broadcast %jit3A_251 : i32 to vector<16xi32>
        %select_n3A_253 = arith.select %ge3A_250, %bitcast3A, %broadcast_in_dim3A_252 : vector<16xi1>, vector<16xi32>
        %reduce_min3A = arith.constant true
        %reduce_min3A_254 = vector.broadcast %reduce_min3A : i1 to vector<16xi1>
        %reduce_min3A_255 = arith.constant -2147483648 : i32
        %reduce_min3A_256 = vector.broadcast %reduce_min3A_255 : i32 to vector<16xi32>
        %reduce_min3A_257 = arith.xori %select_n3A_253, %reduce_min3A_256 : vector<16xi32>
        %reduce_min3A_258 = tpu.scan <min>, %reduce_min3A_257 masked %reduce_min3A_254 : vector<16xi32>, vector<16xi1> -> vector<16xi32>
        %reduce_min3A_259 = arith.xori %reduce_min3A_258, %reduce_min3A_256 : vector<16xi32>
        %reduce_min3A_260 = vector.extract %reduce_min3A_259[15] : i32 from vector<16xi32>
        %min3A_261 = arith.minsi %while3A_245, %reduce_min3A_260 : i32
        scf.yield %min3A_261 : i32
      }
      %while3A_145 = arith.constant 1 : i32
      %while3A_146 = scf.for %while3A_244 = %while3A_142 to %while3A_138 step %while3A_145 iter_args(%while3A_245 = %while3A_144) -> (i32)  : i32 {
        %mul3A_246 = arith.constant 16 : i32
        %mul3A_247 = arith.muli %while3A_244, %mul3A_246 : i32
        %get3A = arith.index_cast %mul3A_247 : i32 to index
        %get3A_248 = tpu.vector_load %arg20[%get3A] {strides = array<i32>} : memref<1024xf32, #tpu.memory_space<vmem>>, vector<16xf32>,
        %bitcast3A = vector.bitcast %get3A_248 : vector<16xf32> to vector<16xi32>
        %ge3A_249 = vector.broadcast %min3A_132 : i32 to vector<16xi32>
        %ge3A_250 = arith.cmpi sge, %bitcast3A, %ge3A_249 : vector<16xi32>
        %jit3A_251 = arith.constant 2147483647 : i32
        %broadcast_in_dim3A_252 = vector.broadcast %jit3A_251 : i32 to vector<16xi32>
        %select_n3A_253 = arith.select %ge3A_250, %bitcast3A, %broadcast_in_dim3A_252 : vector<16xi1>, vector<16xi32>
        %reduce_min3A = arith.constant true
        %reduce_min3A_254 = vector.broadcast %reduce_min3A : i1 to vector<16xi1>
        %reduce_min3A_255 = arith.constant -2147483648 : i32
        %reduce_min3A_256 = vector.broadcast %reduce_min3A_255 : i32 to vector<16xi32>
        %reduce_min3A_257 = arith.xori %select_n3A_253, %reduce_min3A_256 : vector<16xi32>
        %reduce_min3A_258 = tpu.scan <min>, %reduce_min3A_257 masked %reduce_min3A_254 : vector<16xi32>, vector<16xi1> -> vector<16xi32>
        %reduce_min3A_259 = arith.xori %reduce_min3A_258, %reduce_min3A_256 : vector<16xi32>
        %reduce_min3A_260 = vector.extract %reduce_min3A_259[15] : i32 from vector<16xi32>
        %min3A_261 = arith.minsi %while3A_245, %reduce_min3A_260 : i32
        scf.yield %min3A_261 : i32
      }
      %while3A_147 = arith.constant 0 : i32
      %while3A_148 = arith.constant 0.000000e+00 : f32
      %while3A_149 = arith.constant 0 : i32
      %while3A_150 = arith.subi %shift_right_arithmetic3A_74, %while3A_147 : i32
      %while3A_151 = arith.addi %while3A_147, %while3A_150 : i32
      %while3A_152 = arith.constant 1 : i32
      %while3A_153 = arith.divsi %while3A_150, %while3A_152 : i32
      %while3A_154 = arith.muli %while3A_153, %while3A_152 : i32
      %while3A_155 = arith.addi %while3A_147, %while3A_154 : i32
      %while3A_156 = arith.constant 1 : i32
      %while3A_157:2 = scf.for %while3A_244 = %while3A_147 to %while3A_155 step %while3A_156 iter_args(%while3A_245 = %while3A_148, %while3A_246 = %while3A_149) -> (f32, i32)  : i32 {
        %mul3A_247 = arith.constant 16 : i32
        %mul3A_248 = arith.muli %while3A_244, %mul3A_247 : i32
        %get3A = arith.index_cast %mul3A_248 : i32 to index
        %get3A_249 = tpu.vector_load %arg20[%get3A] {strides = array<i32>} : memref<1024xf32, #tpu.memory_space<vmem>>, vector<16xf32>,
        %bitcast3A = vector.bitcast %get3A_249 : vector<16xf32> to vector<16xi32>
        %gt3A_250 = vector.broadcast %while3A_146 : i32 to vector<16xi32>
        %gt3A_251 = arith.cmpi sgt, %bitcast3A, %gt3A_250 : vector<16xi32>
        %jit3A_252 = arith.constant 0.000000e+00 : f32
        %broadcast_in_dim3A_253 = vector.broadcast %jit3A_252 : f32 to vector<16xf32>
        %select_n3A_254 = arith.select %gt3A_251, %get3A_249, %broadcast_in_dim3A_253 : vector<16xi1>, vector<16xf32>
        %reduce_sum3A = arith.constant true
        %reduce_sum3A_255 = vector.broadcast %reduce_sum3A : i1 to vector<16xi1>
        %reduce_sum3A_256 = tpu.scan <sum>, %select_n3A_254 masked %reduce_sum3A_255 : vector<16xf32>, vector<16xi1> -> vector<16xf32>
        %reduce_sum3A_257 = vector.extract %reduce_sum3A_256[15] : f32 from vector<16xf32>
        %add3A_258 = arith.addf %while3A_245, %reduce_sum3A_257 : f32
        %eq3A = vector.broadcast %while3A_146 : i32 to vector<16xi32>
        %eq3A_259 = arith.cmpi eq, %bitcast3A, %eq3A : vector<16xi32>
        %convert_element_type3A_260 = arith.extui %eq3A_259 : vector<16xi1> to vector<16xi32>
        %reduce_sum3A_261 = arith.constant true
        %reduce_sum3A_262 = vector.broadcast %reduce_sum3A_261 : i1 to vector<16xi1>
        %reduce_sum3A_263 = tpu.scan <sum>, %convert_element_type3A_260 masked %reduce_sum3A_262 : vector<16xi32>, vector<16xi1> -> vector<16xi32>
        %reduce_sum3A_264 = vector.extract %reduce_sum3A_263[15] : i32 from vector<16xi32>
        %add3A_265 = arith.addi %while3A_246, %reduce_sum3A_264 : i32
        scf.yield %add3A_258, %add3A_265 : f32, i32
      }
      %while3A_158 = arith.constant 1 : i32
      %while3A_159:2 = scf.for %while3A_244 = %while3A_155 to %while3A_151 step %while3A_158 iter_args(%while3A_245 = %while3A_157#0, %while3A_246 = %while3A_157#1) -> (f32, i32)  : i32 {
        %mul3A_247 = arith.constant 16 : i32
        %mul3A_248 = arith.muli %while3A_244, %mul3A_247 : i32
        %get3A = arith.index_cast %mul3A_248 : i32 to index
        %get3A_249 = tpu.vector_load %arg20[%get3A] {strides = array<i32>} : memref<1024xf32, #tpu.memory_space<vmem>>, vector<16xf32>,
        %bitcast3A = vector.bitcast %get3A_249 : vector<16xf32> to vector<16xi32>
        %gt3A_250 = vector.broadcast %while3A_146 : i32 to vector<16xi32>
        %gt3A_251 = arith.cmpi sgt, %bitcast3A, %gt3A_250 : vector<16xi32>
        %jit3A_252 = arith.constant 0.000000e+00 : f32
        %broadcast_in_dim3A_253 = vector.broadcast %jit3A_252 : f32 to vector<16xf32>
        %select_n3A_254 = arith.select %gt3A_251, %get3A_249, %broadcast_in_dim3A_253 : vector<16xi1>, vector<16xf32>
        %reduce_sum3A = arith.constant true
        %reduce_sum3A_255 = vector.broadcast %reduce_sum3A : i1 to vector<16xi1>
        %reduce_sum3A_256 = tpu.scan <sum>, %select_n3A_254 masked %reduce_sum3A_255 : vector<16xf32>, vector<16xi1> -> vector<16xf32>
        %reduce_sum3A_257 = vector.extract %reduce_sum3A_256[15] : f32 from vector<16xf32>
        %add3A_258 = arith.addf %while3A_245, %reduce_sum3A_257 : f32
        %eq3A = vector.broadcast %while3A_146 : i32 to vector<16xi32>
        %eq3A_259 = arith.cmpi eq, %bitcast3A, %eq3A : vector<16xi32>
        %convert_element_type3A_260 = arith.extui %eq3A_259 : vector<16xi1> to vector<16xi32>
        %reduce_sum3A_261 = arith.constant true
        %reduce_sum3A_262 = vector.broadcast %reduce_sum3A_261 : i1 to vector<16xi1>
        %reduce_sum3A_263 = tpu.scan <sum>, %convert_element_type3A_260 masked %reduce_sum3A_262 : vector<16xi32>, vector<16xi1> -> vector<16xi32>
        %reduce_sum3A_264 = vector.extract %reduce_sum3A_263[15] : i32 from vector<16xi32>
        %add3A_265 = arith.addi %while3A_246, %reduce_sum3A_264 : i32
        scf.yield %add3A_258, %add3A_265 : f32, i32
      }
      %broadcast_in_dim3A_160 = vector.broadcast %while3A_146 : i32 to vector<16xi32>
      %bitcast_convert_type3A_161 = tpu.bitcast %broadcast_in_dim3A_160 : vector<16xi32> -> vector<16xf32>
      %sub3A = arith.subf %mul3A_128, %while3A_159#0 : f32
      %broadcast_in_dim3A_162 = vector.broadcast %sub3A : f32 to vector<16xf32>
      %div3A = arith.divf %broadcast_in_dim3A_162, %bitcast_convert_type3A_161 : vector<16xf32>
      %convert_element_type3A = arith.fptosi %div3A : vector<16xf32> to vector<16xi32>
      %convert_element_type3A_163 = arith.sitofp %convert_element_type3A : vector<16xi32> to vector<16xf32>
      %lt3A = arith.cmpf olt, %convert_element_type3A_163, %div3A : vector<16xf32>
      %jit3A = arith.constant 1 : i32
      %jit3A_164 = arith.constant 0 : i32
      %broadcast_in_dim3A_165 = vector.broadcast %jit3A : i32 to vector<16xi32>
      %broadcast_in_dim3A_166 = vector.broadcast %jit3A_164 : i32 to vector<16xi32>
      %select_n3A_167 = arith.select %lt3A, %broadcast_in_dim3A_165, %broadcast_in_dim3A_166 : vector<16xi1>, vector<16xi32>
      %add3A_168 = arith.addi %convert_element_type3A, %select_n3A_167 : vector<16xi32>
      %reduce_max3A_169 = arith.constant true
      %reduce_max3A_170 = vector.broadcast %reduce_max3A_169 : i1 to vector<16xi1>
      %reduce_max3A_171 = arith.constant -2147483648 : i32
      %reduce_max3A_172 = vector.broadcast %reduce_max3A_171 : i32 to vector<16xi32>
      %reduce_max3A_173 = arith.xori %add3A_168, %reduce_max3A_172 : vector<16xi32>
      %reduce_max3A_174 = tpu.scan <max>, %reduce_max3A_173 masked %reduce_max3A_170 : vector<16xi32>, vector<16xi1> -> vector<16xi32>
      %reduce_max3A_175 = arith.xori %reduce_max3A_174, %reduce_max3A_172 : vector<16xi32>
      %reduce_max3A_176 = vector.extract %reduce_max3A_175[15] : i32 from vector<16xi32>
      %jit3A_177 = arith.constant 1 : i32
      %max3A = arith.maxsi %jit3A_177, %reduce_max3A_176 : i32
      %min3A_178 = arith.minsi %while3A_159#1, %max3A : i32
      %scan3A_179 = arith.constant 0 : i32
      %scan3A_180 = arith.constant 131072 : i32
      %scan3A_181 = arith.constant 0 : i32
      %scan3A_182 = arith.constant 17 : i32
      %scan3A_183 = arith.addi %scan3A_181, %scan3A_182 : i32
      %scan3A_184 = arith.constant 1 : i32
      %scan3A_185:2 = scf.for %scan3A_244 = %scan3A_181 to %scan3A_183 step %scan3A_184 iter_args(%scan3A_245 = %scan3A_179, %scan3A_246 = %scan3A_180) -> (i32, i32)  : i32 {
        %add3A_247 = arith.addi %scan3A_245, %scan3A_246 : i32
        %shift_right_arithmetic3A_248 = arith.constant 1 : i32
        %shift_right_arithmetic3A_249 = arith.shrsi %add3A_247, %shift_right_arithmetic3A_248 : i32
        %while3A_250 = arith.constant 0 : i32
        %while3A_251 = arith.constant 0 : i32
        %while3A_252 = arith.subi %shift_right_arithmetic3A_74, %while3A_250 : i32
        %while3A_253 = arith.addi %while3A_250, %while3A_252 : i32
        %while3A_254 = arith.constant 1 : i32
        %while3A_255 = arith.divsi %while3A_252, %while3A_254 : i32
        %while3A_256 = arith.muli %while3A_255, %while3A_254 : i32
        %while3A_257 = arith.addi %while3A_250, %while3A_256 : i32
        %while3A_258 = arith.constant 1 : i32
        %while3A_259 = scf.for %while3A_265 = %while3A_250 to %while3A_257 step %while3A_258 iter_args(%while3A_266 = %while3A_251) -> (i32)  : i32 {
          %mul3A_267 = arith.constant 16 : i32
          %mul3A_268 = arith.muli %while3A_265, %mul3A_267 : i32
          %get3A = arith.index_cast %mul3A_268 : i32 to index
          %get3A_269 = tpu.vector_load %arg20[%get3A] {strides = array<i32>} : memref<1024xf32, #tpu.memory_space<vmem>>, vector<16xf32>,
          %bitcast3A = vector.bitcast %get3A_269 : vector<16xf32> to vector<16xi32>
          %mul3A_270 = arith.constant 16 : i32
          %mul3A_271 = arith.muli %while3A_265, %mul3A_270 : i32
          %get3A_272 = arith.index_cast %mul3A_271 : i32 to index
          %get3A_273 = tpu.vector_load %arg18[%get3A_272] {strides = array<i32>} : memref<1024xi32, #tpu.memory_space<vmem>>, vector<16xi32>,
          %eq3A = vector.broadcast %while3A_146 : i32 to vector<16xi32>
          %eq3A_274 = arith.cmpi eq, %bitcast3A, %eq3A : vector<16xi32>
          %ge3A_275 = vector.broadcast %shift_right_arithmetic3A_249 : i32 to vector<16xi32>
          %ge3A_276 = arith.cmpi sge, %get3A_273, %ge3A_275 : vector<16xi32>
          %and3A = arith.andi %eq3A_274, %ge3A_276 : vector<16xi1>
          %convert_element_type3A_277 = arith.extui %and3A : vector<16xi1> to vector<16xi32>
          %reduce_sum3A = arith.constant true
          %reduce_sum3A_278 = vector.broadcast %reduce_sum3A : i1 to vector<16xi1>
          %reduce_sum3A_279 = tpu.scan <sum>, %convert_element_type3A_277 masked %reduce_sum3A_278 : vector<16xi32>, vector<16xi1> -> vector<16xi32>
          %reduce_sum3A_280 = vector.extract %reduce_sum3A_279[15] : i32 from vector<16xi32>
          %add3A_281 = arith.addi %while3A_266, %reduce_sum3A_280 : i32
          scf.yield %add3A_281 : i32
        }
        %while3A_260 = arith.constant 1 : i32
        %while3A_261 = scf.for %while3A_265 = %while3A_257 to %while3A_253 step %while3A_260 iter_args(%while3A_266 = %while3A_259) -> (i32)  : i32 {
          %mul3A_267 = arith.constant 16 : i32
          %mul3A_268 = arith.muli %while3A_265, %mul3A_267 : i32
          %get3A = arith.index_cast %mul3A_268 : i32 to index
          %get3A_269 = tpu.vector_load %arg20[%get3A] {strides = array<i32>} : memref<1024xf32, #tpu.memory_space<vmem>>, vector<16xf32>,
          %bitcast3A = vector.bitcast %get3A_269 : vector<16xf32> to vector<16xi32>
          %mul3A_270 = arith.constant 16 : i32
          %mul3A_271 = arith.muli %while3A_265, %mul3A_270 : i32
          %get3A_272 = arith.index_cast %mul3A_271 : i32 to index
          %get3A_273 = tpu.vector_load %arg18[%get3A_272] {strides = array<i32>} : memref<1024xi32, #tpu.memory_space<vmem>>, vector<16xi32>,
          %eq3A = vector.broadcast %while3A_146 : i32 to vector<16xi32>
          %eq3A_274 = arith.cmpi eq, %bitcast3A, %eq3A : vector<16xi32>
          %ge3A_275 = vector.broadcast %shift_right_arithmetic3A_249 : i32 to vector<16xi32>
          %ge3A_276 = arith.cmpi sge, %get3A_273, %ge3A_275 : vector<16xi32>
          %and3A = arith.andi %eq3A_274, %ge3A_276 : vector<16xi1>
          %convert_element_type3A_277 = arith.extui %and3A : vector<16xi1> to vector<16xi32>
          %reduce_sum3A = arith.constant true
          %reduce_sum3A_278 = vector.broadcast %reduce_sum3A : i1 to vector<16xi1>
          %reduce_sum3A_279 = tpu.scan <sum>, %convert_element_type3A_277 masked %reduce_sum3A_278 : vector<16xi32>, vector<16xi1> -> vector<16xi32>
          %reduce_sum3A_280 = vector.extract %reduce_sum3A_279[15] : i32 from vector<16xi32>
          %add3A_281 = arith.addi %while3A_266, %reduce_sum3A_280 : i32
          scf.yield %add3A_281 : i32
        }
        %ge3A_262 = arith.cmpi sge, %while3A_261, %min3A_178 : i32
        %select_n3A_263 = arith.select %ge3A_262, %shift_right_arithmetic3A_249, %scan3A_245 : i32
        %select_n3A_264 = arith.select %ge3A_262, %scan3A_246, %shift_right_arithmetic3A_249 : i32
        scf.yield %select_n3A_263, %select_n3A_264 : i32, i32
      }
      %scan3A_186 = arith.constant 17 : i32
      %while3A_187 = arith.constant 0 : i32
      %while3A_188 = arith.constant 0.000000e+00 : f32
      %while3A_189 = arith.constant 0x7F800000 : f32
      %while3A_190 = arith.constant 0 : i32
      %while3A_191 = arith.subi %shift_right_arithmetic3A_74, %while3A_187 : i32
      %while3A_192 = arith.addi %while3A_187, %while3A_191 : i32
      %while3A_193 = arith.constant 1 : i32
      %while3A_194 = arith.divsi %while3A_191, %while3A_193 : i32
      %while3A_195 = arith.muli %while3A_194, %while3A_193 : i32
      %while3A_196 = arith.addi %while3A_187, %while3A_195 : i32
      %while3A_197 = arith.constant 1 : i32
      %while3A_198:3 = scf.for %while3A_244 = %while3A_187 to %while3A_196 step %while3A_197 iter_args(%while3A_245 = %while3A_188, %while3A_246 = %while3A_189, %while3A_247 = %while3A_190) -> (f32, f32, i32)  : i32 {
        %mul3A_248 = arith.constant 16 : i32
        %mul3A_249 = arith.muli %while3A_244, %mul3A_248 : i32
        %get3A = arith.index_cast %mul3A_249 : i32 to index
        %get3A_250 = tpu.vector_load %arg20[%get3A] {strides = array<i32>} : memref<1024xf32, #tpu.memory_space<vmem>>, vector<16xf32>,
        %bitcast3A = vector.bitcast %get3A_250 : vector<16xf32> to vector<16xi32>
        %mul3A_251 = arith.constant 16 : i32
        %mul3A_252 = arith.muli %while3A_244, %mul3A_251 : i32
        %get3A_253 = arith.index_cast %mul3A_252 : i32 to index
        %get3A_254 = tpu.vector_load %arg18[%get3A_253] {strides = array<i32>} : memref<1024xi32, #tpu.memory_space<vmem>>, vector<16xi32>,
        %mul3A_255 = arith.constant 16 : i32
        %mul3A_256 = arith.muli %while3A_244, %mul3A_255 : i32
        %get3A_257 = arith.index_cast %mul3A_256 : i32 to index
        %get3A_258 = tpu.vector_load %arg17[%get3A_257] {strides = array<i32>} : memref<1024xf32, #tpu.memory_space<vmem>>, vector<16xf32>,
        %gt3A_259 = vector.broadcast %while3A_146 : i32 to vector<16xi32>
        %gt3A_260 = arith.cmpi sgt, %bitcast3A, %gt3A_259 : vector<16xi32>
        %eq3A = vector.broadcast %while3A_146 : i32 to vector<16xi32>
        %eq3A_261 = arith.cmpi eq, %bitcast3A, %eq3A : vector<16xi32>
        %ge3A_262 = vector.broadcast %scan3A_185#0 : i32 to vector<16xi32>
        %ge3A_263 = arith.cmpi sge, %get3A_254, %ge3A_262 : vector<16xi32>
        %and3A = arith.andi %eq3A_261, %ge3A_263 : vector<16xi1>
        %or3A = arith.ori %gt3A_260, %and3A : vector<16xi1>
        %ge3A_264 = arith.cmpf oge, %get3A_250, %gather3A_15 : vector<16xf32>
        %and3A_265 = arith.andi %or3A, %ge3A_264 : vector<16xi1>
        %jit3A_266 = arith.constant 0.000000e+00 : f32
        %broadcast_in_dim3A_267 = vector.broadcast %jit3A_266 : f32 to vector<16xf32>
        %select_n3A_268 = arith.select %and3A_265, %get3A_250, %broadcast_in_dim3A_267 : vector<16xi1>, vector<16xf32>
        %reduce_sum3A = arith.constant true
        %reduce_sum3A_269 = vector.broadcast %reduce_sum3A : i1 to vector<16xi1>
        %reduce_sum3A_270 = tpu.scan <sum>, %select_n3A_268 masked %reduce_sum3A_269 : vector<16xf32>, vector<16xi1> -> vector<16xf32>
        %reduce_sum3A_271 = vector.extract %reduce_sum3A_270[15] : f32 from vector<16xf32>
        %add3A_272 = arith.addf %while3A_245, %reduce_sum3A_271 : f32
        %jit3A_273 = arith.constant 0x7F800000 : f32
        %broadcast_in_dim3A_274 = vector.broadcast %jit3A_273 : f32 to vector<16xf32>
        %select_n3A_275 = arith.select %and3A_265, %get3A_258, %broadcast_in_dim3A_274 : vector<16xi1>, vector<16xf32>
        %reduce_min3A = arith.constant true
        %reduce_min3A_276 = vector.broadcast %reduce_min3A : i1 to vector<16xi1>
        %reduce_min3A_277 = tpu.scan <min>, %select_n3A_275 masked %reduce_min3A_276 : vector<16xf32>, vector<16xi1> -> vector<16xf32>
        %reduce_min3A_278 = vector.extract %reduce_min3A_277[15] : f32 from vector<16xf32>
        %min3A_279 = arith.minimumf %while3A_246, %reduce_min3A_278 : f32
        %eq3A_280 = vector.broadcast %while3A_146 : i32 to vector<16xi32>
        %eq3A_281 = arith.cmpi eq, %bitcast3A, %eq3A_280 : vector<16xi32>
        %and3A_282 = arith.andi %and3A_265, %eq3A_281 : vector<16xi1>
        %jit3A_283 = arith.constant 1 : i32
        %jit3A_284 = arith.constant 0 : i32
        %broadcast_in_dim3A_285 = vector.broadcast %jit3A_283 : i32 to vector<16xi32>
        %broadcast_in_dim3A_286 = vector.broadcast %jit3A_284 : i32 to vector<16xi32>
        %select_n3A_287 = arith.select %and3A_282, %broadcast_in_dim3A_285, %broadcast_in_dim3A_286 : vector<16xi1>, vector<16xi32>
        %reduce_max3A_288 = arith.constant true
        %reduce_max3A_289 = vector.broadcast %reduce_max3A_288 : i1 to vector<16xi1>
        %reduce_max3A_290 = arith.constant -2147483648 : i32
        %reduce_max3A_291 = vector.broadcast %reduce_max3A_290 : i32 to vector<16xi32>
        %reduce_max3A_292 = arith.xori %select_n3A_287, %reduce_max3A_291 : vector<16xi32>
        %reduce_max3A_293 = tpu.scan <max>, %reduce_max3A_292 masked %reduce_max3A_289 : vector<16xi32>, vector<16xi1> -> vector<16xi32>
        %reduce_max3A_294 = arith.xori %reduce_max3A_293, %reduce_max3A_291 : vector<16xi32>
        %reduce_max3A_295 = vector.extract %reduce_max3A_294[15] : i32 from vector<16xi32>
        %max3A_296 = arith.maxsi %while3A_247, %reduce_max3A_295 : i32
        scf.yield %add3A_272, %min3A_279, %max3A_296 : f32, f32, i32
      }
      %while3A_199 = arith.constant 1 : i32
      %while3A_200:3 = scf.for %while3A_244 = %while3A_196 to %while3A_192 step %while3A_199 iter_args(%while3A_245 = %while3A_198#0, %while3A_246 = %while3A_198#1, %while3A_247 = %while3A_198#2) -> (f32, f32, i32)  : i32 {
        %mul3A_248 = arith.constant 16 : i32
        %mul3A_249 = arith.muli %while3A_244, %mul3A_248 : i32
        %get3A = arith.index_cast %mul3A_249 : i32 to index
        %get3A_250 = tpu.vector_load %arg20[%get3A] {strides = array<i32>} : memref<1024xf32, #tpu.memory_space<vmem>>, vector<16xf32>,
        %bitcast3A = vector.bitcast %get3A_250 : vector<16xf32> to vector<16xi32>
        %mul3A_251 = arith.constant 16 : i32
        %mul3A_252 = arith.muli %while3A_244, %mul3A_251 : i32
        %get3A_253 = arith.index_cast %mul3A_252 : i32 to index
        %get3A_254 = tpu.vector_load %arg18[%get3A_253] {strides = array<i32>} : memref<1024xi32, #tpu.memory_space<vmem>>, vector<16xi32>,
        %mul3A_255 = arith.constant 16 : i32
        %mul3A_256 = arith.muli %while3A_244, %mul3A_255 : i32
        %get3A_257 = arith.index_cast %mul3A_256 : i32 to index
        %get3A_258 = tpu.vector_load %arg17[%get3A_257] {strides = array<i32>} : memref<1024xf32, #tpu.memory_space<vmem>>, vector<16xf32>,
        %gt3A_259 = vector.broadcast %while3A_146 : i32 to vector<16xi32>
        %gt3A_260 = arith.cmpi sgt, %bitcast3A, %gt3A_259 : vector<16xi32>
        %eq3A = vector.broadcast %while3A_146 : i32 to vector<16xi32>
        %eq3A_261 = arith.cmpi eq, %bitcast3A, %eq3A : vector<16xi32>
        %ge3A_262 = vector.broadcast %scan3A_185#0 : i32 to vector<16xi32>
        %ge3A_263 = arith.cmpi sge, %get3A_254, %ge3A_262 : vector<16xi32>
        %and3A = arith.andi %eq3A_261, %ge3A_263 : vector<16xi1>
        %or3A = arith.ori %gt3A_260, %and3A : vector<16xi1>
        %ge3A_264 = arith.cmpf oge, %get3A_250, %gather3A_15 : vector<16xf32>
        %and3A_265 = arith.andi %or3A, %ge3A_264 : vector<16xi1>
        %jit3A_266 = arith.constant 0.000000e+00 : f32
        %broadcast_in_dim3A_267 = vector.broadcast %jit3A_266 : f32 to vector<16xf32>
        %select_n3A_268 = arith.select %and3A_265, %get3A_250, %broadcast_in_dim3A_267 : vector<16xi1>, vector<16xf32>
        %reduce_sum3A = arith.constant true
        %reduce_sum3A_269 = vector.broadcast %reduce_sum3A : i1 to vector<16xi1>
        %reduce_sum3A_270 = tpu.scan <sum>, %select_n3A_268 masked %reduce_sum3A_269 : vector<16xf32>, vector<16xi1> -> vector<16xf32>
        %reduce_sum3A_271 = vector.extract %reduce_sum3A_270[15] : f32 from vector<16xf32>
        %add3A_272 = arith.addf %while3A_245, %reduce_sum3A_271 : f32
        %jit3A_273 = arith.constant 0x7F800000 : f32
        %broadcast_in_dim3A_274 = vector.broadcast %jit3A_273 : f32 to vector<16xf32>
        %select_n3A_275 = arith.select %and3A_265, %get3A_258, %broadcast_in_dim3A_274 : vector<16xi1>, vector<16xf32>
        %reduce_min3A = arith.constant true
        %reduce_min3A_276 = vector.broadcast %reduce_min3A : i1 to vector<16xi1>
        %reduce_min3A_277 = tpu.scan <min>, %select_n3A_275 masked %reduce_min3A_276 : vector<16xf32>, vector<16xi1> -> vector<16xf32>
        %reduce_min3A_278 = vector.extract %reduce_min3A_277[15] : f32 from vector<16xf32>
        %min3A_279 = arith.minimumf %while3A_246, %reduce_min3A_278 : f32
        %eq3A_280 = vector.broadcast %while3A_146 : i32 to vector<16xi32>
        %eq3A_281 = arith.cmpi eq, %bitcast3A, %eq3A_280 : vector<16xi32>
        %and3A_282 = arith.andi %and3A_265, %eq3A_281 : vector<16xi1>
        %jit3A_283 = arith.constant 1 : i32
        %jit3A_284 = arith.constant 0 : i32
        %broadcast_in_dim3A_285 = vector.broadcast %jit3A_283 : i32 to vector<16xi32>
        %broadcast_in_dim3A_286 = vector.broadcast %jit3A_284 : i32 to vector<16xi32>
        %select_n3A_287 = arith.select %and3A_282, %broadcast_in_dim3A_285, %broadcast_in_dim3A_286 : vector<16xi1>, vector<16xi32>
        %reduce_max3A_288 = arith.constant true
        %reduce_max3A_289 = vector.broadcast %reduce_max3A_288 : i1 to vector<16xi1>
        %reduce_max3A_290 = arith.constant -2147483648 : i32
        %reduce_max3A_291 = vector.broadcast %reduce_max3A_290 : i32 to vector<16xi32>
        %reduce_max3A_292 = arith.xori %select_n3A_287, %reduce_max3A_291 : vector<16xi32>
        %reduce_max3A_293 = tpu.scan <max>, %reduce_max3A_292 masked %reduce_max3A_289 : vector<16xi32>, vector<16xi1> -> vector<16xi32>
        %reduce_max3A_294 = arith.xori %reduce_max3A_293, %reduce_max3A_291 : vector<16xi32>
        %reduce_max3A_295 = vector.extract %reduce_max3A_294[15] : i32 from vector<16xi32>
        %max3A_296 = arith.maxsi %while3A_247, %reduce_max3A_295 : i32
        scf.yield %add3A_272, %min3A_279, %max3A_296 : f32, f32, i32
      }
      %gt3A = arith.constant 0 : i32
      %gt3A_201 = arith.cmpi sgt, %while3A_200#2, %gt3A : i32
      %jit3A_202 = arith.constant 0 : i32
      %select_n3A_203 = arith.select %gt3A_201, %scan3A_185#0, %jit3A_202 : i32
      %while3A_204 = arith.constant 0 : i32
      %while3A_205 = arith.constant 1073741824 : i32
      %while3A_206 = arith.subi %shift_right_arithmetic3A_74, %while3A_204 : i32
      %while3A_207 = arith.addi %while3A_204, %while3A_206 : i32
      %while3A_208 = arith.constant 1 : i32
      %while3A_209 = arith.divsi %while3A_206, %while3A_208 : i32
      %while3A_210 = arith.muli %while3A_209, %while3A_208 : i32
      %while3A_211 = arith.addi %while3A_204, %while3A_210 : i32
      %while3A_212 = arith.constant 1 : i32
      %while3A_213 = scf.for %while3A_244 = %while3A_204 to %while3A_211 step %while3A_212 iter_args(%while3A_245 = %while3A_205) -> (i32)  : i32 {
        %mul3A_246 = arith.constant 16 : i32
        %mul3A_247 = arith.muli %while3A_244, %mul3A_246 : i32
        %get3A = arith.index_cast %mul3A_247 : i32 to index
        %get3A_248 = tpu.vector_load %arg17[%get3A] {strides = array<i32>} : memref<1024xf32, #tpu.memory_space<vmem>>, vector<16xf32>,
        %mul3A_249 = arith.constant 16 : i32
        %mul3A_250 = arith.muli %while3A_244, %mul3A_249 : i32
        %get3A_251 = arith.index_cast %mul3A_250 : i32 to index
        %get3A_252 = tpu.vector_load %arg18[%get3A_251] {strides = array<i32>} : memref<1024xi32, #tpu.memory_space<vmem>>, vector<16xi32>,
        %eq3A = arith.cmpf oeq, %get3A_248, %gather3A_14 : vector<16xf32>
        %jit3A_253 = arith.constant 1073741824 : i32
        %broadcast_in_dim3A_254 = vector.broadcast %jit3A_253 : i32 to vector<16xi32>
        %select_n3A_255 = arith.select %eq3A, %get3A_252, %broadcast_in_dim3A_254 : vector<16xi1>, vector<16xi32>
        %reduce_min3A = arith.constant true
        %reduce_min3A_256 = vector.broadcast %reduce_min3A : i1 to vector<16xi1>
        %reduce_min3A_257 = arith.constant -2147483648 : i32
        %reduce_min3A_258 = vector.broadcast %reduce_min3A_257 : i32 to vector<16xi32>
        %reduce_min3A_259 = arith.xori %select_n3A_255, %reduce_min3A_258 : vector<16xi32>
        %reduce_min3A_260 = tpu.scan <min>, %reduce_min3A_259 masked %reduce_min3A_256 : vector<16xi32>, vector<16xi1> -> vector<16xi32>
        %reduce_min3A_261 = arith.xori %reduce_min3A_260, %reduce_min3A_258 : vector<16xi32>
        %reduce_min3A_262 = vector.extract %reduce_min3A_261[15] : i32 from vector<16xi32>
        %min3A_263 = arith.minsi %while3A_245, %reduce_min3A_262 : i32
        scf.yield %min3A_263 : i32
      }
      %while3A_214 = arith.constant 1 : i32
      %while3A_215 = scf.for %while3A_244 = %while3A_211 to %while3A_207 step %while3A_214 iter_args(%while3A_245 = %while3A_213) -> (i32)  : i32 {
        %mul3A_246 = arith.constant 16 : i32
        %mul3A_247 = arith.muli %while3A_244, %mul3A_246 : i32
        %get3A = arith.index_cast %mul3A_247 : i32 to index
        %get3A_248 = tpu.vector_load %arg17[%get3A] {strides = array<i32>} : memref<1024xf32, #tpu.memory_space<vmem>>, vector<16xf32>,
        %mul3A_249 = arith.constant 16 : i32
        %mul3A_250 = arith.muli %while3A_244, %mul3A_249 : i32
        %get3A_251 = arith.index_cast %mul3A_250 : i32 to index
        %get3A_252 = tpu.vector_load %arg18[%get3A_251] {strides = array<i32>} : memref<1024xi32, #tpu.memory_space<vmem>>, vector<16xi32>,
        %eq3A = arith.cmpf oeq, %get3A_248, %gather3A_14 : vector<16xf32>
        %jit3A_253 = arith.constant 1073741824 : i32
        %broadcast_in_dim3A_254 = vector.broadcast %jit3A_253 : i32 to vector<16xi32>
        %select_n3A_255 = arith.select %eq3A, %get3A_252, %broadcast_in_dim3A_254 : vector<16xi1>, vector<16xi32>
        %reduce_min3A = arith.constant true
        %reduce_min3A_256 = vector.broadcast %reduce_min3A : i1 to vector<16xi1>
        %reduce_min3A_257 = arith.constant -2147483648 : i32
        %reduce_min3A_258 = vector.broadcast %reduce_min3A_257 : i32 to vector<16xi32>
        %reduce_min3A_259 = arith.xori %select_n3A_255, %reduce_min3A_258 : vector<16xi32>
        %reduce_min3A_260 = tpu.scan <min>, %reduce_min3A_259 masked %reduce_min3A_256 : vector<16xi32>, vector<16xi1> -> vector<16xi32>
        %reduce_min3A_261 = arith.xori %reduce_min3A_260, %reduce_min3A_258 : vector<16xi32>
        %reduce_min3A_262 = vector.extract %reduce_min3A_261[15] : i32 from vector<16xi32>
        %min3A_263 = arith.minsi %while3A_245, %reduce_min3A_262 : i32
        scf.yield %min3A_263 : i32
      }
      %broadcast_in_dim3A_216 = arith.constant 1.000000e+00 : f32
      %broadcast_in_dim3A_217 = vector.broadcast %broadcast_in_dim3A_216 : f32 to vector<16xf32>
      %mul3A_218 = vector.broadcast %while3A_200#1 : f32 to vector<16xf32>
      %mul3A_219 = arith.mulf %broadcast_in_dim3A_217, %mul3A_218 : vector<16xf32>
      %swap3A_220 = arith.index_cast %scan3A_9 : i32 to index
      %swap3A_221 = arith.constant 0 : index
      %swap3A_222 = tpu.vector_load %arg26[%swap3A_220, %swap3A_221] {strides = array<i32>} : memref<4x128xf32, #tpu.memory_space<vmem>>, vector<16xf32>,
      tpu.vector_store %arg26[%swap3A_220, %swap3A_221], %mul3A_219 {strides = array<i32>} : memref<4x128xf32, #tpu.memory_space<vmem>>, vector<16xf32>,
      %broadcast_in_dim3A_223 = arith.constant 1 : i32
      %broadcast_in_dim3A_224 = vector.broadcast %broadcast_in_dim3A_223 : i32 to vector<16xi32>
      %mul3A_225 = vector.broadcast %select_n3A_203 : i32 to vector<16xi32>
      %mul3A_226 = arith.muli %broadcast_in_dim3A_224, %mul3A_225 : vector<16xi32>
      %swap3A_227 = arith.index_cast %scan3A_9 : i32 to index
      %swap3A_228 = arith.constant 0 : index
      %swap3A_229 = tpu.vector_load %arg27[%swap3A_227, %swap3A_228] {strides = array<i32>} : memref<4x128xi32, #tpu.memory_space<vmem>>, vector<16xi32>,
      tpu.vector_store %arg27[%swap3A_227, %swap3A_228], %mul3A_226 {strides = array<i32>} : memref<4x128xi32, #tpu.memory_space<vmem>>, vector<16xi32>,
      %broadcast_in_dim3A_230 = arith.constant 1.000000e+00 : f32
      %broadcast_in_dim3A_231 = vector.broadcast %broadcast_in_dim3A_230 : f32 to vector<16xf32>
      %mul3A_232 = vector.broadcast %while3A_200#0 : f32 to vector<16xf32>
      %mul3A_233 = arith.mulf %broadcast_in_dim3A_231, %mul3A_232 : vector<16xf32>
      %swap3A_234 = arith.index_cast %scan3A_9 : i32 to index
      %swap3A_235 = arith.constant 0 : index
      %swap3A_236 = tpu.vector_load %arg28[%swap3A_234, %swap3A_235] {strides = array<i32>} : memref<4x128xf32, #tpu.memory_space<vmem>>, vector<16xf32>,
      tpu.vector_store %arg28[%swap3A_234, %swap3A_235], %mul3A_233 {strides = array<i32>} : memref<4x128xf32, #tpu.memory_space<vmem>>, vector<16xf32>,
      %broadcast_in_dim3A_237 = arith.constant 1 : i32
      %broadcast_in_dim3A_238 = vector.broadcast %broadcast_in_dim3A_237 : i32 to vector<16xi32>
      %mul3A_239 = vector.broadcast %while3A_215 : i32 to vector<16xi32>
      %mul3A_240 = arith.muli %broadcast_in_dim3A_238, %mul3A_239 : vector<16xi32>
      %swap3A_241 = arith.index_cast %scan3A_9 : i32 to index
      %swap3A_242 = arith.constant 0 : index
      %swap3A_243 = tpu.vector_load %arg29[%swap3A_241, %swap3A_242] {strides = array<i32>} : memref<4x128xi32, #tpu.memory_space<vmem>>, vector<16xi32>,
      tpu.vector_store %arg29[%swap3A_241, %swap3A_242], %mul3A_240 {strides = array<i32>} : memref<4x128xi32, #tpu.memory_space<vmem>>, vector<16xi32>,
      scf.yield %scan3A_185#1 : i32
    }
    %scan3A_6 = arith.constant 4 : i32
    %mul3A_7 = arith.constant 4 : i32
    %mul3A_8 = arith.muli %add3A, %mul3A_7 : i32
    "tpu.region"() ({
      %run_scoped3A = tpu.sem_alloc : memref<!tpu.dma_semaphore, #tpu.memory_space<semaphore_mem>>
      %dma_start3A = arith.constant 0 : i32
      %dma_start3A_9 = tpu.memref_slice %arg9[%mul3A_8, %dma_start3A] : memref<128x128xf32, #tpu.memory_space<hbm>> -> memref<4x128xf32, #tpu.memory_space<hbm>>
      %dma_start3A_10 = arith.constant 0 : i32
      %dma_start3A_11 = tpu.memref_slice %arg9[%mul3A_8, %dma_start3A_10] : memref<128x128xf32, #tpu.memory_space<hbm>> -> memref<4x128xf32, #tpu.memory_space<hbm>>
      tpu.enqueue_dma source(%arg26 : memref<4x128xf32, #tpu.memory_space<vmem>>) target(%dma_start3A_11 : memref<4x128xf32, #tpu.memory_space<hbm>>) target_semaphore(%run_scoped3A : memref<!tpu.dma_semaphore, #tpu.memory_space<semaphore_mem>>)
      %dma_wait3A = arith.constant 0 : i32
      %dma_wait3A_12 = tpu.memref_slice %arg9[%mul3A_8, %dma_wait3A] : memref<128x128xf32, #tpu.memory_space<hbm>> -> memref<4x128xf32, #tpu.memory_space<hbm>>
      %dma_wait3A_13 = arith.constant 0 : i32
      %dma_wait3A_14 = tpu.memref_slice %arg9[%mul3A_8, %dma_wait3A_13] : memref<128x128xf32, #tpu.memory_space<hbm>> -> memref<4x128xf32, #tpu.memory_space<hbm>>
      tpu.wait_dma2 semaphore(%run_scoped3A : memref<!tpu.dma_semaphore, #tpu.memory_space<semaphore_mem>>) src(%arg26 : memref<4x128xf32, #tpu.memory_space<vmem>>) dst(%dma_wait3A_14 : memref<4x128xf32, #tpu.memory_space<hbm>>)
      tpu.yield
    }) : () -> ()
    "tpu.region"() ({
      %run_scoped3A = tpu.sem_alloc : memref<!tpu.dma_semaphore, #tpu.memory_space<semaphore_mem>>
      %dma_start3A = arith.constant 0 : i32
      %dma_start3A_9 = tpu.memref_slice %arg10[%mul3A_8, %dma_start3A] : memref<128x128xi32, #tpu.memory_space<hbm>> -> memref<4x128xi32, #tpu.memory_space<hbm>>
      %dma_start3A_10 = arith.constant 0 : i32
      %dma_start3A_11 = tpu.memref_slice %arg10[%mul3A_8, %dma_start3A_10] : memref<128x128xi32, #tpu.memory_space<hbm>> -> memref<4x128xi32, #tpu.memory_space<hbm>>
      tpu.enqueue_dma source(%arg27 : memref<4x128xi32, #tpu.memory_space<vmem>>) target(%dma_start3A_11 : memref<4x128xi32, #tpu.memory_space<hbm>>) target_semaphore(%run_scoped3A : memref<!tpu.dma_semaphore, #tpu.memory_space<semaphore_mem>>)
      %dma_wait3A = arith.constant 0 : i32
      %dma_wait3A_12 = tpu.memref_slice %arg10[%mul3A_8, %dma_wait3A] : memref<128x128xi32, #tpu.memory_space<hbm>> -> memref<4x128xi32, #tpu.memory_space<hbm>>
      %dma_wait3A_13 = arith.constant 0 : i32
      %dma_wait3A_14 = tpu.memref_slice %arg10[%mul3A_8, %dma_wait3A_13] : memref<128x128xi32, #tpu.memory_space<hbm>> -> memref<4x128xi32, #tpu.memory_space<hbm>>
      tpu.wait_dma2 semaphore(%run_scoped3A : memref<!tpu.dma_semaphore, #tpu.memory_space<semaphore_mem>>) src(%arg27 : memref<4x128xi32, #tpu.memory_space<vmem>>) dst(%dma_wait3A_14 : memref<4x128xi32, #tpu.memory_space<hbm>>)
      tpu.yield
    }) : () -> ()
    "tpu.region"() ({
      %run_scoped3A = tpu.sem_alloc : memref<!tpu.dma_semaphore, #tpu.memory_space<semaphore_mem>>
      %dma_start3A = arith.constant 0 : i32
      %dma_start3A_9 = tpu.memref_slice %arg11[%mul3A_8, %dma_start3A] : memref<128x128xf32, #tpu.memory_space<hbm>> -> memref<4x128xf32, #tpu.memory_space<hbm>>
      %dma_start3A_10 = arith.constant 0 : i32
      %dma_start3A_11 = tpu.memref_slice %arg11[%mul3A_8, %dma_start3A_10] : memref<128x128xf32, #tpu.memory_space<hbm>> -> memref<4x128xf32, #tpu.memory_space<hbm>>
      tpu.enqueue_dma source(%arg28 : memref<4x128xf32, #tpu.memory_space<vmem>>) target(%dma_start3A_11 : memref<4x128xf32, #tpu.memory_space<hbm>>) target_semaphore(%run_scoped3A : memref<!tpu.dma_semaphore, #tpu.memory_space<semaphore_mem>>)
      %dma_wait3A = arith.constant 0 : i32
      %dma_wait3A_12 = tpu.memref_slice %arg11[%mul3A_8, %dma_wait3A] : memref<128x128xf32, #tpu.memory_space<hbm>> -> memref<4x128xf32, #tpu.memory_space<hbm>>
      %dma_wait3A_13 = arith.constant 0 : i32
      %dma_wait3A_14 = tpu.memref_slice %arg11[%mul3A_8, %dma_wait3A_13] : memref<128x128xf32, #tpu.memory_space<hbm>> -> memref<4x128xf32, #tpu.memory_space<hbm>>
      tpu.wait_dma2 semaphore(%run_scoped3A : memref<!tpu.dma_semaphore, #tpu.memory_space<semaphore_mem>>) src(%arg28 : memref<4x128xf32, #tpu.memory_space<vmem>>) dst(%dma_wait3A_14 : memref<4x128xf32, #tpu.memory_space<hbm>>)
      tpu.yield
    }) : () -> ()
    "tpu.region"() ({
      %run_scoped3A = tpu.sem_alloc : memref<!tpu.dma_semaphore, #tpu.memory_space<semaphore_mem>>
      %dma_start3A = arith.constant 0 : i32
      %dma_start3A_9 = tpu.memref_slice %arg12[%mul3A_8, %dma_start3A] : memref<128x128xi32, #tpu.memory_space<hbm>> -> memref<4x128xi32, #tpu.memory_space<hbm>>
      %dma_start3A_10 = arith.constant 0 : i32
      %dma_start3A_11 = tpu.memref_slice %arg12[%mul3A_8, %dma_start3A_10] : memref<128x128xi32, #tpu.memory_space<hbm>> -> memref<4x128xi32, #tpu.memory_space<hbm>>
      tpu.enqueue_dma source(%arg29 : memref<4x128xi32, #tpu.memory_space<vmem>>) target(%dma_start3A_11 : memref<4x128xi32, #tpu.memory_space<hbm>>) target_semaphore(%run_scoped3A : memref<!tpu.dma_semaphore, #tpu.memory_space<semaphore_mem>>)
      %dma_wait3A = arith.constant 0 : i32
      %dma_wait3A_12 = tpu.memref_slice %arg12[%mul3A_8, %dma_wait3A] : memref<128x128xi32, #tpu.memory_space<hbm>> -> memref<4x128xi32, #tpu.memory_space<hbm>>
      %dma_wait3A_13 = arith.constant 0 : i32
      %dma_wait3A_14 = tpu.memref_slice %arg12[%mul3A_8, %dma_wait3A_13] : memref<128x128xi32, #tpu.memory_space<hbm>> -> memref<4x128xi32, #tpu.memory_space<hbm>>
      tpu.wait_dma2 semaphore(%run_scoped3A : memref<!tpu.dma_semaphore, #tpu.memory_space<semaphore_mem>>) src(%arg29 : memref<4x128xi32, #tpu.memory_space<vmem>>) dst(%dma_wait3A_14 : memref<4x128xi32, #tpu.memory_space<hbm>>)
      tpu.yield
    }) : () -> ()
    return
  }
}

module attributes {stable_mosaic.version = 14 : i64} {
  func.func @_prep_block(%arg0: i32, %arg1: memref<8x100000xf32, #tpu.memory_space<vmem>>, %arg2: memref<6256x128xf32, #tpu.memory_space<vmem>>, %arg3: memref<8x784xf32, #tpu.memory_space<vmem>>, %arg4: memref<8x128xf32, #tpu.memory_space<vmem>>, %arg5: memref<8x128xf32, #tpu.memory_space<vmem>>) attributes {dimension_semantics = [#tpu.dimension_semantics<arbitrary>], iteration_bounds = array<i64: 16>, scalar_prefetch = 0 : i64, scratch_operands = 0 : i64, tpu.core_type = #tpu.core_type<tc>, window_params = [{transform_indices = @transform_0, window_bounds = array<i64: 8, 100000>}, {transform_indices = @transform_1, window_bounds = array<i64: 6256, 128>}, {transform_indices = @transform_2, window_bounds = array<i64: 8, 784>}, {transform_indices = @transform_3, window_bounds = array<i64: 8, 128>}, {transform_indices = @transform_4, window_bounds = array<i64: 8, 128>}]} {
    %get3A = arith.constant 0 : index
    %get3A_0 = arith.constant 0 : index
    %get3A_1 = vector.load %arg1[%get3A, %get3A_0] : memref<8x100000xf32, #tpu.memory_space<vmem>>, vector<8x100000xf32>
    %broadcast_in_dim3A = arith.constant 0xFF800000 : f32
    %broadcast_in_dim3A_2 = vector.broadcast %broadcast_in_dim3A : f32 to vector<8x96xf32>
    %concatenate3A = tpu.concatenate %get3A_1, %broadcast_in_dim3A_2 in 1 : vector<8x100000xf32>, vector<8x96xf32> -> vector<8x100096xf32>
    %reshape3A = vector.shape_cast %concatenate3A : vector<8x100096xf32> to vector<6256x128xf32>
    %swap3A = arith.constant 0 : index
    %swap3A_3 = arith.constant 0 : index
    %swap3A_4 = vector.load %arg2[%swap3A, %swap3A_3] : memref<6256x128xf32, #tpu.memory_space<vmem>>, vector<6256x128xf32>
    tpu.vector_store %arg2[%swap3A, %swap3A_3], %reshape3A {strides = array<i32>} : memref<6256x128xf32, #tpu.memory_space<vmem>>, vector<6256x128xf32>,
    %reshape3A_5 = vector.shape_cast %concatenate3A : vector<8x100096xf32> to vector<8x782x128xf32>
    %reduce_max3A = arith.constant dense<0xFF800000> : vector<8x782xf32>
    %reduce_max3A_6 = vector.multi_reduction <maximumf>, %reshape3A_5, %reduce_max3A [2] : vector<8x782x128xf32> to vector<8x782xf32>
    %broadcast_in_dim3A_7 = arith.constant 0xFF800000 : f32
    %broadcast_in_dim3A_8 = vector.broadcast %broadcast_in_dim3A_7 : f32 to vector<8x2xf32>
    %concatenate3A_9 = tpu.concatenate %reduce_max3A_6, %broadcast_in_dim3A_8 in 1 : vector<8x782xf32>, vector<8x2xf32> -> vector<8x784xf32>
    %reduce_max3A_10 = arith.constant dense<0xFF800000> : vector<8xf32>
    %reduce_max3A_11 = vector.multi_reduction <maximumf>, %concatenate3A_9, %reduce_max3A_10 [1] : vector<8x784xf32> to vector<8xf32>
    %broadcast_in_dim3A_12 = vector.shape_cast %reduce_max3A_11 : vector<8xf32> to vector<8x1xf32>
    %bitcast_convert_type3A = tpu.bitcast %concatenate3A_9 : vector<8x784xf32> -> vector<8x784xi32>
    %ge3A = arith.constant 0 : i32
    %ge3A_13 = vector.broadcast %ge3A : i32 to vector<8x784xi32>
    %ge3A_14 = arith.cmpi sge, %bitcast_convert_type3A, %ge3A_13 : vector<8x784xi32>
    %xor3A = arith.constant 2147483647 : i32
    %xor3A_15 = vector.broadcast %xor3A : i32 to vector<8x784xi32>
    %xor3A_16 = arith.xori %bitcast_convert_type3A, %xor3A_15 : vector<8x784xi32>
    %select_n3A = arith.select %ge3A_14, %bitcast_convert_type3A, %xor3A_16 : vector<8x784xi1>, vector<8x784xi32>
    %broadcast_in_dim3A_17 = arith.constant -2147483648 : i32
    %broadcast_in_dim3A_18 = vector.broadcast %broadcast_in_dim3A_17 : i32 to vector<8x1xi32>
    %broadcast_in_dim3A_19 = arith.constant 2139095041 : i32
    %broadcast_in_dim3A_20 = vector.broadcast %broadcast_in_dim3A_19 : i32 to vector<8x1xi32>
    %scan3A = arith.constant 0 : i32
    %scan3A_21 = arith.constant 32 : i32
    %scan3A_22 = arith.addi %scan3A, %scan3A_21 : i32
    %scan3A_23 = arith.constant 1 : i32
    %scan3A_24:2 = scf.for %scan3A_46 = %scan3A to %scan3A_22 step %scan3A_23 iter_args(%scan3A_47 = %broadcast_in_dim3A_18, %scan3A_48 = %broadcast_in_dim3A_20) -> (vector<8x1xi32>, vector<8x1xi32>)  : i32 {
      %shift_right_arithmetic3A = arith.constant 1 : i32
      %shift_right_arithmetic3A_49 = vector.broadcast %shift_right_arithmetic3A : i32 to vector<8x1xi32>
      %shift_right_arithmetic3A_50 = arith.shrsi %scan3A_47, %shift_right_arithmetic3A_49 : vector<8x1xi32>
      %shift_right_arithmetic3A_51 = arith.constant 1 : i32
      %shift_right_arithmetic3A_52 = vector.broadcast %shift_right_arithmetic3A_51 : i32 to vector<8x1xi32>
      %shift_right_arithmetic3A_53 = arith.shrsi %scan3A_48, %shift_right_arithmetic3A_52 : vector<8x1xi32>
      %add3A = arith.addi %shift_right_arithmetic3A_50, %shift_right_arithmetic3A_53 : vector<8x1xi32>
      %and3A = arith.andi %scan3A_47, %scan3A_48 : vector<8x1xi32>
      %and3A_54 = arith.constant 1 : i32
      %and3A_55 = vector.broadcast %and3A_54 : i32 to vector<8x1xi32>
      %and3A_56 = arith.andi %and3A, %and3A_55 : vector<8x1xi32>
      %add3A_57 = arith.addi %add3A, %and3A_56 : vector<8x1xi32>
      %ge3A_58 = vector.broadcast %add3A_57 : vector<8x1xi32> to vector<8x784xi32>
      %ge3A_59 = arith.cmpi sge, %select_n3A, %ge3A_58 : vector<8x784xi32>
      %convert_element_type3A = arith.extui %ge3A_59 : vector<8x784xi1> to vector<8x784xi32>
      %reduce_sum3A = arith.constant dense<0> : vector<8xi32>
      %reduce_sum3A_60 = vector.multi_reduction <add>, %convert_element_type3A, %reduce_sum3A [1] : vector<8x784xi32> to vector<8xi32>
      %broadcast_in_dim3A_61 = vector.shape_cast %reduce_sum3A_60 : vector<8xi32> to vector<8x1xi32>
      %ge3A_62 = arith.constant 128 : i32
      %ge3A_63 = vector.broadcast %ge3A_62 : i32 to vector<8x1xi32>
      %ge3A_64 = arith.cmpi sge, %broadcast_in_dim3A_61, %ge3A_63 : vector<8x1xi32>
      %select_n3A_65 = arith.select %ge3A_64, %add3A_57, %scan3A_47 : vector<8x1xi1>, vector<8x1xi32>
      %select_n3A_66 = arith.select %ge3A_64, %scan3A_48, %add3A_57 : vector<8x1xi1>, vector<8x1xi32>
      scf.yield %select_n3A_65, %select_n3A_66 : vector<8x1xi32>, vector<8x1xi32>
    }
    %ge3A_25 = arith.constant 0 : i32
    %ge3A_26 = vector.broadcast %ge3A_25 : i32 to vector<8x1xi32>
    %ge3A_27 = arith.cmpi sge, %scan3A_24#0, %ge3A_26 : vector<8x1xi32>
    %xor3A_28 = arith.constant 2147483647 : i32
    %xor3A_29 = vector.broadcast %xor3A_28 : i32 to vector<8x1xi32>
    %xor3A_30 = arith.xori %scan3A_24#0, %xor3A_29 : vector<8x1xi32>
    %select_n3A_31 = arith.select %ge3A_27, %scan3A_24#0, %xor3A_30 : vector<8x1xi1>, vector<8x1xi32>
    %bitcast_convert_type3A_32 = tpu.bitcast %select_n3A_31 : vector<8x1xi32> -> vector<8x1xf32>
    %swap3A_33 = arith.constant 0 : index
    %swap3A_34 = arith.constant 0 : index
    %swap3A_35 = vector.load %arg3[%swap3A_33, %swap3A_34] : memref<8x784xf32, #tpu.memory_space<vmem>>, vector<8x784xf32>
    tpu.vector_store %arg3[%swap3A_33, %swap3A_34], %concatenate3A_9 {strides = array<i32>} : memref<8x784xf32, #tpu.memory_space<vmem>>, vector<8x784xf32>,
    %broadcast_in_dim3A_36 = vector.shape_cast %broadcast_in_dim3A_12 : vector<8x1xf32> to vector<8x1xf32>
    %broadcast_in_dim3A_37 = vector.broadcast %broadcast_in_dim3A_36 : vector<8x1xf32> to vector<8x128xf32>
    %swap3A_38 = arith.constant 0 : index
    %swap3A_39 = arith.constant 0 : index
    %swap3A_40 = vector.load %arg4[%swap3A_38, %swap3A_39] : memref<8x128xf32, #tpu.memory_space<vmem>>, vector<8x128xf32>
    tpu.vector_store %arg4[%swap3A_38, %swap3A_39], %broadcast_in_dim3A_37 {strides = array<i32>} : memref<8x128xf32, #tpu.memory_space<vmem>>, vector<8x128xf32>,
    %broadcast_in_dim3A_41 = vector.shape_cast %bitcast_convert_type3A_32 : vector<8x1xf32> to vector<8x1xf32>
    %broadcast_in_dim3A_42 = vector.broadcast %broadcast_in_dim3A_41 : vector<8x1xf32> to vector<8x128xf32>
    %swap3A_43 = arith.constant 0 : index
    %swap3A_44 = arith.constant 0 : index
    %swap3A_45 = vector.load %arg5[%swap3A_43, %swap3A_44] : memref<8x128xf32, #tpu.memory_space<vmem>>, vector<8x128xf32>
    tpu.vector_store %arg5[%swap3A_43, %swap3A_44], %broadcast_in_dim3A_42 {strides = array<i32>} : memref<8x128xf32, #tpu.memory_space<vmem>>, vector<8x128xf32>,
    return
  }
  func.func @transform_0(%arg0: i32) -> (i32, i32) {
    %c0_i32 = arith.constant 0 : i32
    %c0_i32_0 = arith.constant 0 : i32
    return %arg0, %c0_i32 : i32, i32
  }
  func.func @transform_1(%arg0: i32) -> (i32, i32) {
    %c0_i32 = arith.constant 0 : i32
    %c0_i32_0 = arith.constant 0 : i32
    return %arg0, %c0_i32 : i32, i32
  }
  func.func @transform_2(%arg0: i32) -> (i32, i32) {
    %c0_i32 = arith.constant 0 : i32
    %c0_i32_0 = arith.constant 0 : i32
    return %arg0, %c0_i32 : i32, i32
  }
  func.func @transform_3(%arg0: i32) -> (i32, i32) {
    %c0_i32 = arith.constant 0 : i32
    %c0_i32_0 = arith.constant 0 : i32
    return %arg0, %c0_i32 : i32, i32
  }
  func.func @transform_4(%arg0: i32) -> (i32, i32) {
    %c0_i32 = arith.constant 0 : i32
    %c0_i32_0 = arith.constant 0 : i32
    return %arg0, %c0_i32 : i32, i32
  }
}

module attributes {stable_mosaic.version = 14 : i64} {
  func.func @_emit_block(%arg0: i32, %arg1: memref<8x100000xf32, #tpu.memory_space<vmem>>, %arg2: memref<8x128xf32, #tpu.memory_space<vmem>>, %arg3: memref<8x128xi32, #tpu.memory_space<vmem>>, %arg4: memref<8x128xf32, #tpu.memory_space<vmem>>, %arg5: memref<8x128xf32, #tpu.memory_space<vmem>>, %arg6: memref<8x100000xf32, #tpu.memory_space<vmem>>) attributes {dimension_semantics = [#tpu.dimension_semantics<arbitrary>], iteration_bounds = array<i64: 16>, scalar_prefetch = 0 : i64, scratch_operands = 0 : i64, tpu.core_type = #tpu.core_type<tc>, window_params = [{transform_indices = @transform_0, window_bounds = array<i64: 8, 100000>}, {transform_indices = @transform_1, window_bounds = array<i64: 8, 128>}, {transform_indices = @transform_2, window_bounds = array<i64: 8, 128>}, {transform_indices = @transform_3, window_bounds = array<i64: 8, 128>}, {transform_indices = @transform_4, window_bounds = array<i64: 8, 128>}, {transform_indices = @transform_5, window_bounds = array<i64: 8, 100000>}]} {
    %get3A = arith.constant 0 : index
    %get3A_0 = arith.constant 0 : index
    %get3A_1 = vector.load %arg1[%get3A, %get3A_0] : memref<8x100000xf32, #tpu.memory_space<vmem>>, vector<8x100000xf32>
    %get3A_2 = arith.constant 0 : index
    %get3A_3 = arith.constant 0 : index
    %get3A_4 = vector.load %arg2[%get3A_2, %get3A_3] : memref<8x128xf32, #tpu.memory_space<vmem>>, vector<8x1xf32>
    %get3A_5 = arith.constant 0 : index
    %get3A_6 = arith.constant 0 : index
    %get3A_7 = vector.load %arg3[%get3A_5, %get3A_6] : memref<8x128xi32, #tpu.memory_space<vmem>>, vector<8x1xi32>
    %get3A_8 = arith.constant 0 : index
    %get3A_9 = arith.constant 0 : index
    %get3A_10 = vector.load %arg4[%get3A_8, %get3A_9] : memref<8x128xf32, #tpu.memory_space<vmem>>, vector<8x1xf32>
    %div3A = arith.constant 1.000000e+00 : f32
    %div3A_11 = vector.broadcast %div3A : f32 to vector<8x1xf32>
    %div3A_12 = arith.divf %div3A_11, %get3A_10 : vector<8x1xf32>
    %get3A_13 = arith.constant 0 : index
    %get3A_14 = arith.constant 0 : index
    %get3A_15 = vector.load %arg5[%get3A_13, %get3A_14] : memref<8x128xf32, #tpu.memory_space<vmem>>, vector<8x1xf32>
    %iota3A = tpu.iota {dimensions = array<i32: 1>} : vector<8x100000xi32>
    %gt3A = vector.broadcast %get3A_4 : vector<8x1xf32> to vector<8x100000xf32>
    %gt3A_16 = arith.cmpf ogt, %get3A_1, %gt3A : vector<8x100000xf32>
    %eq3A = vector.broadcast %get3A_4 : vector<8x1xf32> to vector<8x100000xf32>
    %eq3A_17 = arith.cmpf oeq, %get3A_1, %eq3A : vector<8x100000xf32>
    %ge3A = vector.broadcast %get3A_7 : vector<8x1xi32> to vector<8x100000xi32>
    %ge3A_18 = arith.cmpi sge, %iota3A, %ge3A : vector<8x100000xi32>
    %and3A = arith.andi %eq3A_17, %ge3A_18 : vector<8x100000xi1>
    %or3A = arith.ori %gt3A_16, %and3A : vector<8x100000xi1>
    %sub3A = vector.broadcast %get3A_15 : vector<8x1xf32> to vector<8x100000xf32>
    %sub3A_19 = arith.subf %get3A_1, %sub3A : vector<8x100000xf32>
    %exp3A = math.exp %sub3A_19 : vector<8x100000xf32>
    %mul3A = vector.broadcast %div3A_12 : vector<8x1xf32> to vector<8x100000xf32>
    %mul3A_20 = arith.mulf %exp3A, %mul3A : vector<8x100000xf32>
    %jit3A = arith.constant 0.000000e+00 : f32
    %broadcast_in_dim3A = vector.broadcast %jit3A : f32 to vector<8x100000xf32>
    %select_n3A = arith.select %or3A, %mul3A_20, %broadcast_in_dim3A : vector<8x100000xi1>, vector<8x100000xf32>
    %swap3A = arith.constant 0 : index
    %swap3A_21 = arith.constant 0 : index
    %swap3A_22 = vector.load %arg6[%swap3A, %swap3A_21] : memref<8x100000xf32, #tpu.memory_space<vmem>>, vector<8x100000xf32>
    tpu.vector_store %arg6[%swap3A, %swap3A_21], %select_n3A {strides = array<i32>} : memref<8x100000xf32, #tpu.memory_space<vmem>>, vector<8x100000xf32>,
    return
  }
  func.func @transform_0(%arg0: i32) -> (i32, i32) {
    %c0_i32 = arith.constant 0 : i32
    %c0_i32_0 = arith.constant 0 : i32
    return %arg0, %c0_i32 : i32, i32
  }
  func.func @transform_1(%arg0: i32) -> (i32, i32) {
    %c0_i32 = arith.constant 0 : i32
    %c0_i32_0 = arith.constant 0 : i32
    return %arg0, %c0_i32 : i32, i32
  }
  func.func @transform_2(%arg0: i32) -> (i32, i32) {
    %c0_i32 = arith.constant 0 : i32
    %c0_i32_0 = arith.constant 0 : i32
    return %arg0, %c0_i32 : i32, i32
  }
  func.func @transform_3(%arg0: i32) -> (i32, i32) {
    %c0_i32 = arith.constant 0 : i32
    %c0_i32_0 = arith.constant 0 : i32
    return %arg0, %c0_i32 : i32, i32
  }
  func.func @transform_4(%arg0: i32) -> (i32, i32) {
    %c0_i32 = arith.constant 0 : i32
    %c0_i32_0 = arith.constant 0 : i32
    return %arg0, %c0_i32 : i32, i32
  }
  func.func @transform_5(%arg0: i32) -> (i32, i32) {
    %c0_i32 = arith.constant 0 : i32
    %c0_i32_0 = arith.constant 0 : i32
    return %arg0, %c0_i32 : i32, i32
  }
}

</mosaic_0001>

<sc_bundles>
// kernel: kernel.5.cloned.1.call-start
scs
__scs_entry_jumppad:
0x0: {  	(pc) =	sbr.rel $0x88, $3  }
0x1: {  	(tag) =	ssettag $0x0;
	lr =	simm.s32 $0x1  }
0x2: {  	[smem:$0x3F9D] =	sst lr;
	_ =	strace $0xD0000000  }
0x3: {  	_ = 	snop  }
0x4: {  	_ = 	snop  }
0x5: {  	_ = 	snop  }
0x6: {  	_ = 	snop  }
0x7: {  	_ = 	snop  }
__scs_overlays_trampoline_lowered:
0x8: {  	[smem:$0x3FAC] =	sst s0  }
0x9: {  	[smem:$0x3FAD] =	sst s1  }
0xa: {  	[smem:$0x3FAE] =	sst s2  }
0xb: {  	[smem:$0x3FAF] =	sst s3  }
0xc: {  	[smem:$0x3FB0] =	sst s4  }
0xd: {  	[smem:$0x3FB1] =	sst s5  }
0xe: {  	[smem:$0x3FB2] =	sst s6  }
0xf: {  	[smem:$0x3FB3] =	sst s7  }
0x10: {  	[smem:$0x3FB4] =	sst s8  }
0x11: {  	[smem:$0x3FB5] =	sst s9;
	s0 =	simm.s32 @!p0 $0x0  }
0x12: {  	s1 =	sld [smem:$0x3F9B];
	s0 =	simm.s32 @p0 $0x1  }
0x13: {  	[smem:$0x3FB6] =	sst s0;
	s0 =	simm.s32 @!p1 $0x0  }
0x14: {  	s2 =	sld [smem:$0x3F9A];
	s0 =	simm.s32 @p1 $0x1  }
0x15: {  	[smem:$0x3FB7] =	sst s0;
	s0 =	simm.s32 @!p2 $0x0  }
0x16: {  	s3 =	sld [smem:$0x3FDB];
	s0 =	simm.s32 @p2 $0x1  }
0x17: {  	s4 =	simm.s32 $0x1BF5;
	[smem:$0x3FB9] =	sst s0  }
0x18: {  	s0 =	sld [smem:$0x3F9C];
	_ =	swait.ge [sflag:s4], $0x0  }
0x19: {  	s7 =	sld [smem:$0x3F9D]  }
0x1a: {  	s8 =	sadd.s32 $0xFFFFE003, lr  }
0x1b: {  	s9 =	sadd.s32 $0xFFFFFEF7, lr;
	s5 =	simm.s32 $0xFFFFFFFF;
	p2 =	slt.u32 s8, $0xFFFFF086  }
0x1c: {  	p1 =	slt.u32 s9, $0xF7A;
	s5 =	simm.s32 @!p2 $0x0  }
0x1d: {  	s5 =	simm.s32 @p1 $0x1;
	p0 =	seq.s32 s7, s2  }
0x1e: {  	s7 =	smul.u32 @!p0 $0xF7A, s2;
	p2 =	seq.s32 @!p0 s5, $0x0  }
0x1f: {  	s9 =	smul.u32 $0xF7A, s1;
	s8 =	simm.s32 @!p0 $0x1BF5;
	p2 =	por !p2, p0  }
0x20: {  	[sflag:s8] =	ssyncset.s32 @!p0 $0xFFFFF086;
	s6 =	sadd.s32 @!p0 s3, s7;
	s7 =	simm.s32 @!p0 $0x108  }
0x21: {  	s3 =	sadd.s32 s3, s9;
	s6 =	sadd.s32 @!p0 $0x88, s6;
	s7 =	simm.s32 @p2 $0x1082  }
0x22: {  	[simem:s7], [sflag:s8] =	dma.local @!p0 [hbm:s6], $0xF7A  }
0x23: {  	s9 =	sor.u32 $0xD0000000, s2;
	s6 =	simm.s32 $0x108;
	_ =	swait.ge @!p0 [sflag:s8], $0x0  }
0x24: {  	s3 =	sadd.s32 $0x88, s3;
	s6 =	simm.s32 @!p1 $0x1082;
	[sflag:s4] =	ssyncset.s32 $0xFFFFF086  }
0x25: {  	[simem:s6], [sflag:s4] =	dma.local [hbm:s3], $0xF7A  }
0x26: {  	[smem:$0x3F9D] =	sst s1;
	(tag) =	ssettag s2;
	_ =	strace s9  }
0x27: {  	s1 =	sld [smem:$0x3FAD]  }
0x28: {  	s2 =	sld [smem:$0x3FAE]  }
0x29: {  	s4 =	sld [smem:$0x3FB0]  }
0x2a: {  	p0 =	seq.s32 s5, $0x0;
	s5 =	sld [smem:$0x3FB1]  }
0x2b: {  	s6 =	sld [smem:$0x3FB2]  }
0x2c: {  	s7 =	sld [smem:$0x3FB3]  }
0x2d: {  	s3 =	simm.s32 $0x108;
	s8 =	sld [smem:$0x3FB4]  }
0x2e: {  	s3 =	simm.s32 @!p0 $0x1082;
	s9 =	sld [smem:$0x3FB5]  }
0x2f: {  	lr =	sadd.s32 s0, s3;
	s0 =	sld [smem:$0x3FAC]  }
0x30: {  	s3 =	sld [smem:$0x3FAF]  }
0x31: {  	[smem:$0x3FB8] =	sst s10  }
0x32: {  	s10 =	sld [smem:$0x3FB6];
	_ =	sdelay $0x3  }
0x33: {  	p0 =	seq.s32 s10, $0x1;
	s10 =	sld [smem:$0x3FB8];
	_ =	sdelay $0x3  }
0x34: {  	[smem:$0x3FB8] =	sst s10  }
0x35: {  	s10 =	sld [smem:$0x3FB7];
	_ =	sdelay $0x3  }
0x36: {  	p1 =	seq.s32 s10, $0x1;
	s10 =	sld [smem:$0x3FB8];
	_ =	sdelay $0x3  }
0x37: {  	[smem:$0x3FB8] =	sst s10  }
0x38: {  	s10 =	sld [smem:$0x3FB9]  }
0x39: {  	_ = 	snop;
	(pc) =	sbr.ind lr, $3  }
0x3a: {  	_ = 	snop  }
0x3b: {  	_ = 	snop  }
0x3c: {  	p2 =	seq.s32 s10, $0x1;
	s10 =	sld [smem:$0x3FB8]  }
0x3d: {  	_ =	shalt  }
0x3e: {  	_ =	shalt  }
0x3f: {  	_ =	shalt  }
0x40: {  	_ =	shalt  }
0x41: {  	_ =	shalt  }
0x42: {  	_ =	shalt  }
0x43: {  	_ =	shalt  }
0x44: {  	_ =	shalt  }
0x45: {  	_ =	shalt  }
0x46: {  	_ =	shalt  }
0x47: {  	_ =	shalt  }
0x48: {  	_ =	shalt  }
0x49: {  	_ =	shalt  }
0x4a: {  	_ =	shalt  }
0x4b: {  	_ =	shalt  }
0x4c: {  	_ =	shalt  }
0x4d: {  	_ =	shalt  }
0x4e: {  	_ =	shalt  }
0x4f: {  	_ =	shalt  }
0x50: {  	_ =	shalt  }
0x51: {  	_ =	shalt  }
0x52: {  	_ =	shalt  }
0x53: {  	_ =	shalt  }
0x54: {  	_ =	shalt  }
0x55: {  	_ =	shalt  }
0x56: {  	_ =	shalt  }
0x57: {  	_ =	shalt  }
0x58: {  	_ =	shalt  }
0x59: {  	_ =	shalt  }
0x5a: {  	_ =	shalt  }
0x5b: {  	_ =	shalt  }
0x5c: {  	_ =	shalt  }
0x5d: {  	_ =	shalt  }
0x5e: {  	_ =	shalt  }
0x5f: {  	_ =	shalt  }
0x60: {  	_ =	shalt  }
0x61: {  	_ =	shalt  }
0x62: {  	_ =	shalt  }
0x63: {  	_ =	shalt  }
0x64: {  	_ =	shalt  }
0x65: {  	_ =	shalt  }
0x66: {  	_ =	shalt  }
0x67: {  	_ =	shalt  }
0x68: {  	_ =	shalt  }
0x69: {  	_ =	shalt  }
0x6a: {  	_ =	shalt  }
0x6b: {  	_ =	shalt  }
0x6c: {  	_ =	shalt  }
0x6d: {  	_ =	shalt  }
0x6e: {  	_ =	shalt  }
0x6f: {  	_ =	shalt  }
0x70: {  	_ =	shalt  }
0x71: {  	_ =	shalt  }
0x72: {  	_ =	shalt  }
0x73: {  	_ =	shalt  }
0x74: {  	_ =	shalt  }
0x75: {  	_ =	shalt  }
0x76: {  	_ =	shalt  }
0x77: {  	_ =	shalt  }
0x78: {  	_ =	shalt  }
0x79: {  	_ =	shalt  }
0x7a: {  	_ =	shalt  }
0x7b: {  	_ =	shalt  }
0x7c: {  	_ =	shalt  }
0x7d: {  	_ =	shalt  }
0x7e: {  	_ =	shalt  }
0x7f: {  	_ =	shalt  }
0x80: {  	_ =	shalt  }
0x81: {  	_ =	shalt  }
0x82: {  	_ =	shalt  }
0x83: {  	_ =	shalt  }
0x84: {  	_ =	shalt  }
0x85: {  	_ =	shalt  }
0x86: {  	_ =	shalt  }
0x87: {  	_ =	shalt  }
.Lfunc_end0:
.L_simem_size_0:
called_computation_lowered:
.L_overlay_start_0:
0x88: {  	s2 =	sld [smem:$0x3FD9]  }
0x89: {  	s3 =	sld [smem:$0x3FFE];
	_ =	sdelay $0x1  }
0x8a: {  	s1 =	srdreg.scid  }
0x8b: {  	s0 =	sand.u32 $0x1, s1  }
0x8c: {  	s14 =	sshll.u32 s0, $0xA;
	s2 =	sadd.s32 s3, s2  }
0x8d: {  	s2 =	sadd.s32 s2, s14  }
0x8e: {  	[smem:$0x3FC4] =	sst s2  }
0x8f: {  	_ = 	snop  }
0x90: {  	s2 =	sld [smem:$0x3FD0];
	_ =	sdelay $0x1  }
0x91: {  	s15 =	sld [smem:$0x3FC8]  }
0x92: {  	s5 =	simm.s32 $0xA;
	s6 =	simm.s32 $0x10;
	s4 =	sld [smem:$0x3FC6]  }
0x93: {  	[smem:s6], [sflag:s5] =	dma.local [hbm:s2], $0x1  }
0x94: {  	_ =	swait.eq [sflag:s5], $0x1  }
0x95: {  	[sflag:s5] =	ssyncset.done $0x0  }
0x96: {  	s16 =	sld [smem:$0x10];
	[sflag:s5] =	ssyncadd.s32 $0xFFFFFFFF  }
0x97: {  	s17 =	sld [smem:$0x11];
	(tm) =	ssettm $0x1  }
0x98: {  	s18 =	sld [smem:$0x3FFB];
	_ =	sdelay $0x3  }
0x99: {  	_ =	strace s18  }
0x9a: {  	s6 =	sld [smem:$0x3FFC];
	_ =	sdelay $0x3  }
0x9b: {  	_ =	strace s6  }
0x9c: {  	s6 =	sld [smem:$0x3FFD];
	_ =	sdelay $0x3  }
0x9d: {  	_ =	strace s6  }
0x9e: {  	_ =	strace $0x8FFFFFFF  }
0x9f: {  	s19 =	sld [smem:$0x3FDB];
	_ =	sdelay $0x1  }
0xa0: {  	s7 =	simm.s32 $_scs_section_size  }
0xa1: {  	s8 =	simm.s32 $_size__tile_overlayer_lowered;
	s9 =	simm.s32 $_tile_overlayer_lowered  }
0xa2: {  	s22 =	simm.s32 $0x1BFF;
	s21 =	sshll.u32 s9, $0x1;
	s6 =	sadd.s32 s7, s19  }
0xa3: {  	s10 =	simm.s32 $0x0;
	s20 =	sshll.u32 s8, $0x1;
	s8 =	sadd.s32 s21, s6  }
0xa4: {  	[timem:s10], [sflag:s22] =	dma.local [hbm:s8], s20  }
0xa5: {  	_ =	swait.ge [sflag:s22], s20  }
0xa6: {  	s7 =	ssub.s32 $0x0, s20;
	[sflag:s22] =	ssyncset.done $0x0  }
0xa7: {  	[sflag:s22] =	ssyncadd.s32 s7;
	_ =	sdelay $0x1  }
0xa8: {  	s23 =	simm.s32 $0x1B8B  }
0xa9: {  	_ =	swait.ge [sflag:s23], $0x1  }
0xaa: {  	[sflag:s23] =	ssyncset.done $0x0  }
0xab: {  	s25 =	simm.s32 $0x1B8E;
	s24 =	sld [smem:$0x3FFE];
	[sflag:s23] =	ssyncadd.s32 $0xFFFFFFFF  }
0xac: {  	s26 =	simm.s32 $execute0_lowered;
	[smem:$0x3FD2] =	sst s25  }
0xad: {  	s8 =	sshll.u32 s26, $0x1;
	_ =	strace $0x80000046;
	[dreg:$0x1] =	wrdreg $0xFFFFFFFF  }
0xae: {  	s28 =	simm.s32 $_size_execute0_lowered;
	s6 =	sadd.s32 s6, s8;
	[dreg:$0x0] =	wrdreg $0x0  }
0xaf: {  	s8 =	sshll.u32 s28, $0x1;
	[dreg:$0x2] =	wrdreg s6  }
0xb0: {  	[dreg:$0x3] =	wrdreg s8  }
0xb1: {  	[dreg:$0x4] =	wrdreg $0xC0  }
0xb2: {  	_ =	task [dreg:s10], $0x5FFFF  }
0xb3: {  	[dreg:$0x1] =	wrdreg $0xFFFFFFFF  }
0xb4: {  	[dreg:$0x0] =	wrdreg $0x60  }
0xb5: {  	[dreg:$0x2] =	wrdreg s24  }
0xb6: {  	[dreg:$0x3] =	wrdreg s16  }
0xb7: {  	[dreg:$0x4] =	wrdreg s17  }
0xb8: {  	[dreg:$0x5] =	wrdreg s15  }
0xb9: {  	[dreg:$0x6] =	wrdreg s4  }
0xba: {  	[dreg:$0x7] =	wrdreg $0x9  }
0xbb: {  	_ =	task.clear_ibuf [dreg:s10], $0x8FFFF;
	_ =	strace $0x90000046  }
0xbc: {  	s29 =	simm.s32 $0x9;
	_ =	strace $0x80000048  }
0xbd: {  	_ =	swait.ge [sflag:s29], $0x1  }
0xbe: {  	[sflag:s29] =	ssyncadd.s32 $0xFFFFFFFF  }
0xbf: {  	_ =	strace $0x90000048  }
0xc0: {  	_ =	sfence  }
0xc1: {  	s30 =	sld [smem:$0x0];
	_ =	sdelay $0x2  }
0xc2: {  	s31 =	sshll.u32 s1, $0xD;
	s1 =	sshrl.u32 s1, $0x2  }
0xc3: {  	s3 =	sand.u32 $0x4000, s31;
	s1 =	sadd.s32 s1, s30  }
0xc4: {  	s0 =	sor.u32 s3, s0;
	s1 =	sshll.u32 s1, $0x11  }
0xc5: {  	s0 =	sor.u32 s1, s0  }
0xc6: {  	s0 =	sadd.s32 $0x8F2B, s0  }
0xc7: {  	[sflag:s0] =	ssyncadd.remote.s32 $0x1  }
0xc8: {  	_ =	sfence.sel $0xFFFF  }
0xc9: {  	[dreg:$0x0] =	wrdreg $0xFFFFFFFF;
	(pc) =	sbr.abs _section_cstart, $3  }
0xca: {  	[dreg:$0x1] =	wrdreg $0xFFFFFFFF  }
0xcb: {  	_ =	task.clear_ibuf [dreg:s10], $0x2FFFF;
	_ =	strace $0x9FFFFFFF  }
0xcc: {  	(tm) =	ssettm $0x7FFFFFFF  }
0xcd: {  	_ =	shalt  }
tec
execute0_lowered:
.L_overlay_start_1:
0x0: {  	(tag) =	ssettag $0x1  }
0x1: {  	s0 =	rddreg [dreg:$0x0]  }
0x2: {  	s1 =	rddreg [dreg:$0x1]  }
0x3: {  	s6 =	simm.s32 $0x0;
	s2 =	srdreg.scid;
	s3 =	stileid.u32  }
0x4: {  	s16 =	simm.s32 $0x6460;
	s17 =	simm.s32 $0x2;
	s18 =	simm.s32 $0x64E0  }
0x5: {  	s19 =	simm.s32 $0x6560;
	s20 =	simm.s32 $0x65E0;
	s21 =	simm.s32 $0x6660  }
0x6: {  	s22 =	simm.s32 $0xA0;
	s23 =	simm.s32 $0x3C0;
	s24 =	simm.s32 $0x460  }
0x7: {  	[smem:$0x7FF] =	sst s6;
	s2 =	sand.u32 $0x1, s2;
	s3 =	sshll.u32 s3, $0x1  }
0x8: {  	s7 =	sadd.s32 $0x187600, s0;
	s5 =	sadd.s32 $0x30E800, s0;
	s3 =	sor.u32 s2, s3  }
0x9: {  	_ =	strace $0x80000047;
	s2 =	ssub.s32 $0x2, s2;
	s4 =	sshll.u32 s3, $0x6  }
0xa: {  	[dreg:$0x6] =	wrdreg s5;
	s4 =	sadd.s32 s4, s0;
	s0 =	sadd.s32 $0x30E600, s0  }
0xb: {  	s25 =	sshrl.u32 s2, $0x1;
	[dreg:$0x7] =	wrdreg s0;
	s28 =	sadd.s32 $0x30EA00, s4  }
.Ltmp0:
0xc: {  	s29 =	sadd.s32 $0x30F200, s4;
	[dreg:$0x8] =	wrdreg s28;
	(pc) =	sbr.rel .LBB2_1-.Ltmp0, $4  }
0xd: {  	v0 =	vimm.s32 $0x0;
	v1 =	vlaneseq.u32;
	s11 =	sshll.u32 s3, $0x2;
	s30 =	sadd.s32 $0x30FA00, s4;
	[dreg:$0x9] =	wrdreg s29  }
0xe: {  	v9 =	vimm.f32 $-Inf;
	v10 =	vimm.s32 $0x40000000;
	v2 =	vor.u32 $0x10, v1;
	s26 =	ssub.s32 s2, s25;
	s31 =	sadd.s32 $0x310200, s4;
	[dreg:$0xa] =	wrdreg s30  }
0xf: {  	v3 =	vor.u32 $0x20, v1;
	v4 =	vor.u32 $0x30, v1;
	v5 =	vor.u32 $0x40, v1;
	s25 =	simm.s32 $0x1;
	s0 =	smax.u32 s26, $0x1;
	[dreg:$0xb] =	wrdreg s31  }
0x10: {  	v6 =	vor.u32 $0x50, v1;
	v7 =	vor.u32 $0x60, v1;
	v8 =	vor.u32 $0x70, v1;
	s26 =	simm.s32 $0x310;
	[dreg:$0xc] =	wrdreg s0;
	s0 =	simm.s32 $0x0  }
.LBB2_133:
0x11: {  	s2 =	rddreg [dreg:$0x8];
	s3 =	simm.s32 $0x66E0  }
0x12: {  	[hbm4b:s2+s6] =	stream.linear.scatter [tilespmem:s3], [sflag:$0x2], $0x200, $0x38;
	[tilespmem:$0x6EE0] =	vst v63  }
0x13: {  	_ =	swait.ge [sflag:s17], $0x200  }
0x14: {  	[sflag:s17] =	ssyncset.done $0x0  }
0x15: {  	s14 =	simm.s32 $0x68E0;
	s13 =	rddreg [dreg:$0x9];
	[sflag:s17] =	ssyncadd.s32 $0xFFFFFE00  }
0x16: {  	[hbm4b:s13+s6] =	stream.linear.scatter [tilespmem:s14], [sflag:$0x2], $0x200, $0x38;
	[tilespmem:$0x6EE0] =	vst v63  }
0x17: {  	_ =	swait.ge [sflag:s17], $0x200  }
0x18: {  	[sflag:s17] =	ssyncset.done $0x0  }
0x19: {  	s28 =	simm.s32 $0x6AE0;
	s15 =	rddreg [dreg:$0xa];
	[sflag:s17] =	ssyncadd.s32 $0xFFFFFE00  }
0x1a: {  	[hbm4b:s15+s6] =	stream.linear.scatter [tilespmem:s28], [sflag:$0x2], $0x200, $0x38;
	[tilespmem:$0x6EE0] =	vst v63  }
0x1b: {  	_ =	swait.ge [sflag:s17], $0x200  }
0x1c: {  	[sflag:s17] =	ssyncset.done $0x0  }
0x1d: {  	s30 =	simm.s32 $0x6CE0;
	s29 =	rddreg [dreg:$0xb];
	[sflag:s17] =	ssyncadd.s32 $0xFFFFFE00  }
0x1e: {  	[hbm4b:s29+s6] =	stream.linear.scatter [tilespmem:s30], [sflag:$0x2], $0x200, $0x38;
	[tilespmem:$0x6EE0] =	vst v63  }
0x1f: {  	_ =	swait.ge [sflag:s17], $0x200  }
0x20: {  	s0 =	sadd.s32 $0x1, s0;
	s31 =	rddreg [dreg:$0xc]  }
0x21: {  	p0 =	sne.s32 s0, s31  }
.Ltmp1:
0x22: {  	_ = 	snop;
	(pc) =	sbr.rel @!p0 .LBB2_134-.Ltmp1, $3  }
0x23: {  	_ =	sdelay $0x1  }
0x24: {  	[sflag:s17] =	ssyncset.done $0x0  }
0x25: {  	[sflag:s17] =	ssyncadd.s32 $0xFFFFFE00  }
.LBB2_1:
0x26: {  	s2 =	rddreg [dreg:$0x6]  }
0x27: {  	[tilespmem:s16], [sflag:$0x2] =	stream.linear.gather [hbm4b:s2+s6], $0x80, $0x38;
	[tilespmem:$0x6EE0] =	vst v63  }
0x28: {  	_ =	swait.ge [sflag:s17], $0x80  }
0x29: {  	[sflag:s17] =	ssyncset.done $0x0  }
0x2a: {  	[sflag:s17] =	ssyncadd.s32 $0xFFFFFF80  }
0x2b: {  	s28 =	rddreg [dreg:$0x2]  }
0x2c: {  	[tilespmem:s18], [sflag:$0x2] =	stream.linear.gather [hbm4b:s28+s6], $0x80, $0x38;
	[tilespmem:$0x6EE0] =	vst v63  }
0x2d: {  	_ =	swait.ge [sflag:s17], $0x80  }
0x2e: {  	[sflag:s17] =	ssyncset.done $0x0  }
0x2f: {  	[sflag:s17] =	ssyncadd.s32 $0xFFFFFF80  }
0x30: {  	s29 =	rddreg [dreg:$0x3]  }
0x31: {  	[tilespmem:s19], [sflag:$0x2] =	stream.linear.gather [hbm4b:s29+s6], $0x80, $0x38;
	[tilespmem:$0x6EE0] =	vst v63  }
0x32: {  	_ =	swait.ge [sflag:s17], $0x80  }
0x33: {  	[sflag:s17] =	ssyncset.done $0x0  }
0x34: {  	s30 =	rddreg [dreg:$0x7];
	[sflag:s17] =	ssyncadd.s32 $0xFFFFFF80  }
0x35: {  	[tilespmem:s20], [sflag:$0x2] =	stream.linear.gather [hbm4b:s30+s6], $0x80, $0x38;
	[tilespmem:$0x6EE0] =	vst v63  }
0x36: {  	_ =	swait.ge [sflag:s17], $0x80  }
0x37: {  	[sflag:s17] =	ssyncset.done $0x0  }
0x38: {  	[sflag:s17] =	ssyncadd.s32 $0xFFFFFF80  }
.Ltmp2:
0x39: {  	s31 =	rddreg [dreg:$0x4];
	(pc) =	sbr.rel .LBB2_2-.Ltmp2, $4  }
0x3a: {  	[tilespmem:s21], [sflag:$0x2] =	stream.linear.gather [hbm4b:s31+s6], $0x80, $0x38;
	[tilespmem:$0x6EE0] =	vst v63  }
0x3b: {  	_ =	swait.ge [sflag:s17], $0x80  }
0x3c: {  	[sflag:s17] =	ssyncset.done $0x0  }
0x3d: {  	s4 =	simm.s32 $0x0;
	[sflag:s17] =	ssyncadd.s32 $0xFFFFFF80  }
.LBB2_107:
0x3e: {  	s5 =	simm.s32 $0x40000000  }
0x3f: {  	s2 =	simm.f32 $0.0e+00;
	s28 =	simm.f32 $+Inf;
	s8 =	simm.s32 $0x0  }
.LBB2_132:
0x40: {  	s3 =	sshll.u32 s4, $0x7;
	s4 =	sadd.s32 $0x1, s4  }
0x41: {  	p0 =	sne.s32 s4, $0x4  }
.Ltmp3:
0x42: {  	v11 =	vmov s28;
	(pc) =	sbr.rel @!p0 .LBB2_133-.Ltmp3, $4  }
0x43: {  	[tilespmem:s3+$0x66E0] =	vst v11;
	v11 =	vmov s8  }
0x44: {  	[tilespmem:s3+$0x68E0] =	vst v11;
	v11 =	vmov s2  }
0x45: {  	[tilespmem:s3+$0x6AE0] =	vst v11;
	v11 =	vmov s5  }
0x46: {  	[tilespmem:s3+$0x6CE0] =	vst v11  }
.LBB2_2:
0x47: {  	s2 =	sadd.s32 s11, s4  }
0x48: {  	s3 =	smul.u32 $0x62, s2;
	_ =	sdelay $0x1  }
0x49: {  	v15 =	vmov s2;
	s5 =	sadd.s32 s1, s3;
	s3 =	simm.s32 $0x0  }
0x4a: {  	[tilespmem:s3], [sflag:$0x2] =	stream.linear.gather [hbm4b:s5+s3], $0x310, $0x38;
	[tilespmem:$0x6EE0] =	vst v63  }
0x4b: {  	_ =	swait.ge [sflag:s17], $0x310  }
0x4c: {  	[sflag:s17] =	ssyncset.done $0x0  }
0x4d: {  	[sflag:s17] =	ssyncadd.s32 $0xFFFFFCF0  }
0x4e: {  	v13 =	vld.idx.msk [tilespmem:v15+s18+$0x0], $0xffff  }
0x4f: {  	v11 =	vld.idx.msk [tilespmem:v15+s16+$0x0], $0xffff  }
0x50: {  	v12 =	vld.idx.msk [tilespmem:v15+s21+$0x0], $0xffff  }
0x51: {  	v14 =	vld.idx.msk [tilespmem:v15+s19+$0x0], $0xffff  }
0x52: {  	v15 =	vld.idx.msk [tilespmem:v15+s20+$0x0], $0xffff;
	[tilespmem:$0x310] =	vst v0  }
0x53: {  	[tilespmem:$0x320] =	vst v0  }
0x54: {  	[tilespmem:$0x330] =	vst v0  }
0x55: {  	[tilespmem:$0x340] =	vst v0  }
0x56: {  	[tilespmem:$0x350] =	vst v0  }
0x57: {  	[tilespmem:$0x360] =	vst v0  }
0x58: {  	[tilespmem:$0x370] =	vst v0  }
0x59: {  	[tilespmem:$0x380] =	vst v0  }
0x5a: {  	[tilespmem:$0x390] =	vst v0  }
0x5b: {  	[tilespmem:$0x3A0] =	vst v0  }
0x5c: {  	[tilespmem:$0x3B0] =	vst v0  }
0x5d: {  	v16 =	vld [tilespmem:s3+$0x0];
	_ =	sdelay $0x3  }
0x5e: {  	v17 =	vor.u32 s3, v1  }
0x5f: {  	vm1 =	vlt.u32 v17, $0x30E;
	vm0 =	vge.f32 v16, v13  }
0x60: {  	vm0 =	vmand vm1, vm0  }
0x61: {  	v16 =	vsel vm0, $0x1, v0  }
0x62: {  	(xrf0) =	vadd.scan.msk.s32 $0xffff, v16;
	_ =	sdelay $0x5  }
0x63: {  	v16, _, _ =	vpop (xrf0)  }
0x64: {  	(v2sf) =	vpush v16, $0xF;
	_ =	sdelay $0x1  }
0x65: {  	s5 =	simm.s32 $0x10;
	[tilespmem:s3+$0x310] =	vst.msk vm0, v17  }
0x66: {  	s8 =	simm.s32 $0x20;
	s9 =	simm.s32 $0x10;
	v16 =	vld [tilespmem:s5+$0x0]  }
.LBB2_3:
0x67: {  	p0 =	sne.s32 s8, $0x300;
	_ =	sdelay $0x2  }
0x68: {  	v17 =	vor.u32 s5, v1;
	s5 =	smov.u32 s8  }
0x69: {  	vm1 =	vlt.u32 v17, $0x30E;
	vm0 =	vge.f32 v16, v13  }
0x6a: {  	vm0 =	vmand vm1, vm0  }
0x6b: {  	v16 =	vsel vm0, $0x1, v0  }
0x6c: {  	(xrf0) =	vadd.scan.msk.s32 $0xffff, v16;
	_ =	sdelay $0x3  }
0x6d: {  	s10 =	spop (v2sf)  }
0x6e: {  	s3 =	sadd.s32 s3, s10  }
.Ltmp4:
0x6f: {  	v16, _, _ =	vpop (xrf0);
	p1 =	slt.s32 s3, $0xA0;
	(pc) =	sbr.rel @p0 .LBB2_3-.Ltmp4, $4  }
0x70: {  	(v2sf) =	vpush v16, $0xF;
	s3 =	simm.s32 @!p1 $0xA0  }
0x71: {  	[tilespmem:s3+$0x310] =	vst.msk vm0, v17  }
0x72: {  	s9 =	sadd.s32 $0x10, s9  }
0x73: {  	s8 =	sadd.s32 $0x10, s8;
	v16 =	vld [tilespmem:s9+$0x0]  }
0x74: {  	_ =	sdelay $0x2  }
0x75: {  	v17 =	vor.u32 s5, v1  }
0x76: {  	vm1 =	vlt.u32 v17, $0x30E;
	vm0 =	vge.f32 v16, v13  }
0x77: {  	vm0 =	vmand vm1, vm0  }
0x78: {  	v59 =	vsel vm0, $0x1, v0  }
0x79: {  	(xrf0) =	vadd.scan.msk.s32 $0xffff, v59;
	_ =	sdelay $0x1  }
0x7a: {  	(xrf0) =	vmax.scan.msk.f32 $0xffff, v14;
	v14 =	vxor.u32 $0x80000000, v15  }
0x7b: {  	(xrf0) =	vmax.scan.msk.u32 $0xffff, v14;
	_ =	sdelay $0x1  }
0x7c: {  	s30 =	spop (v2sf)  }
0x7d: {  	s8 =	sadd.s32 s3, s30;
	v14, _, _ =	vpop (xrf0)  }
0x7e: {  	p0 =	slt.s32 s8, $0xA0;
	(v2sf) =	vpush v14, $0xF  }
0x7f: {  	v15, _, _ =	vpop (xrf0);
	s8 =	simm.s32 @!p0 $0xA0  }
0x80: {  	[tilespmem:s8+$0x310] =	vst.msk vm0, v17;
	(v2sf) =	vpush v15, $0xF;
	v14, _, _ =	vpop (xrf0)  }
0x81: {  	v15 =	vld [tilespmem:$0x310];
	(v2sf) =	vpush v14, $0xF  }
0x82: {  	v14 =	vld [tilespmem:$0x320]  }
0x83: {  	v60 =	vld [tilespmem:$0x330]  }
0x84: {  	s2 =	smul.u32 $0x30E, s2;
	v17 =	vld [tilespmem:$0x340]  }
0x85: {  	v18 =	vld [tilespmem:$0x350]  }
0x86: {  	v19 =	vld [tilespmem:$0x360];
	v15 =	vadd.s32 s2, v15  }
0x87: {  	v14 =	vadd.s32 s2, v14;
	[tilespmem:$0x3C0] =	vst v15;
	v15 =	vld [tilespmem:$0x370]  }
0x88: {  	v61 =	vld [tilespmem:$0x380];
	[tilespmem:$0x3D0] =	vst v14;
	v14 =	vadd.s32 s2, v60  }
0x89: {  	v62 =	vld [tilespmem:$0x390];
	[tilespmem:$0x3E0] =	vst v14;
	v14 =	vadd.s32 s2, v17  }
0x8a: {  	v63 =	vld [tilespmem:$0x3A0];
	[tilespmem:$0x3F0] =	vst v14;
	v14 =	vadd.s32 s2, v18  }
0x8b: {  	[tilespmem:$0x400] =	vst v14;
	v14 =	vadd.s32 s2, v19  }
0x8c: {  	[tilespmem:$0x410] =	vst v14;
	v14 =	vadd.s32 s2, v15  }
0x8d: {  	[tilespmem:$0x420] =	vst v14;
	v14 =	vadd.s32 s2, v61;
	s9 =	spop (v2sf)  }
0x8e: {  	[tilespmem:$0x430] =	vst v14;
	v14 =	vadd.s32 s2, v62;
	s31 =	sadd.s32 s8, s9  }
0x8f: {  	s3 =	spop (v2sf);
	[tilespmem:$0x440] =	vst v14;
	v14 =	vadd.s32 s2, v63;
	p1 =	slt.s32 s31, $0x1  }
.Ltmp5:
0x90: {  	[tilespmem:$0x450] =	vst v14;
	s5 =	spop (v2sf);
	(pc) =	sbr.rel @p1 .LBB2_5-.Ltmp5, $4  }
0x91: {  	[tilespmem:s24], [sflag:$0x1] =	stream.indirect.gather [hbm4b:s7+s22], $0x80, s23, s22, $0xb8;
	[tilespmem:$0x6EE0] =	vst v63  }
0x92: {  	_ =	swait.ge [sflag:s25], $0x5000  }
0x93: {  	p0 =	slt.s32 s31, $0xA0;
	s29 =	smov.u32 s31;
	[sflag:s25] =	ssyncset.done $0x0  }
0x94: {  	s29 =	simm.s32 @!p0 $0xA0;
	[sflag:s25] =	ssyncadd.s32 $0xFFFFB000  }
0x95: {  	s2 =	simm.s32 $0x4A0  }
0x96: {  	s28 =	simm.s32 $0x0;
	v15 =	vld [tilespmem:s2+$0xFFFFFFC0]  }
0x97: {  	p1 =	sne.s32 s29, $0x1;
	v14 =	vmov s28  }
.Ltmp6:
0x98: {  	_ = 	snop;
	(pc) =	sbr.rel @!p1 .LBB2_7-.Ltmp6, $3  }
0x99: {  	_ =	sdelay $0x1  }
0x9a: {  	vm0 =	vge.f32 v15, v13  }
0x9b: {  	s8 =	simm.s32 $0x1;
	p0 =	por $0x0, $0x0;
	v14 =	vld.idx.msk [tilespmem:v14+s26+$0x0], $0xffff;
	v16 =	vsel vm0, $0x1, v0  }
0x9c: {  	_ =	sdelay $0x1  }
0x9d: {  	(xrf0) =	vadd.scan.msk.s32 $0xffff, v16;
	_ =	sdelay $0x1  }
0x9e: {  	v14 =	vshll.u32 v14, $0x7  }
0x9f: {  	[tilespmem:s28+$0x5460] =	vst.msk vm0, v15;
	v16 =	vor.u32 v1, v14  }
0xa0: {  	[tilespmem:s28+$0x5860] =	vst.msk vm0, v16  }
0xa1: {  	v15 =	vld [tilespmem:s2+$0xFFFFFFD0]  }
0xa2: {  	v16, _, _ =	vpop (xrf0)  }
0xa3: {  	(v2sf) =	vpush v16, $0xF;
	_ =	sdelay $0x2  }
0xa4: {  	vm0 =	vge.f32 v15, v13  }
0xa5: {  	v16 =	vsel vm0, $0x1, v0  }
0xa6: {  	(xrf0) =	vadd.scan.msk.s32 $0xffff, v16;
	_ =	sdelay $0x5  }
0xa7: {  	v16, _, _ =	vpop (xrf0)  }
0xa8: {  	(v2sf) =	vpush v16, $0xF;
	_ =	sdelay $0x2  }
0xa9: {  	s9 =	spop (v2sf)  }
0xaa: {  	s9 =	sadd.s32 $0x0, s9  }
0xab: {  	p0 =	slt.s32 s9, $0x3F0  }
0xac: {  	s9 =	simm.s32 @!p0 $0x3F0  }
0xad: {  	v16 =	vor.u32 v2, v14;
	[tilespmem:s9+$0x5460] =	vst.msk vm0, v15  }
0xae: {  	[tilespmem:s9+$0x5860] =	vst.msk vm0, v16  }
0xaf: {  	v15 =	vld [tilespmem:s2+$0xFFFFFFE0];
	_ =	sdelay $0x4  }
0xb0: {  	vm0 =	vge.f32 v15, v13  }
0xb1: {  	s10 =	spop (v2sf);
	v16 =	vsel vm0, $0x1, v0  }
0xb2: {  	s9 =	sadd.s32 s9, s10;
	(xrf0) =	vadd.scan.msk.s32 $0xffff, v16  }
0xb3: {  	p0 =	slt.s32 s9, $0x3F0  }
0xb4: {  	s9 =	simm.s32 @!p0 $0x3F0  }
0xb5: {  	v16 =	vor.u32 v3, v14;
	[tilespmem:s9+$0x5460] =	vst.msk vm0, v15  }
0xb6: {  	[tilespmem:s9+$0x5860] =	vst.msk vm0, v16  }
0xb7: {  	v15 =	vld [tilespmem:s2+$0xFFFFFFF0]  }
0xb8: {  	v16, _, _ =	vpop (xrf0)  }
0xb9: {  	(v2sf) =	vpush v16, $0xF;
	_ =	sdelay $0x2  }
0xba: {  	vm0 =	vge.f32 v15, v13  }
0xbb: {  	v16 =	vsel vm0, $0x1, v0  }
0xbc: {  	(xrf0) =	vadd.scan.msk.s32 $0xffff, v16;
	_ =	sdelay $0x5  }
0xbd: {  	v16, _, _ =	vpop (xrf0)  }
0xbe: {  	(v2sf) =	vpush v16, $0xF;
	_ =	sdelay $0x2  }
0xbf: {  	s31 =	spop (v2sf)  }
0xc0: {  	s9 =	sadd.s32 s9, s31  }
0xc1: {  	p0 =	slt.s32 s9, $0x3F0  }
0xc2: {  	s9 =	simm.s32 @!p0 $0x3F0  }
0xc3: {  	v16 =	vor.u32 v4, v14;
	[tilespmem:s9+$0x5460] =	vst.msk vm0, v15  }
0xc4: {  	[tilespmem:s9+$0x5860] =	vst.msk vm0, v16  }
0xc5: {  	v15 =	vld [tilespmem:s2+$0x0];
	_ =	sdelay $0x4  }
0xc6: {  	vm0 =	vge.f32 v15, v13  }
0xc7: {  	s12 =	spop (v2sf);
	v16 =	vsel vm0, $0x1, v0  }
0xc8: {  	s9 =	sadd.s32 s9, s12;
	(xrf0) =	vadd.scan.msk.s32 $0xffff, v16  }
0xc9: {  	p0 =	slt.s32 s9, $0x3F0  }
0xca: {  	s9 =	simm.s32 @!p0 $0x3F0  }
0xcb: {  	v16 =	vor.u32 v5, v14;
	[tilespmem:s9+$0x5460] =	vst.msk vm0, v15  }
0xcc: {  	[tilespmem:s9+$0x5860] =	vst.msk vm0, v16  }
0xcd: {  	v15 =	vld [tilespmem:s2+$0x10]  }
0xce: {  	v16, _, _ =	vpop (xrf0)  }
0xcf: {  	(v2sf) =	vpush v16, $0xF;
	_ =	sdelay $0x2  }
0xd0: {  	vm0 =	vge.f32 v15, v13  }
0xd1: {  	v16 =	vsel vm0, $0x1, v0  }
0xd2: {  	(xrf0) =	vadd.scan.msk.s32 $0xffff, v16;
	_ =	sdelay $0x5  }
0xd3: {  	v16, _, _ =	vpop (xrf0)  }
0xd4: {  	(v2sf) =	vpush v16, $0xF;
	_ =	sdelay $0x2  }
0xd5: {  	s13 =	spop (v2sf)  }
0xd6: {  	s9 =	sadd.s32 s9, s13  }
0xd7: {  	p0 =	slt.s32 s9, $0x3F0  }
0xd8: {  	s9 =	simm.s32 @!p0 $0x3F0  }
0xd9: {  	v16 =	vor.u32 v6, v14;
	[tilespmem:s9+$0x5460] =	vst.msk vm0, v15  }
0xda: {  	[tilespmem:s9+$0x5860] =	vst.msk vm0, v16  }
0xdb: {  	v15 =	vld [tilespmem:s2+$0x20];
	_ =	sdelay $0x4  }
0xdc: {  	vm0 =	vge.f32 v15, v13  }
0xdd: {  	s14 =	spop (v2sf);
	v16 =	vsel vm0, $0x1, v0  }
0xde: {  	s9 =	sadd.s32 s9, s14;
	(xrf0) =	vadd.scan.msk.s32 $0xffff, v16  }
0xdf: {  	p0 =	slt.s32 s9, $0x3F0  }
0xe0: {  	s9 =	simm.s32 @!p0 $0x3F0  }
0xe1: {  	v16 =	vor.u32 v7, v14;
	[tilespmem:s9+$0x5460] =	vst.msk vm0, v15  }
0xe2: {  	[tilespmem:s9+$0x5860] =	vst.msk vm0, v16  }
0xe3: {  	v15 =	vld [tilespmem:s2+$0x30]  }
0xe4: {  	v16, _, _ =	vpop (xrf0)  }
0xe5: {  	(v2sf) =	vpush v16, $0xF;
	_ =	sdelay $0x2  }
0xe6: {  	vm0 =	vge.f32 v15, v13  }
0xe7: {  	v16 =	vsel vm0, $0x1, v0  }
0xe8: {  	(xrf0) =	vadd.scan.msk.s32 $0xffff, v16;
	_ =	sdelay $0x5  }
0xe9: {  	v16, _, _ =	vpop (xrf0)  }
0xea: {  	(v2sf) =	vpush v16, $0xF;
	_ =	sdelay $0x2  }
0xeb: {  	s15 =	spop (v2sf)  }
0xec: {  	s9 =	sadd.s32 s9, s15  }
0xed: {  	p0 =	slt.s32 s9, $0x3F0  }
0xee: {  	s9 =	simm.s32 @!p0 $0x3F0  }
0xef: {  	v14 =	vor.u32 v8, v14;
	[tilespmem:s9+$0x5460] =	vst.msk vm0, v15  }
0xf0: {  	[tilespmem:s9+$0x5860] =	vst.msk vm0, v14;
	v14 =	vmov s8;
	_ =	sdelay $0x1  }
0xf1: {  	s2 =	simm.s32 $0x520  }
0xf2: {  	v15 =	vld [tilespmem:s2+$0xFFFFFFC0]  }
0xf3: {  	p1 =	sne.s32 s29, $0x2  }
.Ltmp7:
0xf4: {  	v14 =	vld.idx.msk [tilespmem:v14+s26+$0x0], $0xffff;
	(pc) =	sbr.rel @!p1 .LBB2_10-.Ltmp7, $4  }
0xf5: {  	_ = 	snop  }
0xf6: {  	s31 =	spop (v2sf)  }
0xf7: {  	vm0 =	vge.f32 v15, v13;
	s8 =	sadd.s32 s9, s31  }
0xf8: {  	s30 =	simm.s32 $0x2;
	p0 =	por $0x1, $0x1;
	v16 =	vsel vm0, $0x1, v0;
	p2 =	slt.s32 s8, $0x3F0  }
.LBB2_9:
0xf9: {  	v14 =	vshll.u32 v14, $0x7;
	(xrf0) =	vadd.scan.msk.s32 $0xffff, v16;
	s8 =	simm.s32 @!p2 $0x3F0;
	s31 =	smov.u32 s30;
	s30 =	sadd.s32 $0x1, s30  }
0xfa: {  	p1 =	sne.s32 s29, s30;
	v16 =	vor.u32 v1, v14;
	[tilespmem:s8+$0x5460] =	vst.msk vm0, v15  }
0xfb: {  	[tilespmem:s8+$0x5860] =	vst.msk vm0, v16  }
0xfc: {  	v15 =	vld [tilespmem:s2+$0xFFFFFFD0];
	_ =	sdelay $0x2  }
0xfd: {  	v16, _, _ =	vpop (xrf0)  }
0xfe: {  	(v2sf) =	vpush v16, $0xF  }
0xff: {  	vm0 =	vge.f32 v15, v13  }
0x100: {  	v16 =	vsel vm0, $0x1, v0  }
0x101: {  	(xrf0) =	vadd.scan.msk.s32 $0xffff, v16;
	_ =	sdelay $0x5  }
0x102: {  	v16, _, _ =	vpop (xrf0)  }
0x103: {  	(v2sf) =	vpush v16, $0xF;
	_ =	sdelay $0x4  }
0x104: {  	s9 =	spop (v2sf)  }
0x105: {  	s8 =	sadd.s32 s8, s9  }
0x106: {  	p2 =	slt.s32 s8, $0x3F0  }
0x107: {  	s8 =	simm.s32 @!p2 $0x3F0  }
0x108: {  	v16 =	vor.u32 v2, v14;
	[tilespmem:s8+$0x5460] =	vst.msk vm0, v15  }
0x109: {  	[tilespmem:s8+$0x5860] =	vst.msk vm0, v16  }
0x10a: {  	v15 =	vld [tilespmem:s2+$0xFFFFFFE0];
	_ =	sdelay $0x3  }
0x10b: {  	s9 =	spop (v2sf)  }
0x10c: {  	s8 =	sadd.s32 s8, s9;
	vm0 =	vge.f32 v15, v13  }
0x10d: {  	p2 =	slt.s32 s8, $0x3F0;
	v16 =	vsel vm0, $0x1, v0  }
0x10e: {  	s8 =	simm.s32 @!p2 $0x3F0;
	(xrf0) =	vadd.scan.msk.s32 $0xffff, v16  }
0x10f: {  	v16 =	vor.u32 v3, v14;
	[tilespmem:s8+$0x5460] =	vst.msk vm0, v15  }
0x110: {  	[tilespmem:s8+$0x5860] =	vst.msk vm0, v16  }
0x111: {  	v15 =	vld [tilespmem:s2+$0xFFFFFFF0];
	_ =	sdelay $0x2  }
0x112: {  	v16, _, _ =	vpop (xrf0)  }
0x113: {  	(v2sf) =	vpush v16, $0xF  }
0x114: {  	vm0 =	vge.f32 v15, v13  }
0x115: {  	v16 =	vsel vm0, $0x1, v0  }
0x116: {  	(xrf0) =	vadd.scan.msk.s32 $0xffff, v16;
	_ =	sdelay $0x5  }
0x117: {  	v16, _, _ =	vpop (xrf0)  }
0x118: {  	(v2sf) =	vpush v16, $0xF;
	_ =	sdelay $0x4  }
0x119: {  	s9 =	spop (v2sf)  }
0x11a: {  	s8 =	sadd.s32 s8, s9  }
0x11b: {  	p2 =	slt.s32 s8, $0x3F0  }
0x11c: {  	s8 =	simm.s32 @!p2 $0x3F0  }
0x11d: {  	v16 =	vor.u32 v4, v14;
	[tilespmem:s8+$0x5460] =	vst.msk vm0, v15  }
0x11e: {  	[tilespmem:s8+$0x5860] =	vst.msk vm0, v16  }
0x11f: {  	v15 =	vld [tilespmem:s2+$0x0];
	_ =	sdelay $0x3  }
0x120: {  	s9 =	spop (v2sf)  }
0x121: {  	s8 =	sadd.s32 s8, s9;
	vm0 =	vge.f32 v15, v13  }
0x122: {  	p2 =	slt.s32 s8, $0x3F0;
	v16 =	vsel vm0, $0x1, v0  }
0x123: {  	s8 =	simm.s32 @!p2 $0x3F0;
	(xrf0) =	vadd.scan.msk.s32 $0xffff, v16  }
0x124: {  	v16 =	vor.u32 v5, v14;
	[tilespmem:s8+$0x5460] =	vst.msk vm0, v15  }
0x125: {  	[tilespmem:s8+$0x5860] =	vst.msk vm0, v16  }
0x126: {  	v15 =	vld [tilespmem:s2+$0x10];
	_ =	sdelay $0x2  }
0x127: {  	v16, _, _ =	vpop (xrf0)  }
0x128: {  	(v2sf) =	vpush v16, $0xF  }
0x129: {  	vm0 =	vge.f32 v15, v13  }
0x12a: {  	v16 =	vsel vm0, $0x1, v0  }
0x12b: {  	(xrf0) =	vadd.scan.msk.s32 $0xffff, v16;
	_ =	sdelay $0x5  }
0x12c: {  	v16, _, _ =	vpop (xrf0)  }
0x12d: {  	(v2sf) =	vpush v16, $0xF;
	_ =	sdelay $0x4  }
0x12e: {  	s9 =	spop (v2sf)  }
0x12f: {  	s8 =	sadd.s32 s8, s9  }
0x130: {  	p2 =	slt.s32 s8, $0x3F0  }
0x131: {  	s8 =	simm.s32 @!p2 $0x3F0  }
0x132: {  	v16 =	vor.u32 v6, v14;
	[tilespmem:s8+$0x5460] =	vst.msk vm0, v15  }
0x133: {  	[tilespmem:s8+$0x5860] =	vst.msk vm0, v16  }
0x134: {  	v15 =	vld [tilespmem:s2+$0x20];
	_ =	sdelay $0x3  }
0x135: {  	s9 =	spop (v2sf)  }
0x136: {  	s8 =	sadd.s32 s8, s9;
	vm0 =	vge.f32 v15, v13  }
0x137: {  	p2 =	slt.s32 s8, $0x3F0;
	v16 =	vsel vm0, $0x1, v0  }
0x138: {  	s8 =	simm.s32 @!p2 $0x3F0;
	(xrf0) =	vadd.scan.msk.s32 $0xffff, v16  }
0x139: {  	v16 =	vor.u32 v7, v14;
	[tilespmem:s8+$0x5460] =	vst.msk vm0, v15  }
0x13a: {  	[tilespmem:s8+$0x5860] =	vst.msk vm0, v16  }
0x13b: {  	v15 =	vld [tilespmem:s2+$0x30];
	_ =	sdelay $0x2  }
0x13c: {  	v16, _, _ =	vpop (xrf0)  }
0x13d: {  	(v2sf) =	vpush v16, $0xF  }
0x13e: {  	vm0 =	vge.f32 v15, v13  }
0x13f: {  	v16 =	vsel vm0, $0x1, v0  }
0x140: {  	(xrf0) =	vadd.scan.msk.s32 $0xffff, v16;
	_ =	sdelay $0x5  }
0x141: {  	v16, _, _ =	vpop (xrf0)  }
0x142: {  	(v2sf) =	vpush v16, $0xF;
	_ =	sdelay $0x4  }
0x143: {  	s9 =	spop (v2sf)  }
0x144: {  	s8 =	sadd.s32 s8, s9  }
0x145: {  	v16 =	vmov s31;
	p2 =	slt.s32 s8, $0x3F0  }
0x146: {  	s8 =	simm.s32 @!p2 $0x3F0  }
0x147: {  	v14 =	vor.u32 v8, v14;
	[tilespmem:s8+$0x5460] =	vst.msk vm0, v15  }
0x148: {  	s2 =	sadd.s32 $0x80, s2;
	[tilespmem:s8+$0x5860] =	vst.msk vm0, v14  }
0x149: {  	v15 =	vld [tilespmem:s2+$0xFFFFFFC0]  }
0x14a: {  	v14 =	vld.idx.msk [tilespmem:v16+s26+$0x0], $0xffff  }
.Ltmp8:
0x14b: {  	(pc) =	sbr.rel @p1 .LBB2_9-.Ltmp8, $4  }
0x14c: {  	_ = 	snop  }
0x14d: {  	s9 =	spop (v2sf)  }
0x14e: {  	vm0 =	vge.f32 v15, v13;
	s8 =	sadd.s32 s8, s9  }
0x14f: {  	v16 =	vsel vm0, $0x1, v0;
	p2 =	slt.s32 s8, $0x3F0  }
.LBB2_10:
0x150: {  	p1 =	por !p2, !p0  }
0x151: {  	s8 =	simm.s32 @p1 $0x3F0  }
0x152: {  	v14 =	vshll.u32 v14, $0x7;
	s28 =	smov.u32 @p0 s8  }
0x153: {  	[tilespmem:s28+$0x5460] =	vst.msk vm0, v15;
	v15 =	vor.u32 v1, v14  }
0x154: {  	(xrf0) =	vadd.scan.msk.s32 $0xffff, v16;
	[tilespmem:s28+$0x5860] =	vst.msk vm0, v15  }
0x155: {  	v15 =	vld [tilespmem:s2+$0xFFFFFFD0];
	_ =	sdelay $0x4  }
0x156: {  	v16, _, _ =	vpop (xrf0);
	vm9 =	vge.f32 v15, v13  }
0x157: {  	(v2sf) =	vpush v16, $0xF;
	v51 =	vsel vm9, $0x1, v0  }
0x158: {  	(xrf0) =	vadd.scan.msk.s32 $0xffff, v51;
	_ =	sdelay $0x5  }
0x159: {  	v16, _, _ =	vpop (xrf0)  }
0x15a: {  	(v2sf) =	vpush v16, $0xF;
	_ =	sdelay $0x6  }
0x15b: {  	s13 =	spop (v2sf)  }
0x15c: {  	s8 =	sadd.s32 s28, s13  }
0x15d: {  	p0 =	slt.s32 s8, $0x3F0  }
0x15e: {  	s8 =	simm.s32 @!p0 $0x3F0  }
0x15f: {  	v52 =	vor.u32 v2, v14;
	[tilespmem:s8+$0x5460] =	vst.msk vm9, v15  }
0x160: {  	[tilespmem:s8+$0x5860] =	vst.msk vm9, v52  }
0x161: {  	v15 =	vld [tilespmem:s2+$0xFFFFFFE0];
	_ =	sdelay $0x1  }
0x162: {  	s9 =	spop (v2sf)  }
0x163: {  	s8 =	sadd.s32 s8, s9  }
0x164: {  	p0 =	slt.s32 s8, $0x3F0  }
0x165: {  	vm10 =	vge.f32 v15, v13;
	s8 =	simm.s32 @!p0 $0x3F0  }
0x166: {  	v53 =	vsel vm10, $0x1, v0;
	[tilespmem:s8+$0x5460] =	vst.msk vm10, v15;
	v15 =	vor.u32 v3, v14  }
0x167: {  	(xrf0) =	vadd.scan.msk.s32 $0xffff, v53;
	[tilespmem:s8+$0x5860] =	vst.msk vm10, v15  }
0x168: {  	v15 =	vld [tilespmem:s2+$0xFFFFFFF0];
	_ =	sdelay $0x4  }
0x169: {  	v16, _, _ =	vpop (xrf0);
	vm11 =	vge.f32 v15, v13  }
0x16a: {  	(v2sf) =	vpush v16, $0xF;
	v54 =	vsel vm11, $0x1, v0  }
0x16b: {  	(xrf0) =	vadd.scan.msk.s32 $0xffff, v54;
	_ =	sdelay $0x5  }
0x16c: {  	v16, _, _ =	vpop (xrf0)  }
0x16d: {  	(v2sf) =	vpush v16, $0xF;
	_ =	sdelay $0x6  }
0x16e: {  	s14 =	spop (v2sf)  }
0x16f: {  	s8 =	sadd.s32 s8, s14  }
0x170: {  	p0 =	slt.s32 s8, $0x3F0  }
0x171: {  	s8 =	simm.s32 @!p0 $0x3F0  }
0x172: {  	v55 =	vor.u32 v4, v14;
	[tilespmem:s8+$0x5460] =	vst.msk vm11, v15  }
0x173: {  	[tilespmem:s8+$0x5860] =	vst.msk vm11, v55  }
0x174: {  	v15 =	vld [tilespmem:s2+$0x0];
	_ =	sdelay $0x1  }
0x175: {  	s15 =	spop (v2sf)  }
0x176: {  	s8 =	sadd.s32 s8, s15  }
0x177: {  	p0 =	slt.s32 s8, $0x3F0  }
0x178: {  	vm12 =	vge.f32 v15, v13;
	s8 =	simm.s32 @!p0 $0x3F0  }
0x179: {  	v56 =	vsel vm12, $0x1, v0;
	[tilespmem:s8+$0x5460] =	vst.msk vm12, v15;
	v15 =	vor.u32 v5, v14  }
0x17a: {  	(xrf0) =	vadd.scan.msk.s32 $0xffff, v56;
	[tilespmem:s8+$0x5860] =	vst.msk vm12, v15  }
0x17b: {  	v15 =	vld [tilespmem:s2+$0x10];
	_ =	sdelay $0x4  }
0x17c: {  	v16, _, _ =	vpop (xrf0);
	vm13 =	vge.f32 v15, v13  }
0x17d: {  	(v2sf) =	vpush v16, $0xF;
	v57 =	vsel vm13, $0x1, v0  }
0x17e: {  	(xrf0) =	vadd.scan.msk.s32 $0xffff, v57;
	_ =	sdelay $0x5  }
0x17f: {  	v16, _, _ =	vpop (xrf0)  }
0x180: {  	(v2sf) =	vpush v16, $0xF;
	_ =	sdelay $0x6  }
0x181: {  	s28 =	spop (v2sf)  }
0x182: {  	s8 =	sadd.s32 s8, s28  }
0x183: {  	p0 =	slt.s32 s8, $0x3F0  }
0x184: {  	s8 =	simm.s32 @!p0 $0x3F0  }
0x185: {  	v58 =	vor.u32 v6, v14;
	[tilespmem:s8+$0x5460] =	vst.msk vm13, v15  }
0x186: {  	[tilespmem:s8+$0x5860] =	vst.msk vm13, v58  }
0x187: {  	v15 =	vld [tilespmem:s2+$0x20];
	_ =	sdelay $0x1  }
0x188: {  	s29 =	spop (v2sf)  }
0x189: {  	s8 =	sadd.s32 s8, s29  }
0x18a: {  	p0 =	slt.s32 s8, $0x3F0  }
0x18b: {  	vm14 =	vge.f32 v15, v13;
	s8 =	simm.s32 @!p0 $0x3F0  }
0x18c: {  	v59 =	vor.u32 v7, v14;
	[tilespmem:s8+$0x5460] =	vst.msk vm14, v15  }
0x18d: {  	[tilespmem:s8+$0x5860] =	vst.msk vm14, v59  }
0x18e: {  	v15 =	vld [tilespmem:s2+$0x30];
	_ =	sdelay $0x2  }
0x18f: {  	v60 =	vsel vm14, $0x1, v0  }
0x190: {  	(xrf0) =	vadd.scan.msk.s32 $0xffff, v60  }
0x191: {  	vm15 =	vge.f32 v15, v13  }
0x192: {  	v61 =	vsel vm15, $0x1, v0  }
0x193: {  	(xrf0) =	vadd.scan.msk.s32 $0xffff, v61;
	_ =	sdelay $0x2  }
0x194: {  	v62, _, _ =	vpop (xrf0)  }
0x195: {  	(v2sf) =	vpush v62, $0xF;
	_ =	sdelay $0x1  }
0x196: {  	v63, _, _ =	vpop (xrf0)  }
0x197: {  	(v2sf) =	vpush v63, $0xF;
	_ =	sdelay $0xb  }
0x198: {  	s30 =	spop (v2sf)  }
0x199: {  	s2 =	sadd.s32 s8, s30  }
.Ltmp9:
0x19a: {  	p0 =	slt.s32 s2, $0x3F0;
	(pc) =	sbr.rel .LBB2_11-.Ltmp9, $4  }
0x19b: {  	s2 =	simm.s32 @!p0 $0x3F0;
	s31 =	spop (v2sf)  }
0x19c: {  	s8 =	sadd.s32 s2, s31  }
0x19d: {  	v14 =	vor.u32 v8, v14;
	[tilespmem:s2+$0x5460] =	vst.msk vm15, v15;
	p0 =	slt.s32 s8, $0x3F0  }
0x19e: {  	[tilespmem:s2+$0x5860] =	vst.msk vm15, v14;
	s8 =	simm.s32 @!p0 $0x3F0  }
.LBB2_5:
0x19f: {  	s8 =	simm.s32 $0x0  }
.LBB2_11:
0x1a0: {  	s2 =	sadd.s32 $0xF, s8  }
0x1a1: {  	s2 =	sshra.s32 s2, $0x4  }
0x1a2: {  	p6 =	slt.s32 s2, $0x1  }
.Ltmp10:
0x1a3: {  	_ = 	snop;
	(pc) =	sbr.rel @p6 .LBB2_18-.Ltmp10, $3  }
0x1a4: {  	_ =	sdelay $0x1  }
0x1a5: {  	[tilespmem:s8+$0x5460] =	vst v9  }
0x1a6: {  	[tilespmem:s8+$0x5860] =	vst v10  }
0x1a7: {  	p0 =	sne.s32 s2, $0x1  }
.Ltmp11:
0x1a8: {  	_ = 	snop;
	(pc) =	sbr.rel @!p0 .LBB2_13-.Ltmp11, $3  }
0x1a9: {  	_ =	sdelay $0x1  }
0x1aa: {  	s9 =	simm.s32 $0x5460  }
0x1ab: {  	s8 =	simm.s32 $0x5C60;
	p1 =	por $0x0, $0x0;
	v14 =	vld [tilespmem:s9+$0x0];
	s9 =	sadd.s32 $0xFFFFFFFF, s2  }
0x1ac: {  	_ =	sdelay $0x1  }
0x1ad: {  	p0 =	sne.s32 s9, $0x1  }
.Ltmp12:
0x1ae: {  	_ = 	snop;
	(pc) =	sbr.rel @!p0 .LBB2_15-.Ltmp12, $4  }
0x1af: {  	v15 =	vxor.u32 $0x7FFFFFFF, v14;
	vm0 =	vlt.s32 v14, $0x0  }
0x1b0: {  	v14 =	vsel vm0, v15, v14  }
0x1b1: {  	s10 =	simm.s32 $0x5470;
	[tilespmem:s8+$0x0] =	vst v14  }
0x1b2: {  	s12 =	sadd.s32 $0xFFFFFFFF, s9;
	p1 =	por $0x1, $0x1;
	s9 =	simm.s32 $0x5C60;
	v14 =	vld [tilespmem:s10+$0x0]  }
.LBB2_16:
0x1b3: {  	p2 =	sne.s32 s12, $0x1;
	_ =	sdelay $0x2  }
.Ltmp13:
0x1b4: {  	(pc) =	sbr.rel @p2 .LBB2_16-.Ltmp13, $4  }
0x1b5: {  	v15 =	vxor.u32 $0x7FFFFFFF, v14;
	vm0 =	vlt.s32 v14, $0x0  }
0x1b6: {  	s9 =	sadd.s32 $0x10, s9;
	v14 =	vsel vm0, v15, v14  }
0x1b7: {  	s10 =	sadd.s32 $0x10, s10;
	[tilespmem:s9+$0x0] =	vst v14  }
0x1b8: {  	s12 =	sadd.s32 $0xFFFFFFFF, s12;
	v14 =	vld [tilespmem:s10+$0x0]  }
.LBB2_17:
0x1b9: {  	_ =	sdelay $0x3  }
0x1ba: {  	s9 =	sadd.s32 @p1 $0x10, s9;
	v15 =	vxor.u32 $0x7FFFFFFF, v14;
	vm0 =	vlt.s32 v14, $0x0  }
0x1bb: {  	s8 =	smov.u32 @p1 s9;
	v14 =	vsel vm0, v15, v14  }
0x1bc: {  	[tilespmem:s8+$0x0] =	vst v14  }
.LBB2_18:
0x1bd: {  	v14 =	vshra.s32 v13, $0x1F  }
0x1be: {  	v15 =	vshra.s32 v11, $0x1F;
	v14 =	vor.u32 $0x80000000, v14  }
0x1bf: {  	v13 =	vxor.u32 v13, v14;
	v14 =	vor.u32 $0x80000000, v15  }
0x1c0: {  	(xrf0) =	vmax.scan.msk.u32 $0xffff, v13;
	v13 =	vxor.u32 v11, v14  }
0x1c1: {  	(xrf0) =	vmax.scan.msk.u32 $0xffff, v13;
	_ =	sdelay $0x4  }
0x1c2: {  	v13, _, _ =	vpop (xrf0)  }
0x1c3: {  	(v2sf) =	vpush v13, $0xF;
	v13, _, _ =	vpop (xrf0)  }
0x1c4: {  	(v2sf) =	vpush v13, $0xF;
	_ =	sdelay $0xd  }
0x1c5: {  	s8 =	spop (v2sf)  }
0x1c6: {  	s9 =	spop (v2sf)  }
0x1c7: {  	s28 =	sxor.u32 $0x80000000, s8;
	s8 =	sadd.s32 $0x80000001, s9  }
0x1c8: {  	s10 =	scvt.s32.f32 s28;
	s9 =	scvt.s32.f32 s8  }
0x1c9: {  	_ = 	snop  }
0x1ca: {  	s9 =	ssub.f32 s9, s10;
	_ =	sdelay $0x1  }
0x1cb: {  	p0 =	sgt.f32 s9, $1.500000000e+00  }
.Ltmp14:
0x1cc: {  	_ = 	snop;
	(pc) =	sbr.rel @!p0 .LBB2_19-.Ltmp14, $1  }
0x1cd: {  	_ =	sdelay $0x3  }
.Ltmp15:
0x1ce: {  	(pc) =	sbr.rel .LBB2_24-.Ltmp15, $2  }
0x1cf: {  	_ =	sdelay $0x2  }
0x1d0: {  	s5 =	sxor.u32 $0x80000000, s5  }
.LBB2_25:
0x1d1: {  	s9 =	simm.s32 $0x0  }
.LBB2_39:
0x1d2: {  	p0 =	slt.s32 s9, s5;
	s9 =	smov.u32 s29  }
0x1d3: {  	s9 =	smov.u32 @p0 s28;
	s8 =	smov.u32 @p0 s29  }
0x1d4: {  	s10 =	scvt.s32.f32 s8;
	s12 =	scvt.s32.f32 s9  }
0x1d5: {  	_ = 	snop  }
0x1d6: {  	s10 =	ssub.f32 s10, s12;
	_ =	sdelay $0x1  }
0x1d7: {  	p0 =	sgt.f32 s10, $1.500000000e+00  }
.Ltmp16:
0x1d8: {  	_ = 	snop;
	(pc) =	sbr.rel @!p0 .LBB2_20-.Ltmp16, $2  }
0x1d9: {  	_ =	sdelay $0x2  }
0x1da: {  	s28 =	smov.u32 s9  }
.LBB2_24:
.Ltmp17:
0x1db: {  	(pc) =	sbr.rel @p6 .LBB2_25-.Ltmp17, $4  }
0x1dc: {  	_ = 	snop  }
0x1dd: {  	s9 =	sxor.u32 s8, s28  }
0x1de: {  	s10 =	sand.u32 s8, s28;
	s9 =	sshra.s32 s9, $0x1  }
0x1df: {  	s29 =	sadd.s32 s9, s10  }
0x1e0: {  	s9 =	simm.s32 $0x5C60  }
0x1e1: {  	p0 =	sne.s32 s2, $0x1;
	v14 =	vld [tilespmem:s9+$0x0]  }
.Ltmp18:
0x1e2: {  	_ = 	snop;
	(pc) =	sbr.rel @!p0 .LBB2_27-.Ltmp18, $4  }
0x1e3: {  	_ = 	snop  }
0x1e4: {  	s10 =	sadd.s32 $0xFFFFFFFF, s2  }
0x1e5: {  	v13 =	vmov s29;
	s12 =	simm.s32 $0x5C70;
	p1 =	por $0x0, $0x0;
	p2 =	por $0x0, $0x0  }
0x1e6: {  	p3 =	por $0x0, $0x0;
	p4 =	por $0x0, $0x0;
	s9 =	simm.s32 $0x0;
	vm0 =	vge.s32 v14, v13  }
0x1e7: {  	v14 =	vld [tilespmem:s12+$0x0];
	p0 =	sne.s32 s10, $0x1  }
.Ltmp19:
0x1e8: {  	_ = 	snop;
	(pc) =	sbr.rel @!p0 .LBB2_29-.Ltmp19, $3  }
0x1e9: {  	_ =	sdelay $0x1  }
0x1ea: {  	v15 =	vsel vm0, $0x1, v0  }
0x1eb: {  	s10 =	sadd.s32 $0xFFFFFFFF, s10;
	s12 =	simm.s32 $0x5C80;
	p1 =	por $0x1, $0x1;
	(xrf0) =	vadd.scan.msk.s32 $0xffff, v15;
	vm0 =	vge.s32 v14, v13  }
0x1ec: {  	_ = 	snop  }
0x1ed: {  	v14 =	vld [tilespmem:s12+$0x0];
	p0 =	sne.s32 s10, $0x1  }
.Ltmp20:
0x1ee: {  	_ = 	snop;
	(pc) =	sbr.rel @!p0 .LBB2_31-.Ltmp20, $3  }
0x1ef: {  	_ =	sdelay $0x1  }
0x1f0: {  	v15 =	vsel vm0, $0x1, v0;
	v16, _, _ =	vpop (xrf0)  }
0x1f1: {  	s10 =	sadd.s32 $0xFFFFFFFF, s10;
	s12 =	simm.s32 $0x5C90;
	p2 =	por $0x1, $0x1;
	(xrf0) =	vadd.scan.msk.s32 $0xffff, v15;
	vm0 =	vge.s32 v14, v13;
	(v2sf) =	vpush v16, $0xF  }
0x1f2: {  	_ =	sdelay $0x4  }
0x1f3: {  	v16, _, _ =	vpop (xrf0)  }
0x1f4: {  	(v2sf) =	vpush v16, $0xF;
	_ =	sdelay $0x3  }
0x1f5: {  	v14 =	vld [tilespmem:s12+$0x0];
	p0 =	sne.s32 s10, $0x1  }
.Ltmp21:
0x1f6: {  	_ = 	snop;
	(pc) =	sbr.rel @!p0 .LBB2_33-.Ltmp21, $3  }
0x1f7: {  	_ =	sdelay $0x1  }
0x1f8: {  	v15 =	vsel vm0, $0x1, v0  }
0x1f9: {  	s10 =	sadd.s32 $0xFFFFFFFF, s10;
	s12 =	simm.s32 $0x5CA0;
	p3 =	por $0x1, $0x1;
	(xrf0) =	vadd.scan.msk.s32 $0xffff, v15;
	vm0 =	vge.s32 v14, v13  }
0x1fa: {  	_ =	sdelay $0x4  }
0x1fb: {  	v16, _, _ =	vpop (xrf0)  }
0x1fc: {  	(v2sf) =	vpush v16, $0xF;
	_ =	sdelay $0x2  }
0x1fd: {  	v14 =	vld [tilespmem:s12+$0x0];
	p0 =	sne.s32 s10, $0x1;
	v15 =	vsel vm0, $0x1, v0  }
.Ltmp22:
0x1fe: {  	(xrf0) =	vadd.scan.msk.s32 $0xffff, v15;
	(pc) =	sbr.rel @!p0 .LBB2_35-.Ltmp22, $3  }
0x1ff: {  	_ =	sdelay $0x1  }
0x200: {  	s13 =	sadd.s32 $0xFFFFFFFF, s10;
	s14 =	simm.s32 $0x5CB0  }
0x201: {  	s12 =	spop (v2sf);
	p4 =	por $0x1, $0x1;
	s10 =	simm.s32 $0x0;
	vm0 =	vge.s32 v14, v13  }
.LBB2_36:
0x202: {  	v14 =	vld [tilespmem:s14+$0x0];
	p0 =	sne.s32 s13, $0x1;
	s13 =	sadd.s32 $0xFFFFFFFF, s13;
	v16 =	vsel vm0, $0x1, v0;
	s10 =	sadd.s32 s10, s12  }
.Ltmp23:
0x203: {  	(xrf0) =	vadd.scan.msk.s32 $0xffff, v16;
	v15, _, _ =	vpop (xrf0);
	(pc) =	sbr.rel @p0 .LBB2_36-.Ltmp23, $2  }
0x204: {  	(v2sf) =	vpush v15, $0xF;
	_ =	sdelay $0x3  }
0x205: {  	s14 =	sadd.s32 $0x10, s14;
	vm0 =	vge.s32 v14, v13;
	s12 =	spop (v2sf)  }
0x206: {  	_ = 	snop  }
.LBB2_38:
0x207: {  	v13 =	vsel vm0, $0x1, v0  }
0x208: {  	(xrf0) =	vadd.scan.msk.s32 $0xffff, v13;
	_ =	sdelay $0x2  }
0x209: {  	v13, _, _ =	vpop @p1 (xrf0)  }
0x20a: {  	(v2sf) =	vpush @p1 v13, $0xF;
	_ =	sdelay $0x1  }
0x20b: {  	v13, _, _ =	vpop (xrf0)  }
0x20c: {  	(v2sf) =	vpush v13, $0xF;
	_ =	sdelay $0x6  }
0x20d: {  	s13 =	spop @p3 (v2sf);
	s10 =	sadd.s32 @p4 s10, s12;
	s12 =	simm.s32 $0x0  }
0x20e: {  	s13 =	smov.u32 @p3 s13;
	s12 =	smov.u32 @p4 s10  }
0x20f: {  	s10 =	sadd.s32 @p3 s12, s13;
	s13 =	simm.s32 $0x0;
	s12 =	spop @p2 (v2sf)  }
0x210: {  	s13 =	smov.u32 @p3 s10;
	s12 =	smov.u32 @p2 s12  }
0x211: {  	s10 =	sadd.s32 @p2 s13, s12  }
.Ltmp24:
0x212: {  	s13 =	simm.s32 $0x0;
	s12 =	spop @p1 (v2sf);
	(pc) =	sbr.rel .LBB2_39-.Ltmp24, $4  }
0x213: {  	s13 =	smov.u32 @p2 s10;
	s12 =	smov.u32 @p1 s12  }
0x214: {  	s10 =	sadd.s32 @p1 s13, s12  }
0x215: {  	s9 =	smov.u32 @p1 s10;
	s31 =	spop (v2sf)  }
0x216: {  	s9 =	sadd.s32 s9, s31  }
.LBB2_27:
.Ltmp25:
0x217: {  	(pc) =	sbr.rel .LBB2_38-.Ltmp25, $2  }
0x218: {  	_ =	sdelay $0x2  }
0x219: {  	s10 =	simm.s32 $0x0  }
.LBB2_29:
.Ltmp26:
0x21a: {  	(pc) =	sbr.rel .LBB2_38-.Ltmp26, $2  }
0x21b: {  	_ =	sdelay $0x2  }
0x21c: {  	s10 =	simm.s32 $0x0  }
.LBB2_31:
.Ltmp27:
0x21d: {  	(pc) =	sbr.rel .LBB2_38-.Ltmp27, $2  }
0x21e: {  	_ =	sdelay $0x2  }
0x21f: {  	s10 =	simm.s32 $0x0  }
.LBB2_33:
.Ltmp28:
0x220: {  	(pc) =	sbr.rel .LBB2_38-.Ltmp28, $2  }
0x221: {  	_ =	sdelay $0x2  }
0x222: {  	s10 =	simm.s32 $0x0  }
.LBB2_35:
.Ltmp29:
0x223: {  	(pc) =	sbr.rel .LBB2_38-.Ltmp29, $2  }
0x224: {  	_ =	sdelay $0x2  }
0x225: {  	s10 =	simm.s32 $0x0  }
.LBB2_19:
0x226: {  	s9 =	smov.u32 s28  }
.LBB2_20:
.Ltmp30:
0x227: {  	(pc) =	sbr.rel @p6 .LBB2_48-.Ltmp30, $2  }
0x228: {  	_ =	sdelay $0x2  }
0x229: {  	s5 =	simm.f32 $0.0e+00  }
0x22a: {  	p0 =	sne.s32 s2, $0x1  }
.Ltmp31:
0x22b: {  	_ = 	snop;
	(pc) =	sbr.rel @!p0 .LBB2_22-.Ltmp31, $4  }
0x22c: {  	_ = 	snop  }
0x22d: {  	s29 =	simm.s32 $0x5460  }
0x22e: {  	v13 =	vmov s9;
	s8 =	simm.s32 $0x5C60;
	s28 =	simm.s32 $0x6060;
	s9 =	sadd.s32 $0xFFFFFFFF, s2  }
0x22f: {  	p1 =	por $0x0, $0x0;
	p2 =	por $0x0, $0x0;
	p3 =	por $0x0, $0x0  }
0x230: {  	p0 =	sne.s32 s9, $0x1  }
.Ltmp32:
0x231: {  	_ = 	snop;
	(pc) =	sbr.rel @!p0 .LBB2_41-.Ltmp32, $2  }
0x232: {  	_ =	sdelay $0x2  }
0x233: {  	s9 =	sadd.s32 $0xFFFFFFFF, s9;
	p1 =	por $0x1, $0x1  }
0x234: {  	v14 =	vld [tilespmem:s29+$0x0];
	_ =	sdelay $0x3  }
0x235: {  	p0 =	sne.s32 s9, $0x1  }
.Ltmp33:
0x236: {  	v14 =	vsub.f32 v14, v11;
	(pc) =	sbr.rel @!p0 .LBB2_43-.Ltmp33, $3  }
0x237: {  	_ = 	snop  }
0x238: {  	v14 =	vmul.f32 $1.442695020e+00, v14;
	_ =	sdelay $0x1  }
0x239: {  	s9 =	sadd.s32 $0xFFFFFFFF, s9;
	p2 =	por $0x1, $0x1;
	(erf) = vpow2.f32 v14;
	v14 =	vld [tilespmem:s8+$0x0]  }
0x23a: {  	_ =	sdelay $0x7  }
0x23b: {  	vm0 =	vlt.s32 v14, v13;
	v15 =	vpop (erf)  }
0x23c: {  	v15 =	vsel vm0, $0x0, v15  }
0x23d: {  	s10 =	simm.s32 $0x5470;
	(xrf2) =	vadd.scan.msk.f32 $0xffff, v15;
	[tilespmem:s28+$0x0] =	vst v15  }
0x23e: {  	v15 =	vld [tilespmem:s10+$0x0];
	_ =	sdelay $0x4  }
0x23f: {  	v15 =	vsub.f32 v15, v11;
	_ =	sdelay $0x1  }
0x240: {  	v15 =	vmul.f32 $1.442695020e+00, v15;
	_ =	sdelay $0x1  }
0x241: {  	v16, _, _ =	vpop (xrf2);
	(erf) = vpow2.f32 v15  }
0x242: {  	p0 =	sne.s32 s9, $0x1;
	(v2sf) =	vpush v16, $0xF  }
.Ltmp34:
0x243: {  	_ = 	snop;
	(pc) =	sbr.rel @!p0 .LBB2_45-.Ltmp34, $4  }
0x244: {  	s12 =	simm.s32 $0x5C70  }
0x245: {  	v15 =	vld [tilespmem:s12+$0x0]  }
0x246: {  	s14 =	sadd.s32 $0xFFFFFFFF, s9  }
0x247: {  	p3 =	por $0x1, $0x1;
	s13 =	simm.s32 $0x6060;
	s9 =	simm.f32 $0.0e+00  }
.LBB2_46:
0x248: {  	p4 =	sne.s32 s14, $0x1;
	_ =	sdelay $0x1  }
0x249: {  	vm0 =	vlt.s32 v15, v13;
	v15 =	vpop (erf)  }
0x24a: {  	s13 =	sadd.s32 $0x10, s13;
	v15 =	vsel vm0, $0x0, v15  }
0x24b: {  	s10 =	sadd.s32 $0x10, s10;
	[tilespmem:s13+$0x0] =	vst v15;
	(xrf2) =	vadd.scan.msk.f32 $0xffff, v15  }
0x24c: {  	v15 =	vld [tilespmem:s10+$0x0];
	_ =	sdelay $0x3  }
0x24d: {  	s30 =	spop (v2sf)  }
0x24e: {  	v15 =	vsub.f32 v15, v11;
	s9 =	sadd.f32 s30, s9;
	_ =	sdelay $0x1  }
0x24f: {  	v16 =	vmul.f32 $1.442695020e+00, v15;
	_ =	sdelay $0x1  }
0x250: {  	(erf) = vpow2.f32 v16;
	v15, _, _ =	vpop (xrf2)  }
0x251: {  	(v2sf) =	vpush v15, $0xF  }
.Ltmp35:
0x252: {  	(pc) =	sbr.rel @p4 .LBB2_46-.Ltmp35, $3  }
0x253: {  	s12 =	sadd.s32 $0x10, s12  }
0x254: {  	v15 =	vld [tilespmem:s12+$0x0];
	_ =	sdelay $0x1  }
0x255: {  	s14 =	sadd.s32 $0xFFFFFFFF, s14  }
.LBB2_47:
0x256: {  	_ =	sdelay $0x1  }
0x257: {  	s13 =	sadd.s32 @p3 $0x10, s13;
	s14 =	simm.s32 $0x6060;
	vm0 =	vlt.s32 @p2 v15, v13;
	v15 =	vpop @p2 (erf)  }
0x258: {  	s10 =	sadd.s32 @p2 $0x10, s10;
	s14 =	smov.u32 @p3 s13;
	s13 =	simm.s32 $0x5460;
	v15 =	vsel @p2 vm0, $0x0, v15  }
0x259: {  	s13 =	smov.u32 @p2 s10;
	[tilespmem:s14+$0x0] =	vst @p2 v15  }
0x25a: {  	v16 =	vld @p1 [tilespmem:s13+$0x0];
	_ =	sdelay $0x4  }
0x25b: {  	v16 =	vsub.f32 @p1 v16, v11;
	_ =	sdelay $0x1  }
0x25c: {  	v16 =	vmul.f32 @p1 $1.442695020e+00, v16  }
0x25d: {  	s10 =	sadd.s32 @p2 $0x10, s12;
	s12 =	simm.s32 $0x5C60  }
0x25e: {  	s12 =	smov.u32 @p2 s10;
	(erf) = vpow2.f32 @p1 v16  }
0x25f: {  	v16 =	vld @p1 [tilespmem:s12+$0x0];
	_ =	sdelay $0x4  }
0x260: {  	v14 =	vpsel p1, v16, v14;
	_ =	sdelay $0x2  }
0x261: {  	s10 =	sadd.s32 @p2 $0x10, s14;
	s14 =	simm.s32 $0x6060;
	vm0 =	vlt.s32 @p1 v14, v13;
	v14 =	vpop @p1 (erf)  }
0x262: {  	s14 =	smov.u32 @p2 s10;
	s10 =	sadd.s32 @p1 $0x10, s13;
	v14 =	vsel @p1 vm0, $0x0, v14  }
0x263: {  	s29 =	smov.u32 @p1 s10;
	[tilespmem:s14+$0x0] =	vst @p1 v14  }
0x264: {  	v62 =	vld [tilespmem:s29+$0x0];
	_ =	sdelay $0x4  }
0x265: {  	v16 =	vsub.f32 v62, v11;
	_ =	sdelay $0x1  }
0x266: {  	v16 =	vmul.f32 $1.442695020e+00, v16;
	_ =	sdelay $0x1  }
0x267: {  	(erf) = vpow2.f32 v16;
	_ =	sdelay $0x1  }
0x268: {  	s10 =	sadd.s32 @p1 $0x10, s12  }
0x269: {  	s8 =	smov.u32 @p1 s10  }
0x26a: {  	v63 =	vld [tilespmem:s8+$0x0]  }
0x26b: {  	(xrf2) =	vadd.scan.msk.f32 @p2 $0xffff, v15;
	_ =	sdelay $0x2  }
0x26c: {  	(xrf2) =	vadd.scan.msk.f32 @p1 $0xffff, v14  }
0x26d: {  	vm15 =	vlt.s32 v63, v13;
	v13 =	vpop (erf)  }
0x26e: {  	v13 =	vsel vm15, $0x0, v13  }
0x26f: {  	(xrf2) =	vadd.scan.msk.f32 $0xffff, v13;
	_ =	sdelay $0x3  }
0x270: {  	v14, _, _ =	vpop @p2 (xrf2)  }
0x271: {  	(v2sf) =	vpush @p2 v14, $0xF;
	_ =	sdelay $0x1  }
0x272: {  	v14, _, _ =	vpop @p1 (xrf2)  }
0x273: {  	(v2sf) =	vpush @p1 v14, $0xF;
	_ =	sdelay $0x1  }
0x274: {  	v14, _, _ =	vpop (xrf2)  }
0x275: {  	(v2sf) =	vpush v14, $0xF;
	_ =	sdelay $0x5  }
0x276: {  	s8 =	spop @p3 (v2sf)  }
0x277: {  	s8 =	sadd.f32 @p3 s8, s9  }
0x278: {  	s9 =	simm.f32 $0.0e+00  }
0x279: {  	s9 =	smov.u32 @p3 s8;
	s10 =	spop @p2 (v2sf)  }
0x27a: {  	s8 =	sadd.f32 @p2 s10, s9  }
0x27b: {  	s9 =	simm.f32 $0.0e+00  }
0x27c: {  	s9 =	smov.u32 @p2 s8;
	s10 =	spop @p1 (v2sf)  }
0x27d: {  	s9 =	sadd.f32 @p1 s10, s9  }
0x27e: {  	s8 =	sadd.s32 @p1 $0x10, s14  }
0x27f: {  	s28 =	smov.u32 @p1 s8;
	s5 =	smov.u32 @p1 s9;
	s31 =	spop (v2sf)  }
0x280: {  	[tilespmem:s28+$0x0] =	vst v13;
	s5 =	sadd.f32 s31, s5  }
.LBB2_48:
.Ltmp36:
0x281: {  	(pc) =	sbr.rel .LBB2_49-.Ltmp36, $4  }
0x282: {  	_ = 	snop  }
0x283: {  	s3 =	smul.f32 s5, s3;
	s5 =	simm.s32 @!p6 $0x0  }
0x284: {  	s28 =	simm.s32 $0x0;
	s5 =	simm.s32 @p6 $0x1  }
0x285: {  	s8 =	simm.s32 $0x3F800001;
	p2 =	sgt.f32 s3, $0.0e+00;
	[smem:$0x7FD] =	sst s5  }
.LBB2_65:
0x286: {  	_ = 	snop  }
0x287: {  	s8 =	smov.u32 @p2 s29;
	s29 =	smov.u32 @p2 s28  }
0x288: {  	s5 =	ssub.s32 s8, s29  }
0x289: {  	p0 =	sgt.s32 s5, $0x1  }
.Ltmp37:
0x28a: {  	_ = 	snop;
	(pc) =	sbr.rel @!p0 .LBB2_66-.Ltmp37, $2  }
0x28b: {  	_ =	sdelay $0x2  }
0x28c: {  	s28 =	smov.u32 s29  }
.LBB2_49:
.Ltmp38:
0x28d: {  	(pc) =	sbr.rel @p6 .LBB2_65-.Ltmp38, $4  }
0x28e: {  	_ = 	snop  }
0x28f: {  	s5 =	sxor.u32 s8, s28  }
0x290: {  	s9 =	sand.u32 s8, s28;
	s5 =	sshra.s32 s5, $0x1  }
0x291: {  	s29 =	sadd.s32 s5, s9  }
0x292: {  	s5 =	simm.s32 $0x6060  }
0x293: {  	p1 =	sne.s32 s2, $0x1;
	v13 =	vld [tilespmem:s5+$0x0]  }
.Ltmp39:
0x294: {  	_ = 	snop;
	(pc) =	sbr.rel @!p1 .LBB2_51-.Ltmp39, $4  }
0x295: {  	_ = 	snop  }
0x296: {  	s9 =	simm.f32 $0.0e+00  }
0x297: {  	v14 =	vmov s29;
	s10 =	simm.s32 $0x6070;
	p3 =	por $0x0, $0x0;
	p4 =	por $0x0, $0x0  }
0x298: {  	p5 =	por $0x0, $0x0;
	p6 =	por $0x0, $0x0;
	s5 =	sadd.s32 $0xFFFFFFFF, s2;
	vm0 =	vlt.s32 v14, v13  }
0x299: {  	v15 =	vld [tilespmem:s10+$0x0];
	p0 =	sne.s32 s5, $0x1  }
.Ltmp40:
0x29a: {  	_ = 	snop;
	(pc) =	sbr.rel @!p0 .LBB2_53-.Ltmp40, $3  }
0x29b: {  	_ =	sdelay $0x1  }
0x29c: {  	v13 =	vnsel vm0, $0x0, v13  }
0x29d: {  	s10 =	sadd.s32 $0xFFFFFFFF, s5;
	s12 =	simm.s32 $0x6080;
	p3 =	por $0x1, $0x1;
	(xrf2) =	vadd.scan.msk.f32 $0xffff, v13;
	vm0 =	vlt.s32 v14, v15  }
0x29e: {  	_ =	sdelay $0x3  }
0x29f: {  	v13 =	vld [tilespmem:s12+$0x0];
	p0 =	sne.s32 s10, $0x1  }
.Ltmp41:
0x2a0: {  	_ = 	snop;
	(pc) =	sbr.rel @!p0 .LBB2_55-.Ltmp41, $3  }
0x2a1: {  	_ =	sdelay $0x1  }
0x2a2: {  	v15 =	vnsel vm0, $0x0, v15  }
0x2a3: {  	s10 =	sadd.s32 $0xFFFFFFFF, s10;
	s12 =	simm.s32 $0x6090;
	p4 =	por $0x1, $0x1;
	(xrf2) =	vadd.scan.msk.f32 $0xffff, v15;
	vm0 =	vlt.s32 v14, v13;
	v16, _, _ =	vpop (xrf2)  }
0x2a4: {  	(v2sf) =	vpush v16, $0xF;
	_ =	sdelay $0x5  }
0x2a5: {  	v17 =	vld [tilespmem:s12+$0x0];
	p0 =	sne.s32 s10, $0x1  }
.Ltmp42:
0x2a6: {  	_ = 	snop;
	(pc) =	sbr.rel @!p0 .LBB2_57-.Ltmp42, $3  }
0x2a7: {  	_ =	sdelay $0x1  }
0x2a8: {  	v13 =	vnsel vm0, $0x0, v13  }
0x2a9: {  	s10 =	sadd.s32 $0xFFFFFFFF, s10;
	s12 =	simm.s32 $0x60A0;
	p5 =	por $0x1, $0x1;
	(xrf2) =	vadd.scan.msk.f32 $0xffff, v13;
	vm0 =	vlt.s32 v14, v17;
	v15, _, _ =	vpop (xrf2)  }
0x2aa: {  	(v2sf) =	vpush v15, $0xF;
	_ =	sdelay $0x3  }
0x2ab: {  	v13 =	vld [tilespmem:s12+$0x0];
	p0 =	sne.s32 s10, $0x1;
	v16 =	vnsel vm0, $0x0, v17  }
.Ltmp43:
0x2ac: {  	(xrf2) =	vadd.scan.msk.f32 $0xffff, v16;
	(pc) =	sbr.rel @!p0 .LBB2_59-.Ltmp43, $3  }
0x2ad: {  	_ =	sdelay $0x1  }
0x2ae: {  	s12 =	sadd.s32 $0xFFFFFFFF, s10  }
0x2af: {  	s13 =	simm.s32 $0x60B0;
	p6 =	por $0x1, $0x1;
	s10 =	simm.f32 $0.0e+00;
	vm0 =	vlt.s32 v14, v13;
	v16, _, _ =	vpop (xrf2)  }
.LBB2_60:
0x2b0: {  	p0 =	sne.s32 s12, $0x1;
	s12 =	sadd.s32 $0xFFFFFFFF, s12;
	v17 =	vnsel vm0, $0x0, v13;
	v13 =	vld [tilespmem:s13+$0x0];
	(v2sf) =	vpush v16, $0xF  }
.Ltmp44:
0x2b1: {  	(xrf2) =	vadd.scan.msk.f32 $0xffff, v17;
	(pc) =	sbr.rel @p0 .LBB2_60-.Ltmp44, $4  }
0x2b2: {  	_ = 	snop  }
0x2b3: {  	s14 =	spop (v2sf)  }
0x2b4: {  	s10 =	sadd.f32 s14, s10  }
0x2b5: {  	s13 =	sadd.s32 $0x10, s13;
	vm0 =	vlt.s32 v14, v13;
	v16, _, _ =	vpop (xrf2)  }
0x2b6: {  	_ = 	snop  }
.LBB2_62:
0x2b7: {  	v13 =	vnsel vm0, $0x0, v13  }
0x2b8: {  	(xrf2) =	vadd.scan.msk.f32 $0xffff, v13;
	_ =	sdelay $0x4  }
0x2b9: {  	(v2sf) =	vpush @p4 v16, $0xF  }
0x2ba: {  	v13, _, _ =	vpop @p3 (xrf2)  }
0x2bb: {  	v13 =	vpsel p3, v13, v15  }
0x2bc: {  	(v2sf) =	vpush @p3 v13, $0xF;
	_ =	sdelay $0x1  }
0x2bd: {  	v13, _, _ =	vpop (xrf2)  }
0x2be: {  	(v2sf) =	vpush v13, $0xF;
	_ =	sdelay $0x2  }
0x2bf: {  	s12 =	spop @p6 (v2sf)  }
0x2c0: {  	s10 =	sadd.f32 @p6 s12, s10  }
0x2c1: {  	s12 =	simm.f32 $0.0e+00  }
0x2c2: {  	s12 =	smov.u32 @p6 s10;
	s10 =	spop @p5 (v2sf)  }
0x2c3: {  	s10 =	sadd.f32 @p5 s10, s12  }
0x2c4: {  	s12 =	simm.f32 $0.0e+00  }
0x2c5: {  	s12 =	smov.u32 @p5 s10;
	s10 =	spop @p4 (v2sf)  }
0x2c6: {  	s10 =	sadd.f32 @p4 s10, s12  }
0x2c7: {  	s12 =	simm.f32 $0.0e+00  }
0x2c8: {  	s12 =	smov.u32 @p4 s10;
	s10 =	spop @p3 (v2sf)  }
0x2c9: {  	s10 =	sadd.f32 @p3 s10, s12;
	_ =	sdelay $0x1  }
0x2ca: {  	s9 =	smov.u32 @p3 s10;
	s15 =	spop (v2sf)  }
0x2cb: {  	s9 =	sadd.f32 s15, s9;
	_ =	sdelay $0x1  }
0x2cc: {  	p0 =	slt.f32 s9, s3  }
0x2cd: {  	s9 =	smov.u32 s29  }
0x2ce: {  	s9 =	smov.u32 @p0 s28;
	s8 =	smov.u32 @p0 s29  }
0x2cf: {  	s30 =	ssub.s32 s8, s9  }
0x2d0: {  	p0 =	sgt.s32 s30, $0x1  }
.Ltmp45:
0x2d1: {  	_ = 	snop;
	(pc) =	sbr.rel @p0 .LBB2_49-.Ltmp45, $4  }
.Ltmp46:
0x2d2: {  	s31 =	sld [smem:$0x7FD];
	(pc) =	sbr.rel @!p0 .LBB2_63-.Ltmp46, $4  }
0x2d3: {  	_ = 	snop  }
0x2d4: {  	_ = 	snop  }
0x2d5: {  	p6 =	seq.s32 s31, $0x1;
	s28 =	smov.u32 s9  }
0x2d6: {  	_ = 	snop  }
.LBB2_51:
.Ltmp47:
0x2d7: {  	(pc) =	sbr.rel .LBB2_62-.Ltmp47, $2  }
0x2d8: {  	_ =	sdelay $0x2  }
0x2d9: {  	s10 =	simm.f32 $0.0e+00  }
.LBB2_53:
.Ltmp48:
0x2da: {  	(pc) =	sbr.rel .LBB2_62-.Ltmp48, $2  }
0x2db: {  	_ =	sdelay $0x2  }
0x2dc: {  	v13 =	vmov v15;
	s10 =	simm.f32 $0.0e+00  }
.LBB2_55:
.Ltmp49:
0x2dd: {  	(pc) =	sbr.rel .LBB2_62-.Ltmp49, $2  }
0x2de: {  	_ =	sdelay $0x2  }
0x2df: {  	s10 =	simm.f32 $0.0e+00  }
.LBB2_57:
.Ltmp50:
0x2e0: {  	(pc) =	sbr.rel .LBB2_62-.Ltmp50, $2  }
0x2e1: {  	_ =	sdelay $0x2  }
0x2e2: {  	v13 =	vmov v17;
	v16 =	vmov v15;
	s10 =	simm.f32 $0.0e+00  }
.LBB2_59:
.Ltmp51:
0x2e3: {  	(pc) =	sbr.rel .LBB2_62-.Ltmp51, $2  }
0x2e4: {  	_ =	sdelay $0x2  }
0x2e5: {  	s10 =	simm.f32 $0.0e+00  }
.LBB2_63:
0x2e6: {  	p0 =	slt.s32 s8, $0x3F800000;
	s9 =	simm.s32 $0x6060  }
0x2e7: {  	s8 =	simm.s32 @!p0 $0x3F800000;
	v14 =	vld [tilespmem:s9+$0x0];
	p0 =	seq.s32 s2, $0x1  }
.Ltmp52:
0x2e8: {  	_ = 	snop;
	(pc) =	sbr.rel @p0 .LBB2_64-.Ltmp52, $3  }
0x2e9: {  	_ =	sdelay $0x1  }
0x2ea: {  	p2 =	por $0x0, $0x0;
	p3 =	por $0x0, $0x0;
	p4 =	por $0x0, $0x0;
	v13 =	vmov s8  }
0x2eb: {  	p5 =	por $0x0, $0x0;
	s9 =	simm.s32 $0x6070;
	s8 =	simm.s32 $0x7FFFFFFF;
	vm0 =	vlt.s32 v14, v13;
	v14 =	vxor.u32 $0x80000000, v14  }
0x2ec: {  	v15 =	vld [tilespmem:s9+$0x0];
	p0 =	seq.s32 s5, $0x1  }
.Ltmp53:
0x2ed: {  	_ = 	snop;
	(pc) =	sbr.rel @p0 .LBB2_68-.Ltmp53, $3  }
0x2ee: {  	_ =	sdelay $0x1  }
0x2ef: {  	v14 =	vsel vm0, $0xFFFFFFFF, v14  }
0x2f0: {  	s9 =	sadd.s32 $0xFFFFFFFF, s5;
	s10 =	simm.s32 $0x6080;
	p2 =	por $0x1, $0x1;
	(xrf0) =	vmin.scan.msk.u32 $0xffff, v14;
	vm0 =	vlt.s32 v15, v13;
	v14 =	vxor.u32 $0x80000000, v15  }
0x2f1: {  	_ = 	snop  }
0x2f2: {  	v15 =	vld [tilespmem:s10+$0x0];
	p0 =	seq.s32 s9, $0x1  }
.Ltmp54:
0x2f3: {  	_ = 	snop;
	(pc) =	sbr.rel @p0 .LBB2_70-.Ltmp54, $3  }
0x2f4: {  	_ =	sdelay $0x1  }
0x2f5: {  	v14 =	vsel vm0, $0xFFFFFFFF, v14;
	v16, _, _ =	vpop (xrf0)  }
0x2f6: {  	s9 =	sadd.s32 $0xFFFFFFFF, s9;
	s10 =	simm.s32 $0x6090;
	p3 =	por $0x1, $0x1;
	(xrf0) =	vmin.scan.msk.u32 $0xffff, v14;
	vm0 =	vlt.s32 v15, v13;
	v14 =	vxor.u32 $0x80000000, v15;
	(v2sf) =	vpush v16, $0xF  }
0x2f7: {  	_ =	sdelay $0x4  }
0x2f8: {  	v16, _, _ =	vpop (xrf0)  }
0x2f9: {  	(v2sf) =	vpush v16, $0xF;
	_ =	sdelay $0x2  }
0x2fa: {  	v15 =	vld [tilespmem:s10+$0x0];
	p0 =	seq.s32 s9, $0x1  }
.Ltmp55:
0x2fb: {  	_ = 	snop;
	(pc) =	sbr.rel @p0 .LBB2_72-.Ltmp55, $3  }
0x2fc: {  	_ =	sdelay $0x1  }
0x2fd: {  	v14 =	vsel vm0, $0xFFFFFFFF, v14  }
0x2fe: {  	s9 =	sadd.s32 $0xFFFFFFFF, s9;
	s10 =	simm.s32 $0x60A0;
	p4 =	por $0x1, $0x1;
	(xrf0) =	vmin.scan.msk.u32 $0xffff, v14;
	vm0 =	vlt.s32 v15, v13;
	v14 =	vxor.u32 $0x80000000, v15  }
0x2ff: {  	_ =	sdelay $0x4  }
0x300: {  	v16, _, _ =	vpop (xrf0)  }
0x301: {  	(v2sf) =	vpush v16, $0xF;
	_ =	sdelay $0x2  }
0x302: {  	v15 =	vld [tilespmem:s10+$0x0];
	p0 =	seq.s32 s9, $0x1  }
.Ltmp56:
0x303: {  	v14 =	vsel vm0, $0xFFFFFFFF, v14;
	(pc) =	sbr.rel @p0 .LBB2_74-.Ltmp56, $3  }
0x304: {  	(xrf0) =	vmin.scan.msk.u32 $0xffff, v14;
	_ =	sdelay $0x1  }
0x305: {  	s12 =	sadd.s32 $0xFFFFFFFF, s9;
	s13 =	simm.s32 $0x60B0  }
0x306: {  	s10 =	spop (v2sf);
	p5 =	por $0x1, $0x1;
	s9 =	simm.s32 $0x7FFFFFFF;
	vm0 =	vlt.s32 v15, v13;
	v14 =	vxor.u32 $0x80000000, v15  }
.LBB2_75:
0x307: {  	s14 =	smov.u32 s9  }
0x308: {  	p6 =	seq.s32 s12, $0x1;
	s12 =	sadd.s32 $0xFFFFFFFF, s12;
	v16 =	vsel vm0, $0xFFFFFFFF, v14;
	s9 =	sxor.u32 $0x80000000, s10;
	v15 =	vld [tilespmem:s13+$0x0]  }
.Ltmp57:
0x309: {  	p0 =	slt.s32 s14, s9;
	(xrf0) =	vmin.scan.msk.u32 $0xffff, v16;
	v14, _, _ =	vpop (xrf0);
	(pc) =	sbr.rel @!p6 .LBB2_75-.Ltmp57, $2  }
0x30a: {  	s9 =	smov.u32 @p0 s14;
	(v2sf) =	vpush v14, $0xF;
	_ =	sdelay $0x2  }
0x30b: {  	s13 =	sadd.s32 $0x10, s13;
	vm0 =	vlt.s32 v15, v13;
	v14 =	vxor.u32 $0x80000000, v15;
	s10 =	spop (v2sf)  }
0x30c: {  	s12 =	sld [smem:$0x7FD];
	_ =	sdelay $0x2  }
0x30d: {  	p6 =	seq.s32 s12, $0x1  }
.LBB2_77:
0x30e: {  	v13 =	vsel vm0, $0xFFFFFFFF, v14;
	_ =	sdelay $0x1  }
0x30f: {  	(xrf0) =	vmin.scan.msk.u32 $0xffff, v13  }
0x310: {  	v13, _, _ =	vpop @p2 (xrf0)  }
0x311: {  	(v2sf) =	vpush @p2 v13, $0xF;
	_ =	sdelay $0x3  }
0x312: {  	v13, _, _ =	vpop (xrf0)  }
0x313: {  	s10 =	sxor.u32 @p5 $0x80000000, s10;
	(v2sf) =	vpush v13, $0xF  }
0x314: {  	p0 =	slt.s32 @p5 s9, s10  }
0x315: {  	s12 =	spop @p4 (v2sf);
	p0 =	por !p0, !p5  }
0x316: {  	s9 =	smov.u32 @p0 s10;
	s10 =	smov.u32 @p4 s12;
	s12 =	simm.s32 $0x7FFFFFFF  }
0x317: {  	s12 =	smov.u32 @p5 s9;
	s9 =	sxor.u32 @p4 $0x80000000, s10  }
0x318: {  	p0 =	slt.s32 @p4 s12, s9  }
0x319: {  	p0 =	por !p0, !p4;
	s10 =	spop @p3 (v2sf)  }
0x31a: {  	s12 =	smov.u32 @p0 s9;
	s9 =	smov.u32 @p3 s10;
	s10 =	simm.s32 $0x7FFFFFFF  }
0x31b: {  	s10 =	smov.u32 @p4 s12;
	s9 =	sxor.u32 @p3 $0x80000000, s9  }
0x31c: {  	p0 =	slt.s32 @p3 s10, s9  }
0x31d: {  	p0 =	por !p0, !p3;
	s12 =	spop @p2 (v2sf)  }
0x31e: {  	s10 =	smov.u32 @p0 s9;
	s9 =	smov.u32 @p2 s12;
	s12 =	simm.s32 $0x7FFFFFFF  }
0x31f: {  	s12 =	smov.u32 @p3 s10;
	s9 =	sxor.u32 @p2 $0x80000000, s9  }
0x320: {  	p0 =	slt.s32 @p2 s12, s9  }
0x321: {  	s31 =	simm.s32 $0x6060;
	p0 =	por !p0, !p2  }
0x322: {  	v14 =	vld [tilespmem:s31+$0x0];
	s30 =	spop (v2sf);
	s12 =	smov.u32 @p0 s9  }
.Ltmp58:
0x323: {  	s9 =	sxor.u32 $0x80000000, s30;
	s8 =	smov.u32 @p2 s12;
	(pc) =	sbr.rel @!p1 .LBB2_78-.Ltmp58, $4  }
0x324: {  	p0 =	slt.s32 s8, s9  }
0x325: {  	s28 =	simm.f32 $0.0e+00;
	s9 =	smov.u32 @p0 s8  }
0x326: {  	s29 =	simm.s32 $0x0;
	p5 =	por $0x0, $0x0;
	p4 =	por $0x0, $0x0;
	v13 =	vmov s9  }
0x327: {  	p3 =	por $0x0, $0x0;
	p2 =	por $0x0, $0x0;
	s8 =	simm.s32 $0x6070;
	vm1 =	vlt.s32 v13, v14;
	vm0 =	veq.s32 v13, v14  }
0x328: {  	v15 =	vld [tilespmem:s8+$0x0];
	p0 =	sne.s32 s5, $0x1  }
.Ltmp59:
0x329: {  	_ = 	snop;
	(pc) =	sbr.rel @!p0 .LBB2_80-.Ltmp59, $4  }
0x32a: {  	_ = 	snop  }
0x32b: {  	v14 =	vnsel vm1, $0x0, v14  }
0x32c: {  	v16 =	vsel vm0, $0x1, v0;
	(xrf2) =	vadd.scan.msk.f32 $0xffff, v14  }
0x32d: {  	s5 =	sadd.s32 $0xFFFFFFFF, s5;
	s8 =	simm.s32 $0x6080;
	p2 =	por $0x1, $0x1;
	(xrf0) =	vadd.scan.msk.s32 $0xffff, v16;
	vm1 =	vlt.s32 v13, v15;
	vm0 =	veq.s32 v13, v15  }
0x32e: {  	_ =	sdelay $0x1  }
0x32f: {  	v15 =	vnsel vm1, $0x0, v15;
	_ =	sdelay $0x2  }
0x330: {  	(xrf2) =	vadd.scan.msk.f32 $0xffff, v15;
	v15, _, _ =	vpop (xrf0)  }
0x331: {  	(v2sf) =	vpush v15, $0xF;
	_ =	sdelay $0x8  }
0x332: {  	v14 =	vld [tilespmem:s8+$0x0];
	p0 =	sne.s32 s5, $0x1  }
.Ltmp60:
0x333: {  	_ = 	snop;
	(pc) =	sbr.rel @!p0 .LBB2_82-.Ltmp60, $2  }
0x334: {  	v16 =	vsel vm0, $0x1, v0;
	_ =	sdelay $0x2  }
0x335: {  	s5 =	sadd.s32 $0xFFFFFFFF, s5;
	s8 =	simm.s32 $0x6090;
	p3 =	por $0x1, $0x1;
	(xrf0) =	vadd.scan.msk.s32 $0xffff, v16;
	vm1 =	vlt.s32 v13, v14;
	vm0 =	veq.s32 v13, v14;
	v16, _, _ =	vpop (xrf2)  }
0x336: {  	_ =	sdelay $0x1  }
0x337: {  	v14 =	vnsel vm1, $0x0, v14;
	_ =	sdelay $0x1  }
0x338: {  	(v2sf) =	vpush v16, $0xF  }
0x339: {  	(xrf2) =	vadd.scan.msk.f32 $0xffff, v14;
	v14, _, _ =	vpop (xrf0)  }
0x33a: {  	(v2sf) =	vpush v14, $0xF;
	_ =	sdelay $0x3  }
0x33b: {  	v17 =	vld [tilespmem:s8+$0x0];
	p0 =	sne.s32 s5, $0x1  }
.Ltmp61:
0x33c: {  	_ = 	snop;
	(pc) =	sbr.rel @!p0 .LBB2_84-.Ltmp61, $2  }
0x33d: {  	v15 =	vsel vm0, $0x1, v0;
	_ =	sdelay $0x2  }
0x33e: {  	s5 =	sadd.s32 $0xFFFFFFFF, s5;
	s8 =	simm.s32 $0x60A0;
	p4 =	por $0x1, $0x1;
	(xrf0) =	vadd.scan.msk.s32 $0xffff, v15;
	vm1 =	vlt.s32 v13, v17;
	vm0 =	veq.s32 v13, v17;
	v15, _, _ =	vpop (xrf2)  }
0x33f: {  	_ =	sdelay $0x1  }
0x340: {  	v16 =	vnsel vm1, $0x0, v17;
	_ =	sdelay $0x2  }
0x341: {  	(v2sf) =	vpush v15, $0xF;
	(xrf2) =	vadd.scan.msk.f32 $0xffff, v16;
	v16, _, _ =	vpop (xrf0)  }
0x342: {  	(v2sf) =	vpush v16, $0xF;
	_ =	sdelay $0x3  }
0x343: {  	v14 =	vld [tilespmem:s8+$0x0];
	p0 =	sne.s32 s5, $0x1  }
.Ltmp62:
0x344: {  	v17 =	vsel vm0, $0x1, v0;
	(pc) =	sbr.rel @!p0 .LBB2_86-.Ltmp62, $3  }
0x345: {  	(xrf0) =	vadd.scan.msk.s32 $0xffff, v17;
	_ =	sdelay $0x1  }
0x346: {  	s9 =	sadd.s32 $0xFFFFFFFF, s5;
	s10 =	simm.s32 $0x60B0  }
0x347: {  	p5 =	por $0x1, $0x1;
	s5 =	simm.s32 $0x0;
	s8 =	simm.f32 $0.0e+00;
	vm1 =	vlt.s32 v13, v14;
	vm0 =	veq.s32 v13, v14;
	v16, _, _ =	vpop (xrf2)  }
.LBB2_87:
0x348: {  	p1 =	sne.s32 s9, $0x1;
	s9 =	sadd.s32 $0xFFFFFFFF, s9;
	v17 =	vnsel vm1, $0x0, v14;
	v14 =	vld [tilespmem:s10+$0x0];
	v18 =	vsel vm0, $0x1, v0;
	(v2sf) =	vpush v16, $0xF;
	s12 =	spop (v2sf)  }
.Ltmp63:
0x349: {  	(xrf2) =	vadd.scan.msk.f32 $0xffff, v17;
	s5 =	sadd.s32 s5, s12;
	(pc) =	sbr.rel @p1 .LBB2_87-.Ltmp63, $4  }
0x34a: {  	(xrf0) =	vadd.scan.msk.s32 $0xffff, v18;
	v16, _, _ =	vpop (xrf0)  }
0x34b: {  	(v2sf) =	vpush v16, $0xF;
	s12 =	spop (v2sf)  }
0x34c: {  	s8 =	sadd.f32 s12, s8  }
0x34d: {  	s10 =	sadd.s32 $0x10, s10;
	vm1 =	vlt.s32 v13, v14;
	vm0 =	veq.s32 v13, v14;
	v16, _, _ =	vpop (xrf2)  }
0x34e: {  	_ = 	snop  }
.LBB2_89:
0x34f: {  	v14 =	vnsel vm1, $0x0, v14  }
0x350: {  	(xrf2) =	vadd.scan.msk.f32 $0xffff, v14;
	_ =	sdelay $0x1  }
0x351: {  	v14 =	vsel vm0, $0x1, v0  }
0x352: {  	(xrf0) =	vadd.scan.msk.s32 $0xffff, v14  }
0x353: {  	(v2sf) =	vpush @p3 v16, $0xF;
	v16, _, _ =	vpop @p2 (xrf2)  }
0x354: {  	v14, _, _ =	vpop @p2 (xrf0)  }
0x355: {  	(v2sf) =	vpush @p2 v14, $0xF;
	v14 =	vpsel p2, v16, v15;
	_ =	sdelay $0x1  }
0x356: {  	(v2sf) =	vpush @p2 v14, $0xF  }
0x357: {  	v14, _, _ =	vpop (xrf0)  }
0x358: {  	(v2sf) =	vpush v14, $0xF;
	v14, _, _ =	vpop (xrf2)  }
0x359: {  	(v2sf) =	vpush v14, $0xF;
	_ =	sdelay $0x1  }
0x35a: {  	s9 =	spop @p5 (v2sf)  }
0x35b: {  	s10 =	spop @p5 (v2sf)  }
0x35c: {  	s5 =	sadd.s32 @p5 s5, s9;
	s9 =	simm.s32 $0x0;
	s8 =	sadd.f32 @p5 s10, s8  }
0x35d: {  	s10 =	spop @p4 (v2sf);
	s9 =	smov.u32 @p5 s5;
	s5 =	simm.f32 $0.0e+00  }
0x35e: {  	s5 =	smov.u32 @p5 s8;
	s8 =	spop @p4 (v2sf)  }
0x35f: {  	s9 =	sadd.s32 @p4 s9, s10;
	s5 =	sadd.f32 @p4 s8, s5;
	s8 =	simm.s32 $0x0  }
0x360: {  	s8 =	smov.u32 @p4 s9;
	s9 =	simm.f32 $0.0e+00;
	s10 =	spop @p3 (v2sf)  }
0x361: {  	s9 =	smov.u32 @p4 s5;
	s5 =	spop @p3 (v2sf)  }
0x362: {  	s8 =	sadd.s32 @p3 s8, s10;
	s5 =	sadd.f32 @p3 s5, s9;
	s9 =	simm.s32 $0x0  }
0x363: {  	s9 =	smov.u32 @p3 s8;
	s8 =	simm.f32 $0.0e+00;
	s10 =	spop @p2 (v2sf)  }
.Ltmp64:
0x364: {  	s8 =	smov.u32 @p3 s5;
	s5 =	spop @p2 (v2sf);
	(pc) =	sbr.rel .LBB2_90-.Ltmp64, $4  }
0x365: {  	s5 =	sadd.f32 @p2 s5, s8  }
0x366: {  	s9 =	sadd.s32 @p2 s9, s10;
	s30 =	spop (v2sf)  }
0x367: {  	s29 =	smov.u32 @p2 s9;
	s28 =	smov.u32 @p2 s5;
	s31 =	spop (v2sf)  }
0x368: {  	s5 =	sadd.s32 s29, s30;
	s8 =	sadd.f32 s31, s28  }
.LBB2_66:
0x369: {  	s5 =	simm.s32 $0x0;
	s8 =	simm.f32 $0.0e+00;
	v13 =	vimm.s32 $0x7FFFFFFF  }
.LBB2_90:
0x36a: {  	(erf) = vrcp.f32 v13;
	_ =	sdelay $0x7  }
0x36b: {  	s3 =	ssub.f32 s3, s8  }
0x36c: {  	v14 =	vpop (erf)  }
0x36d: {  	v14 =	vmul.f32 s3, v14;
	_ =	sdelay $0x1  }
0x36e: {  	v15 =	vtrunc.f32 v14  }
0x36f: {  	v16 =	vcvt.f32.s32 v15;
	vm0 =	vgt.f32 v14, v15  }
0x370: {  	v14 =	vsel vm0, $0x1, v0  }
0x371: {  	v14 =	vadd.s32 v16, v14  }
0x372: {  	v14 =	vxor.u32 $0x80000000, v14  }
0x373: {  	(xrf0) =	vmax.scan.msk.u32 $0xffff, v14;
	_ =	sdelay $0x5  }
0x374: {  	v14, _, _ =	vpop (xrf0)  }
0x375: {  	(v2sf) =	vpush v14, $0xF;
	_ =	sdelay $0xe  }
0x376: {  	s31 =	spop (v2sf)  }
.Ltmp65:
0x377: {  	s28 =	sxor.u32 $0x80000000, s31;
	(pc) =	sbr.rel .LBB2_91-.Ltmp65, $4  }
0x378: {  	p0 =	sgt.s32 s28, $0x1  }
0x379: {  	s28 =	simm.s32 @!p0 $0x1  }
0x37a: {  	s29 =	simm.s32 $0x20000;
	p2 =	sgt.s32 s5, $0x0;
	p0 =	slt.s32 s5, s28  }
0x37b: {  	s30 =	simm.s32 $0x0;
	s8 =	simm.s32 $0x0;
	s28 =	smov.u32 @p0 s5  }
.LBB2_106:
0x37c: {  	s30 =	sadd.s32 $0x1, s30  }
0x37d: {  	p0 =	seq.s32 s30, $0x11  }
.Ltmp66:
0x37e: {  	_ = 	snop;
	(pc) =	sbr.rel @p0 .LBB2_107-.Ltmp66, $3  }
0x37f: {  	_ =	sdelay $0x1  }
0x380: {  	s29 =	smov.u32 @p2 s31;
	s31 =	smov.u32 @p2 s3  }
0x381: {  	s8 =	smov.u32 s31  }
.LBB2_91:
.Ltmp67:
0x382: {  	(pc) =	sbr.rel @p6 .LBB2_106-.Ltmp67, $3  }
0x383: {  	_ =	sdelay $0x1  }
0x384: {  	s5 =	sadd.s32 s8, s29  }
0x385: {  	s3 =	smov.u32 s8;
	s31 =	sshra.s32 s5, $0x1  }
0x386: {  	p1 =	sne.s32 s2, $0x1  }
.Ltmp68:
0x387: {  	_ = 	snop;
	(pc) =	sbr.rel @!p1 .LBB2_93-.Ltmp68, $4  }
0x388: {  	_ = 	snop  }
0x389: {  	s8 =	simm.s32 $0x0;
	s5 =	simm.s32 $0x6060;
	s10 =	simm.s32 $0x5860  }
0x38a: {  	s9 =	simm.s32 $0x6070;
	p3 =	por $0x0, $0x0;
	p4 =	por $0x0, $0x0;
	v16 =	vld [tilespmem:s5+$0x0]  }
0x38b: {  	v14 =	vmov s31;
	p5 =	por $0x0, $0x0;
	p6 =	por $0x0, $0x0;
	s5 =	sadd.s32 $0xFFFFFFFF, s2;
	v15 =	vld [tilespmem:s10+$0x0]  }
0x38c: {  	_ =	sdelay $0x1  }
0x38d: {  	p0 =	sne.s32 s5, $0x1  }
.Ltmp69:
0x38e: {  	_ = 	snop;
	(pc) =	sbr.rel @!p0 .LBB2_95-.Ltmp69, $4  }
0x38f: {  	vm0 =	veq.s32 v16, v13;
	vm1 =	vge.s32 v15, v14  }
0x390: {  	vm0 =	vmand vm0, vm1  }
0x391: {  	s15 =	simm.s32 $0x5870;
	v16 =	vld [tilespmem:s9+$0x0];
	v17 =	vsel vm0, $0x1, v0  }
0x392: {  	s10 =	simm.s32 $0x6080;
	p3 =	por $0x1, $0x1;
	s9 =	sadd.s32 $0xFFFFFFFF, s5;
	v15 =	vld [tilespmem:s15+$0x0];
	(xrf0) =	vadd.scan.msk.s32 $0xffff, v17  }
0x393: {  	_ =	sdelay $0x4  }
0x394: {  	v18, _, _ =	vpop (xrf0)  }
0x395: {  	(v2sf) =	vpush v18, $0xF;
	_ =	sdelay $0x7  }
0x396: {  	p0 =	sne.s32 s9, $0x1  }
.Ltmp70:
0x397: {  	_ = 	snop;
	(pc) =	sbr.rel @!p0 .LBB2_97-.Ltmp70, $4  }
0x398: {  	vm0 =	veq.s32 v16, v13;
	vm1 =	vge.s32 v15, v14  }
0x399: {  	vm0 =	vmand vm0, vm1  }
0x39a: {  	s15 =	simm.s32 $0x5880;
	v16 =	vld [tilespmem:s10+$0x0];
	v17 =	vsel vm0, $0x1, v0  }
0x39b: {  	s9 =	sadd.s32 $0xFFFFFFFF, s9;
	p4 =	por $0x1, $0x1;
	s10 =	simm.s32 $0x6090;
	v15 =	vld [tilespmem:s15+$0x0];
	(xrf0) =	vadd.scan.msk.s32 $0xffff, v17  }
0x39c: {  	_ =	sdelay $0x4  }
0x39d: {  	v18, _, _ =	vpop (xrf0)  }
0x39e: {  	(v2sf) =	vpush v18, $0xF;
	_ =	sdelay $0x3  }
0x39f: {  	p0 =	sne.s32 s9, $0x1  }
.Ltmp71:
0x3a0: {  	_ = 	snop;
	(pc) =	sbr.rel @!p0 .LBB2_99-.Ltmp71, $4  }
0x3a1: {  	vm0 =	veq.s32 v16, v13;
	vm1 =	vge.s32 v15, v14  }
0x3a2: {  	vm0 =	vmand vm0, vm1  }
0x3a3: {  	s15 =	simm.s32 $0x5890;
	v16 =	vld [tilespmem:s10+$0x0];
	v17 =	vsel vm0, $0x1, v0  }
0x3a4: {  	s9 =	sadd.s32 $0xFFFFFFFF, s9;
	p5 =	por $0x1, $0x1;
	s10 =	simm.s32 $0x60A0;
	v15 =	vld [tilespmem:s15+$0x0];
	(xrf0) =	vadd.scan.msk.s32 $0xffff, v17  }
0x3a5: {  	_ =	sdelay $0x4  }
0x3a6: {  	v18, _, _ =	vpop (xrf0)  }
0x3a7: {  	(v2sf) =	vpush v18, $0xF;
	_ =	sdelay $0x3  }
0x3a8: {  	p0 =	sne.s32 s9, $0x1;
	vm0 =	veq.s32 v16, v13;
	v16 =	vld [tilespmem:s10+$0x0];
	s10 =	simm.s32 $0x58A0;
	vm1 =	vge.s32 v15, v14  }
.Ltmp72:
0x3a9: {  	v15 =	vld [tilespmem:s10+$0x0];
	vm0 =	vmand vm0, vm1;
	(pc) =	sbr.rel @!p0 .LBB2_101-.Ltmp72, $4  }
0x3aa: {  	v17 =	vsel vm0, $0x1, v0  }
0x3ab: {  	(xrf0) =	vadd.scan.msk.s32 $0xffff, v17  }
0x3ac: {  	s12 =	sadd.s32 $0xFFFFFFFF, s9  }
0x3ad: {  	s13 =	simm.s32 $0x60B0;
	p6 =	por $0x1, $0x1;
	s9 =	simm.s32 $0x0  }
.LBB2_102:
0x3ae: {  	vm0 =	veq.s32 v16, v13;
	v16 =	vld [tilespmem:s13+$0x0];
	vm1 =	vge.s32 v15, v14;
	s10 =	sadd.s32 $0x10, s10;
	p0 =	sne.s32 s12, $0x1  }
.Ltmp73:
0x3af: {  	s12 =	sadd.s32 $0xFFFFFFFF, s12;
	v15 =	vld [tilespmem:s10+$0x0];
	vm0 =	vmand vm0, vm1;
	s14 =	spop (v2sf);
	(pc) =	sbr.rel @p0 .LBB2_102-.Ltmp73, $4  }
0x3b0: {  	v18 =	vsel vm0, $0x1, v0;
	s9 =	sadd.s32 s9, s14  }
0x3b1: {  	(xrf0) =	vadd.scan.msk.s32 $0xffff, v18;
	v17, _, _ =	vpop (xrf0)  }
0x3b2: {  	(v2sf) =	vpush v17, $0xF  }
0x3b3: {  	s13 =	sadd.s32 $0x10, s13  }
.LBB2_103:
0x3b4: {  	vm0 =	veq.s32 v16, v13;
	vm1 =	vge.s32 v15, v14  }
0x3b5: {  	vm0 =	vmand vm0, vm1  }
0x3b6: {  	v14 =	vsel vm0, $0x1, v0  }
0x3b7: {  	(xrf0) =	vadd.scan.msk.s32 $0xffff, v14;
	_ =	sdelay $0x3  }
0x3b8: {  	v14, _, _ =	vpop @p3 (xrf0)  }
0x3b9: {  	(v2sf) =	vpush @p3 v14, $0xF  }
0x3ba: {  	v14, _, _ =	vpop (xrf0)  }
0x3bb: {  	(v2sf) =	vpush v14, $0xF;
	_ =	sdelay $0x6  }
0x3bc: {  	s10 =	spop @p6 (v2sf)  }
0x3bd: {  	s9 =	sadd.s32 @p6 s9, s10;
	s10 =	simm.s32 $0x0  }
0x3be: {  	s10 =	smov.u32 @p6 s9;
	s9 =	spop @p5 (v2sf)  }
0x3bf: {  	s9 =	sadd.s32 @p5 s10, s9;
	s10 =	simm.s32 $0x0  }
0x3c0: {  	s10 =	smov.u32 @p5 s9;
	s9 =	spop @p4 (v2sf)  }
0x3c1: {  	s9 =	sadd.s32 @p4 s10, s9;
	s10 =	simm.s32 $0x0  }
0x3c2: {  	s10 =	smov.u32 @p4 s9;
	s9 =	spop @p3 (v2sf)  }
0x3c3: {  	s9 =	sadd.s32 @p3 s10, s9  }
0x3c4: {  	s30 =	sadd.s32 $0x1, s30;
	s8 =	smov.u32 @p3 s9;
	s15 =	spop (v2sf)  }
0x3c5: {  	p3 =	seq.s32 s30, $0x11;
	s8 =	sadd.s32 s8, s15  }
.Ltmp74:
0x3c6: {  	p0 =	slt.s32 s8, s28;
	s8 =	smov.u32 s31;
	(pc) =	sbr.rel @!p3 .LBB2_91-.Ltmp74, $4  }
.Ltmp75:
0x3c7: {  	s29 =	smov.u32 @p0 s31;
	s31 =	sld [smem:$0x7FD];
	(pc) =	sbr.rel @p3 .LBB2_104-.Ltmp75, $4  }
0x3c8: {  	_ = 	snop  }
0x3c9: {  	_ = 	snop  }
0x3ca: {  	s8 =	smov.u32 @p0 s3;
	p6 =	seq.s32 s31, $0x1  }
0x3cb: {  	_ = 	snop  }
.LBB2_93:
.Ltmp76:
0x3cc: {  	(pc) =	sbr.rel .LBB2_103-.Ltmp76, $2  }
0x3cd: {  	_ =	sdelay $0x2  }
0x3ce: {  	s9 =	simm.s32 $0x0  }
.LBB2_95:
.Ltmp77:
0x3cf: {  	(pc) =	sbr.rel .LBB2_103-.Ltmp77, $2  }
0x3d0: {  	_ =	sdelay $0x2  }
0x3d1: {  	s9 =	simm.s32 $0x0  }
.LBB2_97:
.Ltmp78:
0x3d2: {  	(pc) =	sbr.rel .LBB2_103-.Ltmp78, $2  }
0x3d3: {  	_ =	sdelay $0x2  }
0x3d4: {  	s9 =	simm.s32 $0x0  }
.LBB2_99:
.Ltmp79:
0x3d5: {  	(pc) =	sbr.rel .LBB2_103-.Ltmp79, $2  }
0x3d6: {  	_ =	sdelay $0x3  }
0x3d7: {  	s9 =	simm.s32 $0x0  }
.LBB2_101:
.Ltmp80:
0x3d8: {  	(pc) =	sbr.rel .LBB2_103-.Ltmp80, $2  }
0x3d9: {  	_ =	sdelay $0x2  }
0x3da: {  	s9 =	simm.s32 $0x0  }
.LBB2_104:
.Ltmp81:
0x3db: {  	(pc) =	sbr.rel @!p1 .LBB2_105-.Ltmp81, $4  }
0x3dc: {  	s2 =	simm.f32 $0.0e+00  }
0x3dd: {  	s28 =	simm.f32 $+Inf;
	s29 =	simm.s32 $0x0;
	s9 =	simm.s32 $0x6060  }
0x3de: {  	s3 =	simm.s32 $0x5860;
	s30 =	simm.s32 $0x5460;
	p2 =	por $0x0, $0x0;
	v17 =	vld [tilespmem:s9+$0x0]  }
0x3df: {  	v14 =	vmov s8;
	p3 =	por $0x0, $0x0;
	p4 =	por $0x0, $0x0;
	s9 =	simm.s32 $0x6070;
	v18 =	vld [tilespmem:s3+$0x0]  }
0x3e0: {  	_ =	sdelay $0x2  }
0x3e1: {  	v15 =	vld [tilespmem:s30+$0x0];
	p0 =	sne.s32 s5, $0x1  }
.Ltmp82:
0x3e2: {  	vm0 =	veq.s32 v13, v17;
	vm1 =	vge.s32 v18, v14;
	(pc) =	sbr.rel @!p0 .LBB2_109-.Ltmp82, $4  }
0x3e3: {  	vm2 =	vlt.s32 v13, v17;
	vm15 =	vge.f32 v17, v12;
	vm0 =	vmand vm0, vm1  }
0x3e4: {  	vm2 =	vmor vm2, vm0;
	vm0 =	vmand vm15, vm0  }
0x3e5: {  	s3 =	sadd.s32 $0xFFFFFFFF, s5;
	v16 =	vld [tilespmem:s9+$0x0];
	s31 =	simm.s32 $0x5870;
	vm1 =	vmand vm15, vm2;
	v20 =	vsel vm0, $0x1, v0  }
0x3e6: {  	s9 =	simm.s32 $0x6080;
	s30 =	simm.s32 $0x5470;
	p2 =	por $0x1, $0x1;
	v18 =	vld [tilespmem:s31+$0x0];
	v19 =	vnsel vm1, $0x0, v17;
	v15 =	vnsel vm1, $0x7F800000, v15;
	v20 =	vor.u32 $0x80000000, v20  }
0x3e7: {  	_ =	sdelay $0x2  }
0x3e8: {  	v21 =	vld [tilespmem:s30+$0x0];
	p0 =	sne.s32 s3, $0x1  }
.Ltmp83:
0x3e9: {  	vm0 =	veq.s32 v13, v16;
	vm1 =	vge.s32 v18, v14;
	(pc) =	sbr.rel @!p0 .LBB2_111-.Ltmp83, $4  }
0x3ea: {  	vm2 =	vlt.s32 v13, v16;
	vm15 =	vge.f32 v16, v12;
	vm0 =	vmand vm0, vm1  }
0x3eb: {  	(xrf0) =	vmax.scan.msk.u32 $0xffff, v20;
	vm2 =	vmor vm2, vm0;
	vm0 =	vmand vm15, vm0  }
0x3ec: {  	(xrf2) =	vadd.scan.msk.f32 $0xffff, v19;
	s3 =	sadd.s32 $0xFFFFFFFF, s3;
	v17 =	vld [tilespmem:s9+$0x0];
	s31 =	simm.s32 $0x5880;
	vm1 =	vmand vm15, vm2;
	v20 =	vsel vm0, $0x1, v0  }
0x3ed: {  	s9 =	simm.s32 $0x6090;
	s30 =	simm.s32 $0x5480;
	p3 =	por $0x1, $0x1;
	(xrf0) =	vmin.scan.msk.f32 $0xffff, v15;
	v18 =	vld [tilespmem:s31+$0x0];
	v19 =	vnsel vm1, $0x0, v16;
	v15 =	vnsel vm1, $0x7F800000, v21;
	v20 =	vor.u32 $0x80000000, v20  }
0x3ee: {  	_ =	sdelay $0x3  }
0x3ef: {  	vm1 =	vge.s32 v18, v14;
	v18, _, _ =	vpop (xrf0)  }
0x3f0: {  	(v2sf) =	vpush v18, $0xF;
	v18, _, _ =	vpop (xrf0)  }
0x3f1: {  	(v2sf) =	vpush v18, $0xF;
	_ =	sdelay $0x6  }
0x3f2: {  	v16 =	vld [tilespmem:s30+$0x0];
	p0 =	sne.s32 s3, $0x1  }
.Ltmp84:
0x3f3: {  	vm0 =	veq.s32 v13, v17;
	(pc) =	sbr.rel @!p0 .LBB2_113-.Ltmp84, $4  }
0x3f4: {  	vm2 =	vlt.s32 v13, v17;
	vm15 =	vge.f32 v17, v12;
	vm0 =	vmand vm0, vm1  }
0x3f5: {  	(xrf0) =	vmax.scan.msk.u32 $0xffff, v20;
	vm2 =	vmor vm2, vm0;
	vm0 =	vmand vm15, vm0  }
0x3f6: {  	(xrf2) =	vadd.scan.msk.f32 $0xffff, v19;
	s3 =	sadd.s32 $0xFFFFFFFF, s3;
	v21 =	vld [tilespmem:s9+$0x0];
	s31 =	simm.s32 $0x5890;
	vm1 =	vmand vm15, vm2;
	v20 =	vsel vm0, $0x1, v0  }
0x3f7: {  	s9 =	simm.s32 $0x60A0;
	s30 =	simm.s32 $0x5490;
	p4 =	por $0x1, $0x1;
	(xrf0) =	vmin.scan.msk.f32 $0xffff, v15;
	v18 =	vld [tilespmem:s31+$0x0];
	v19 =	vnsel vm1, $0x0, v17;
	v15 =	vnsel vm1, $0x7F800000, v16;
	v20 =	vor.u32 $0x80000000, v20;
	v16, _, _ =	vpop (xrf2)  }
0x3f8: {  	_ =	sdelay $0x3  }
0x3f9: {  	(v2sf) =	vpush v16, $0xF;
	v17, _, _ =	vpop (xrf0)  }
0x3fa: {  	vm2 =	vge.s32 v18, v14;
	(v2sf) =	vpush v17, $0xF;
	v18, _, _ =	vpop (xrf0)  }
0x3fb: {  	(v2sf) =	vpush v18, $0xF;
	_ =	sdelay $0x2  }
0x3fc: {  	v22 =	vld [tilespmem:s30+$0x0];
	p0 =	sne.s32 s3, $0x1  }
.Ltmp85:
0x3fd: {  	vm1 =	veq.s32 v13, v21;
	(pc) =	sbr.rel @!p0 .LBB2_115-.Ltmp85, $4  }
0x3fe: {  	p5 =	por $0x1, $0x1;
	vm0 =	vlt.s32 v13, v21;
	vm15 =	vge.f32 v21, v12;
	vm1 =	vmand vm1, vm2  }
0x3ff: {  	(xrf0) =	vmax.scan.msk.u32 $0xffff, v20;
	v17 =	vld [tilespmem:s9+$0x0];
	s9 =	simm.s32 @!p5 $0x0;
	vm0 =	vmor vm0, vm1;
	vm1 =	vmand vm15, vm1  }
0x400: {  	(xrf2) =	vadd.scan.msk.f32 $0xffff, v19;
	s10 =	sadd.s32 $0xFFFFFFFF, s3;
	s31 =	simm.s32 $0x58A0;
	s9 =	simm.s32 @p5 $0x1;
	vm0 =	vmand vm15, vm0;
	v20 =	vsel vm1, $0x1, v0  }
0x401: {  	s3 =	simm.s32 $0x60B0;
	s30 =	simm.s32 $0x54A0;
	(xrf0) =	vmin.scan.msk.f32 $0xffff, v15;
	v18 =	vld [tilespmem:s31+$0x0];
	[smem:$0x7FC] =	sst s9;
	v19 =	vnsel vm0, $0x0, v21;
	v15 =	vnsel vm0, $0x7F800000, v22;
	v20 =	vor.u32 $0x80000000, v20;
	v21, _, _ =	vpop (xrf2)  }
0x402: {  	_ =	sdelay $0x3  }
0x403: {  	(v2sf) =	vpush v21, $0xF;
	vm2 =	vge.s32 v18, v14;
	v18, _, _ =	vpop (xrf0)  }
0x404: {  	(v2sf) =	vpush v18, $0xF;
	v18, _, _ =	vpop (xrf0)  }
0x405: {  	(v2sf) =	vpush v18, $0xF;
	_ =	sdelay $0x2  }
0x406: {  	v22 =	vld [tilespmem:s30+$0x0];
	p0 =	sne.s32 s10, $0x1  }
.Ltmp86:
0x407: {  	(xrf0) =	vmax.scan.msk.u32 $0xffff, v20;
	vm1 =	veq.s32 v13, v17;
	(pc) =	sbr.rel @!p0 .LBB2_117-.Ltmp86, $4  }
0x408: {  	s13 =	simm.s32 $0x58B0;
	(xrf2) =	vadd.scan.msk.f32 $0xffff, v19;
	v23 =	vld [tilespmem:s3+$0x0];
	vm0 =	vlt.s32 v13, v17;
	vm15 =	vge.f32 v17, v12;
	vm1 =	vmand vm1, vm2  }
0x409: {  	s12 =	sadd.s32 $0xFFFFFFFF, s10;
	s9 =	spop (v2sf);
	s14 =	simm.s32 $0x60C0;
	(xrf0) =	vmin.scan.msk.f32 $0xffff, v15;
	vm0 =	vmor vm0, vm1;
	vm1 =	vmand vm15, vm1;
	v18 =	vld [tilespmem:s13+$0x0]  }
0x40a: {  	s30 =	simm.s32 $0x54B0;
	p6 =	por $0x1, $0x1;
	s3 =	simm.s32 $0x0;
	vm0 =	vmand vm15, vm0;
	v20 =	vsel vm1, $0x1, v0  }
0x40b: {  	s10 =	simm.f32 $0.0e+00;
	s15 =	sxor.u32 $0x80000000, s9;
	s9 =	simm.f32 $+Inf;
	v19 =	vnsel vm0, $0x0, v17;
	v15 =	vnsel vm0, $0x7F800000, v22;
	v20 =	vor.u32 $0x80000000, v20;
	v22, _, _ =	vpop (xrf2)  }
.LBB2_118:
0x40c: {  	s31 =	smov.u32 s3;
	p0 =	sne.s32 s12, $0x1;
	s12 =	sadd.s32 $0xFFFFFFFF, s12  }
0x40d: {  	vm0 =	vlt.s32 v13, v23;
	p5 =	sgt.s32 s3, s15;
	s13 =	sadd.s32 $0x10, s13;
	s3 =	smov.u32 s15;
	v17 =	vld [tilespmem:s30+$0x0];
	(xrf0) =	vmax.scan.msk.u32 $0xffff, v20;
	v20, _, _ =	vpop (xrf0);
	(v2sf) =	vpush v22, $0xF;
	v22 =	vmov v23  }
.Ltmp87:
0x40e: {  	vm2 =	vge.s32 v18, v14;
	s3 =	smov.u32 @p5 s31;
	v23 =	vld [tilespmem:s14+$0x0];
	vm1 =	veq.s32 v13, v22;
	(xrf2) =	vadd.scan.msk.f32 $0xffff, v19;
	(v2sf) =	vpush v20, $0xF;
	s15 =	spop (v2sf);
	(pc) =	sbr.rel @p0 .LBB2_118-.Ltmp87, $4  }
0x40f: {  	v18 =	vld [tilespmem:s13+$0x0];
	vm1 =	vmand vm1, vm2;
	vm2 =	vge.f32 v22, v12;
	(xrf0) =	vmin.scan.msk.f32 $0xffff, v15;
	v15, _, _ =	vpop (xrf0);
	s9 =	smin.f32 s9, s15  }
0x410: {  	vm0 =	vmor vm0, vm1;
	vm1 =	vmand vm2, vm1;
	s15 =	spop (v2sf)  }
0x411: {  	vm0 =	vmand vm2, vm0;
	v20 =	vsel vm1, $0x1, v0;
	(v2sf) =	vpush v15, $0xF;
	s31 =	spop (v2sf);
	s10 =	sadd.f32 s15, s10  }
0x412: {  	s30 =	sadd.s32 $0x10, s30;
	s14 =	sadd.s32 $0x10, s14;
	v19 =	vnsel vm0, $0x0, v22;
	v15 =	vnsel vm0, $0x7F800000, v17;
	v20 =	vor.u32 $0x80000000, v20;
	v22, _, _ =	vpop (xrf2);
	s15 =	sxor.u32 $0x80000000, s31  }
0x413: {  	v17 =	vmov v23  }
.LBB2_120:
0x414: {  	(xrf0) =	vmax.scan.msk.u32 @p2 $0xffff, v20;
	vm0 =	veq.s32 v13, v17;
	vm1 =	vge.s32 v18, v14  }
0x415: {  	v20, _, _ =	vpop @p3 (xrf0);
	(v2sf) =	vpush @p4 v22, $0xF;
	(xrf2) =	vadd.scan.msk.f32 @p2 $0xffff, v19;
	vm15 =	vge.f32 v17, v12;
	s31 =	sld [smem:$0x7FC];
	vm0 =	vmand vm0, vm1  }
0x416: {  	v12 =	vld [tilespmem:s30+$0x0];
	(v2sf) =	vpush @p3 v20, $0xF;
	vm3 =	vmand vm15, vm0  }
0x417: {  	p0 =	sgt.s32 @p6 s3, s15;
	vm2 =	vlt.s32 v13, v17;
	s12 =	spop @p6 (v2sf);
	v14 =	vsel vm3, $0x1, v0  }
0x418: {  	p0 =	por !p0, !p6;
	(xrf0) =	vmin.scan.msk.f32 @p2 $0xffff, v15;
	v13, _, _ =	vpop @p3 (xrf0);
	s13 =	spop @p6 (v2sf);
	vm0 =	vmor vm2, vm0;
	p5 =	seq.s32 s31, $0x1;
	v14 =	vor.u32 $0x80000000, v14  }
0x419: {  	s9 =	smin.f32 @p6 s9, s12;
	v15, _, _ =	vpop @p3 (xrf2);
	s3 =	smov.u32 @p0 s15;
	vm0 =	vmand vm15, vm0;
	s12 =	spop @p5 (v2sf)  }
0x41a: {  	(v2sf) =	vpush @p3 v13, $0xF;
	s10 =	sadd.f32 @p6 s13, s10;
	v15 =	vpsel p3, v15, v21;
	s13 =	simm.s32 $0x0;
	v13 =	vnsel vm0, $0x0, v17;
	s12 =	sxor.u32 @p5 $0x80000000, s12;
	(xrf0) =	vmax.scan.msk.u32 $0xffff, v14  }
0x41b: {  	s13 =	smov.u32 @p6 s3;
	(v2sf) =	vpush @p3 v15, $0xF;
	(xrf2) =	vadd.scan.msk.f32 $0xffff, v13;
	v12 =	vnsel vm0, $0x7F800000, v12;
	s3 =	smov.u32 @p5 s12;
	s12 =	simm.f32 $+Inf;
	v14, _, _ =	vpop @p2 (xrf0)  }
0x41c: {  	s12 =	smov.u32 @p6 s9;
	s9 =	simm.f32 $0.0e+00;
	p0 =	sgt.s32 @p5 s13, s3;
	(v2sf) =	vpush @p2 v14, $0xF  }
0x41d: {  	s9 =	smov.u32 @p6 s10;
	p0 =	por !p0, !p5;
	s10 =	spop @p5 (v2sf)  }
0x41e: {  	(xrf0) =	vmin.scan.msk.f32 $0xffff, v12;
	v12, _, _ =	vpop @p2 (xrf0);
	s13 =	smov.u32 @p0 s3;
	s3 =	spop @p5 (v2sf)  }
0x41f: {  	s10 =	smin.f32 @p5 s12, s10;
	s12 =	spop @p4 (v2sf);
	v13, _, _ =	vpop @p2 (xrf2)  }
0x420: {  	(v2sf) =	vpush @p2 v12, $0xF;
	s3 =	sadd.f32 @p5 s3, s9;
	s9 =	sxor.u32 @p4 $0x80000000, s12;
	v12 =	vpsel p2, v13, v16;
	s12 =	simm.s32 $0x0  }
0x421: {  	v13, _, _ =	vpop (xrf0);
	s12 =	smov.u32 @p5 s13;
	s9 =	smov.u32 @p4 s9;
	s13 =	simm.f32 $+Inf;
	(v2sf) =	vpush @p2 v12, $0xF  }
0x422: {  	s13 =	smov.u32 @p5 s10;
	s10 =	simm.f32 $0.0e+00;
	p0 =	sgt.s32 @p4 s12, s9;
	(v2sf) =	vpush v13, $0xF  }
0x423: {  	s10 =	smov.u32 @p5 s3;
	p0 =	por !p0, !p4;
	s3 =	spop @p4 (v2sf)  }
0x424: {  	v12, _, _ =	vpop (xrf0);
	s12 =	smov.u32 @p0 s9;
	s9 =	spop @p4 (v2sf)  }
0x425: {  	s3 =	smin.f32 @p4 s13, s3;
	(v2sf) =	vpush v12, $0xF;
	v12, _, _ =	vpop (xrf2);
	s13 =	spop @p3 (v2sf)  }
0x426: {  	s9 =	sadd.f32 @p4 s9, s10;
	(v2sf) =	vpush v12, $0xF;
	s10 =	sxor.u32 @p3 $0x80000000, s13;
	s13 =	simm.s32 $0x0  }
0x427: {  	s13 =	smov.u32 @p4 s12;
	s10 =	smov.u32 @p3 s10;
	s12 =	simm.f32 $+Inf  }
0x428: {  	s12 =	smov.u32 @p4 s3;
	s3 =	simm.f32 $0.0e+00;
	p0 =	sgt.s32 @p3 s13, s10  }
0x429: {  	s3 =	smov.u32 @p4 s9;
	p0 =	por !p0, !p3;
	s9 =	spop @p3 (v2sf)  }
0x42a: {  	s13 =	smov.u32 @p0 s10;
	s10 =	spop @p3 (v2sf)  }
0x42b: {  	s30 =	simm.s32 $0x5460;
	s9 =	smin.f32 @p3 s12, s9;
	s12 =	spop @p2 (v2sf)  }
0x42c: {  	s3 =	sadd.f32 @p3 s10, s3;
	s10 =	sxor.u32 @p2 $0x80000000, s12;
	s12 =	simm.s32 $0x0  }
0x42d: {  	s12 =	smov.u32 @p3 s13;
	s10 =	smov.u32 @p2 s10;
	s13 =	simm.f32 $+Inf  }
0x42e: {  	s13 =	smov.u32 @p3 s9;
	s9 =	simm.f32 $0.0e+00;
	p0 =	sgt.s32 @p2 s12, s10  }
0x42f: {  	s9 =	smov.u32 @p3 s3;
	p0 =	por !p0, !p2;
	s3 =	spop @p2 (v2sf)  }
0x430: {  	s12 =	smov.u32 @p0 s10;
	s10 =	spop @p2 (v2sf);
	s3 =	smin.f32 @p2 s13, s3  }
0x431: {  	s31 =	simm.s32 $0x5860;
	s9 =	sadd.f32 @p2 s10, s9;
	s14 =	spop (v2sf)  }
.Ltmp88:
0x432: {  	s29 =	smov.u32 @p2 s12;
	s10 =	sxor.u32 $0x80000000, s14;
	(pc) =	sbr.rel @!p1 .LBB2_121-.Ltmp88, $4  }
0x433: {  	s28 =	smov.u32 @p2 s3;
	s3 =	simm.s32 $0x40000000;
	p0 =	sgt.s32 s29, s10  }
0x434: {  	s15 =	spop (v2sf);
	s2 =	smov.u32 @p2 s9;
	s10 =	smov.u32 @p0 s29  }
0x435: {  	v13 =	vld [tilespmem:s30+$0x0];
	s28 =	smin.f32 s28, s15;
	s29 =	spop (v2sf);
	p0 =	sgt.s32 s10, $0x0  }
0x436: {  	v12 =	vld [tilespmem:s31+$0x0];
	s9 =	simm.s32 $0x5470;
	s2 =	sadd.f32 s29, s2;
	s8 =	simm.s32 @!p0 $0x0  }
0x437: {  	_ = 	snop  }
0x438: {  	p0 =	sne.s32 s5, $0x1  }
.Ltmp89:
0x439: {  	_ = 	snop;
	(pc) =	sbr.rel @!p0 .LBB2_123-.Ltmp89, $4  }
0x43a: {  	_ = 	snop  }
0x43b: {  	vm0 =	veq.f32 v13, v11;
	v12 =	vxor.u32 $0x80000000, v12  }
0x43c: {  	s31 =	simm.s32 $0x5870;
	s5 =	sadd.s32 $0xFFFFFFFF, s5;
	v13 =	vld [tilespmem:s9+$0x0];
	v14 =	vnsel vm0, $0xC0000000, v12  }
0x43d: {  	p1 =	por $0x1, $0x1;
	p5 =	por $0x0, $0x0;
	s9 =	simm.s32 $0x5480;
	v12 =	vld [tilespmem:s31+$0x0];
	(xrf0) =	vmin.scan.msk.u32 $0xffff, v14  }
0x43e: {  	_ =	sdelay $0x4  }
0x43f: {  	v15, _, _ =	vpop (xrf0)  }
0x440: {  	(v2sf) =	vpush v15, $0xF;
	_ =	sdelay $0x7  }
0x441: {  	p0 =	sne.s32 s5, $0x1  }
.Ltmp90:
0x442: {  	_ = 	snop;
	(pc) =	sbr.rel @!p0 .LBB2_125-.Ltmp90, $4  }
0x443: {  	_ = 	snop  }
0x444: {  	vm0 =	veq.f32 v13, v11;
	v12 =	vxor.u32 $0x80000000, v12  }
0x445: {  	s31 =	simm.s32 $0x5880;
	v13 =	vld [tilespmem:s9+$0x0];
	v14 =	vnsel vm0, $0xC0000000, v12  }
0x446: {  	s5 =	sadd.s32 $0xFFFFFFFF, s5;
	p2 =	por $0x1, $0x1;
	s9 =	simm.s32 $0x5490;
	v12 =	vld [tilespmem:s31+$0x0];
	(xrf0) =	vmin.scan.msk.u32 $0xffff, v14  }
0x447: {  	_ =	sdelay $0x4  }
0x448: {  	v15, _, _ =	vpop (xrf0)  }
0x449: {  	(v2sf) =	vpush v15, $0xF;
	_ =	sdelay $0x2  }
0x44a: {  	p0 =	sne.s32 s5, $0x1  }
.Ltmp91:
0x44b: {  	_ = 	snop;
	(pc) =	sbr.rel @!p0 .LBB2_127-.Ltmp91, $4  }
0x44c: {  	_ = 	snop  }
0x44d: {  	vm0 =	veq.f32 v13, v11;
	v12 =	vxor.u32 $0x80000000, v12  }
0x44e: {  	s31 =	simm.s32 $0x5890;
	v13 =	vld [tilespmem:s9+$0x0];
	v14 =	vnsel vm0, $0xC0000000, v12  }
0x44f: {  	s5 =	sadd.s32 $0xFFFFFFFF, s5;
	p3 =	por $0x1, $0x1;
	s9 =	simm.s32 $0x54A0;
	v12 =	vld [tilespmem:s31+$0x0];
	(xrf0) =	vmin.scan.msk.u32 $0xffff, v14  }
0x450: {  	_ =	sdelay $0x4  }
0x451: {  	v15, _, _ =	vpop (xrf0)  }
0x452: {  	(v2sf) =	vpush v15, $0xF;
	_ =	sdelay $0x2  }
0x453: {  	p0 =	sne.s32 s5, $0x1  }
.Ltmp92:
0x454: {  	vm0 =	veq.f32 v13, v11;
	v13 =	vld [tilespmem:s9+$0x0];
	s9 =	simm.s32 $0x58A0;
	v12 =	vxor.u32 $0x80000000, v12;
	(pc) =	sbr.rel @!p0 .LBB2_129-.Ltmp92, $4  }
0x455: {  	v14 =	vnsel vm0, $0xC0000000, v12;
	v12 =	vld [tilespmem:s9+$0x0]  }
0x456: {  	(xrf0) =	vmin.scan.msk.u32 $0xffff, v14  }
0x457: {  	s10 =	sadd.s32 $0xFFFFFFFF, s5  }
0x458: {  	s12 =	simm.s32 $0x54B0;
	p5 =	por $0x1, $0x1;
	s5 =	simm.s32 $0x40000000  }
.LBB2_130:
0x459: {  	s13 =	smov.u32 s5  }
0x45a: {  	vm0 =	veq.f32 v13, v11;
	v16 =	vxor.u32 $0x80000000, v12;
	s9 =	sadd.s32 $0x10, s9;
	p0 =	sne.s32 s10, $0x1;
	v13 =	vld [tilespmem:s12+$0x0];
	s5 =	spop (v2sf)  }
.Ltmp93:
0x45b: {  	s10 =	sadd.s32 $0xFFFFFFFF, s10;
	v15 =	vnsel vm0, $0xC0000000, v16;
	v12 =	vld [tilespmem:s9+$0x0];
	s5 =	sxor.u32 $0x80000000, s5;
	(pc) =	sbr.rel @p0 .LBB2_130-.Ltmp93, $3  }
0x45c: {  	(xrf0) =	vmin.scan.msk.u32 $0xffff, v15;
	v14, _, _ =	vpop (xrf0);
	p4 =	slt.s32 s13, s5  }
0x45d: {  	(v2sf) =	vpush v14, $0xF;
	s5 =	smov.u32 @p4 s13;
	_ =	sdelay $0x1  }
0x45e: {  	s12 =	sadd.s32 $0x10, s12  }
.LBB2_131:
0x45f: {  	vm0 =	veq.f32 v13, v11;
	v11 =	vxor.u32 $0x80000000, v12  }
0x460: {  	v11 =	vnsel vm0, $0xC0000000, v11  }
0x461: {  	(xrf0) =	vmin.scan.msk.u32 $0xffff, v11;
	_ =	sdelay $0x1  }
0x462: {  	v11, _, _ =	vpop @p1 (xrf0)  }
0x463: {  	(v2sf) =	vpush @p1 v11, $0xF;
	_ =	sdelay $0x2  }
0x464: {  	s9 =	spop @p5 (v2sf);
	v11, _, _ =	vpop (xrf0)  }
0x465: {  	s9 =	sxor.u32 @p5 $0x80000000, s9;
	(v2sf) =	vpush v11, $0xF  }
0x466: {  	p0 =	slt.s32 @p5 s5, s9  }
0x467: {  	p0 =	por !p0, !p5  }
0x468: {  	s10 =	spop @p3 (v2sf);
	s5 =	smov.u32 @p0 s9;
	s9 =	simm.s32 $0x40000000  }
0x469: {  	s9 =	smov.u32 @p5 s5;
	s5 =	sxor.u32 @p3 $0x80000000, s10  }
0x46a: {  	p0 =	slt.s32 @p3 s9, s5  }
0x46b: {  	p0 =	por !p0, !p3  }
0x46c: {  	s9 =	smov.u32 @p0 s5;
	s5 =	simm.s32 $0x40000000;
	s10 =	spop @p2 (v2sf)  }
0x46d: {  	s5 =	smov.u32 @p3 s9;
	s9 =	sxor.u32 @p2 $0x80000000, s10  }
0x46e: {  	p0 =	slt.s32 @p2 s5, s9  }
0x46f: {  	p0 =	por !p0, !p2  }
0x470: {  	s5 =	smov.u32 @p0 s9;
	s9 =	simm.s32 $0x40000000;
	s10 =	spop @p1 (v2sf)  }
0x471: {  	s9 =	smov.u32 @p2 s5;
	s5 =	sxor.u32 @p1 $0x80000000, s10  }
0x472: {  	p0 =	slt.s32 @p1 s9, s5  }
.Ltmp94:
0x473: {  	p0 =	por !p0, !p1;
	(pc) =	sbr.rel .LBB2_132-.Ltmp94, $4  }
0x474: {  	s9 =	smov.u32 @p0 s5;
	s31 =	spop (v2sf)  }
0x475: {  	s3 =	smov.u32 @p1 s9;
	s5 =	sxor.u32 $0x80000000, s31  }
0x476: {  	p0 =	slt.s32 s3, s5  }
0x477: {  	s5 =	smov.u32 @p0 s3  }
.LBB2_7:
.Ltmp95:
0x478: {  	(pc) =	sbr.rel .LBB2_10-.Ltmp95, $2  }
0x479: {  	_ =	sdelay $0x2  }
0x47a: {  	_ = 	snop  }
.LBB2_13:
.Ltmp96:
0x47b: {  	(pc) =	sbr.rel .LBB2_17-.Ltmp96, $2  }
0x47c: {  	_ =	sdelay $0x2  }
0x47d: {  	s9 =	simm.s32 $0x5C60  }
.LBB2_22:
.Ltmp97:
0x47e: {  	(pc) =	sbr.rel .LBB2_47-.Ltmp97, $3  }
0x47f: {  	_ =	sdelay $0x1  }
0x480: {  	s13 =	simm.s32 $0x6060  }
0x481: {  	s10 =	simm.s32 $0x5460;
	s9 =	simm.f32 $0.0e+00;
	s12 =	simm.s32 $0x5C60  }
.LBB2_64:
.Ltmp98:
0x482: {  	(pc) =	sbr.rel .LBB2_77-.Ltmp98, $2  }
0x483: {  	_ =	sdelay $0x2  }
0x484: {  	s9 =	simm.s32 $0x7FFFFFFF  }
.LBB2_78:
.Ltmp99:
0x485: {  	(pc) =	sbr.rel .LBB2_89-.Ltmp99, $2  }
0x486: {  	_ =	sdelay $0x2  }
0x487: {  	s5 =	simm.s32 $0x0;
	s8 =	simm.f32 $0.0e+00  }
.LBB2_105:
.Ltmp100:
0x488: {  	(pc) =	sbr.rel .LBB2_120-.Ltmp100, $4  }
0x489: {  	p0 =	por $0x0, $0x0  }
0x48a: {  	s3 =	simm.s32 @!p0 $0x0  }
0x48b: {  	s9 =	simm.f32 $+Inf;
	s10 =	simm.f32 $0.0e+00;
	s3 =	simm.s32 @p0 $0x1  }
0x48c: {  	p6 =	por $0x0, $0x0;
	[smem:$0x7FC] =	sst s3;
	s3 =	simm.s32 $0x0  }
.LBB2_121:
.Ltmp101:
0x48d: {  	(pc) =	sbr.rel .LBB2_131-.Ltmp101, $3  }
0x48e: {  	_ =	sdelay $0x1  }
0x48f: {  	s5 =	simm.s32 $0x40000000;
	p1 =	por $0x0, $0x0  }
0x490: {  	p2 =	por $0x0, $0x0;
	p3 =	por $0x0, $0x0;
	p5 =	por $0x0, $0x0  }
.LBB2_15:
.Ltmp102:
0x491: {  	(pc) =	sbr.rel .LBB2_17-.Ltmp102, $2  }
0x492: {  	_ =	sdelay $0x2  }
0x493: {  	s9 =	simm.s32 $0x5C60  }
.LBB2_41:
.Ltmp103:
0x494: {  	(pc) =	sbr.rel .LBB2_47-.Ltmp103, $3  }
0x495: {  	_ =	sdelay $0x1  }
0x496: {  	s13 =	simm.s32 $0x6060  }
0x497: {  	s10 =	simm.s32 $0x5460;
	s9 =	simm.f32 $0.0e+00;
	s12 =	simm.s32 $0x5C60  }
.LBB2_68:
.Ltmp104:
0x498: {  	(pc) =	sbr.rel .LBB2_77-.Ltmp104, $2  }
0x499: {  	_ =	sdelay $0x2  }
0x49a: {  	s9 =	simm.s32 $0x7FFFFFFF  }
.LBB2_80:
.Ltmp105:
0x49b: {  	(pc) =	sbr.rel .LBB2_89-.Ltmp105, $2  }
0x49c: {  	_ =	sdelay $0x2  }
0x49d: {  	v14 =	vmov v15;
	s5 =	simm.s32 $0x0;
	s8 =	simm.f32 $0.0e+00  }
.LBB2_109:
.Ltmp106:
0x49e: {  	(pc) =	sbr.rel .LBB2_120-.Ltmp106, $4  }
0x49f: {  	p0 =	por $0x0, $0x0  }
0x4a0: {  	s3 =	simm.s32 @!p0 $0x0  }
0x4a1: {  	s9 =	simm.f32 $+Inf;
	s10 =	simm.f32 $0.0e+00;
	s3 =	simm.s32 @p0 $0x1  }
0x4a2: {  	p6 =	por $0x0, $0x0;
	[smem:$0x7FC] =	sst s3;
	s3 =	simm.s32 $0x0;
	v17 =	vmov v16  }
.LBB2_123:
.Ltmp107:
0x4a3: {  	(pc) =	sbr.rel .LBB2_131-.Ltmp107, $2  }
0x4a4: {  	_ =	sdelay $0x2  }
0x4a5: {  	s5 =	simm.s32 $0x40000000;
	p2 =	por $0x0, $0x0;
	p3 =	por $0x0, $0x0  }
.LBB2_43:
.Ltmp108:
0x4a6: {  	_ = 	snop;
	(pc) =	sbr.rel .LBB2_47-.Ltmp108, $3  }
0x4a7: {  	_ =	sdelay $0x1  }
0x4a8: {  	s13 =	simm.s32 $0x6060  }
0x4a9: {  	s10 =	simm.s32 $0x5460;
	s9 =	simm.f32 $0.0e+00;
	s12 =	simm.s32 $0x5C60;
	v15 =	vmov v14  }
.LBB2_70:
.Ltmp109:
0x4aa: {  	(pc) =	sbr.rel .LBB2_77-.Ltmp109, $2  }
0x4ab: {  	_ =	sdelay $0x2  }
0x4ac: {  	s9 =	simm.s32 $0x7FFFFFFF  }
.LBB2_82:
.Ltmp110:
0x4ad: {  	(pc) =	sbr.rel .LBB2_89-.Ltmp110, $2  }
0x4ae: {  	_ =	sdelay $0x2  }
0x4af: {  	s5 =	simm.s32 $0x0;
	s8 =	simm.f32 $0.0e+00  }
.LBB2_111:
.Ltmp111:
0x4b0: {  	(pc) =	sbr.rel .LBB2_120-.Ltmp111, $4  }
0x4b1: {  	p0 =	por $0x0, $0x0  }
0x4b2: {  	s3 =	simm.s32 @!p0 $0x0  }
0x4b3: {  	s9 =	simm.f32 $+Inf;
	s10 =	simm.f32 $0.0e+00;
	s3 =	simm.s32 @p0 $0x1  }
0x4b4: {  	p6 =	por $0x0, $0x0;
	[smem:$0x7FC] =	sst s3;
	s3 =	simm.s32 $0x0  }
.LBB2_125:
.Ltmp112:
0x4b5: {  	(pc) =	sbr.rel .LBB2_131-.Ltmp112, $2  }
0x4b6: {  	_ =	sdelay $0x2  }
0x4b7: {  	s5 =	simm.s32 $0x40000000;
	p3 =	por $0x0, $0x0  }
.LBB2_45:
.Ltmp113:
0x4b8: {  	(pc) =	sbr.rel .LBB2_47-.Ltmp113, $2  }
0x4b9: {  	_ =	sdelay $0x2  }
0x4ba: {  	s13 =	simm.s32 $0x6060;
	s9 =	simm.f32 $0.0e+00  }
.LBB2_72:
.Ltmp114:
0x4bb: {  	(pc) =	sbr.rel .LBB2_77-.Ltmp114, $2  }
0x4bc: {  	_ =	sdelay $0x2  }
0x4bd: {  	s9 =	simm.s32 $0x7FFFFFFF  }
.LBB2_84:
.Ltmp115:
0x4be: {  	(pc) =	sbr.rel .LBB2_89-.Ltmp115, $2  }
0x4bf: {  	_ =	sdelay $0x3  }
0x4c0: {  	v14 =	vmov v17;
	v16 =	vmov v15;
	s5 =	simm.s32 $0x0;
	s8 =	simm.f32 $0.0e+00  }
.LBB2_113:
.Ltmp116:
0x4c1: {  	(pc) =	sbr.rel .LBB2_120-.Ltmp116, $4  }
0x4c2: {  	p0 =	por $0x0, $0x0  }
0x4c3: {  	s3 =	simm.s32 @!p0 $0x0  }
0x4c4: {  	s9 =	simm.f32 $+Inf;
	s10 =	simm.f32 $0.0e+00;
	s3 =	simm.s32 @p0 $0x1  }
0x4c5: {  	v22 =	vmov v16;
	p6 =	por $0x0, $0x0;
	[smem:$0x7FC] =	sst s3;
	s3 =	simm.s32 $0x0;
	v17 =	vmov v21  }
.LBB2_127:
.Ltmp117:
0x4c6: {  	(pc) =	sbr.rel .LBB2_131-.Ltmp117, $2  }
0x4c7: {  	_ =	sdelay $0x3  }
0x4c8: {  	s5 =	simm.s32 $0x40000000  }
.LBB2_74:
.Ltmp118:
0x4c9: {  	(pc) =	sbr.rel .LBB2_77-.Ltmp118, $2  }
0x4ca: {  	s12 =	sld [smem:$0x7FD];
	_ =	sdelay $0x2  }
0x4cb: {  	s9 =	simm.s32 $0x7FFFFFFF;
	p6 =	seq.s32 s12, $0x1  }
.LBB2_86:
.Ltmp119:
0x4cc: {  	(pc) =	sbr.rel .LBB2_89-.Ltmp119, $2  }
0x4cd: {  	_ =	sdelay $0x2  }
0x4ce: {  	s5 =	simm.s32 $0x0;
	s8 =	simm.f32 $0.0e+00  }
.LBB2_115:
.Ltmp120:
0x4cf: {  	(pc) =	sbr.rel .LBB2_120-.Ltmp120, $3  }
0x4d0: {  	_ =	sdelay $0x1  }
0x4d1: {  	s3 =	simm.s32 $0x0;
	_ =	sdelay $0x1  }
0x4d2: {  	v22 =	vmov v21;
	s9 =	simm.f32 $+Inf;
	s10 =	simm.f32 $0.0e+00;
	p6 =	por $0x0, $0x0  }
.LBB2_129:
.Ltmp121:
0x4d3: {  	(pc) =	sbr.rel .LBB2_131-.Ltmp121, $2  }
0x4d4: {  	_ =	sdelay $0x2  }
0x4d5: {  	s5 =	simm.s32 $0x40000000  }
.LBB2_117:
.Ltmp122:
0x4d6: {  	(pc) =	sbr.rel .LBB2_120-.Ltmp122, $2  }
0x4d7: {  	_ =	sdelay $0x2  }
0x4d8: {  	s3 =	simm.s32 $0x0;
	s9 =	simm.f32 $+Inf;
	s10 =	simm.f32 $0.0e+00;
	v17 =	vmov v23  }
.LBB2_134:
0x4d9: {  	_ =	sfence.sel $0x180000  }
0x4da: {  	[bflag:$0x0] =	sbarrier.arrive $0xFFFF  }
0x4db: {  	_ =	strace $0x90000047  }
0x4dc: {  	s0 =	stileid.u32;
	[bflag:$0x2] =	sbarrier.arrive $0xFFFF  }
0x4dd: {  	p0 =	sne.s32 s0, $0x0;
	s0 =	rddreg [dreg:$0x5]  }
0x4de: {  	s0 =	sadd.s32 @!p0 $0x100000, s0  }
0x4df: {  	[sflag:s0] =	ssyncadd.tile.s32 @!p0 $0x1;
	_ =	shalt  }
.Lfunc_end2:
_tile_overlayer_lowered:
.L_overlay_start_2:
0x4e0: {  	(tag) =	ssettag $0x2  }
0x4e1: {  	s0 =	rddreg [dreg:$0x0];
	s2 =	stileid.u32  }
0x4e2: {  	s1 =	rddreg [dreg:$0x1];
	p0 =	sne.s32 s2, $0x0  }
0x4e3: {  	s3 =	rddreg [dreg:$0x2];
	[bflag:$0x3] =	sbarrier.arrive $0xFFFF;
	s2 =	simm.s32 @!p0 $0x1C02  }
0x4e4: {  	[timem:s3], [sflag:s2] =	dma.local @!p0 [hbm:s0], s1  }
0x4e5: {  	s0 =	simm.s32 @!p0 $0x2  }
0x4e6: {  	_ =	swait.ge @!p0 [sflag:s0], s1  }
0x4e7: {  	s1 =	ssub.s32 @!p0 $0x0, s1;
	[sflag:s0] =	ssyncset.done @!p0 $0x0  }
0x4e8: {  	[sflag:s0] =	ssyncadd.s32 @!p0 s1  }
0x4e9: {  	[bflag:$0x3] =	sbarrier.arrive $0xFFFF  }
0x4ea: {  	_ =	shalt  }

</sc_bundles>
